<compile_context>
chip_gen: v7x
topology: tpu7x:2x2x1
jax: 0.10.2.dev20260603
libtpu: 0.0.44.dev20260713+nightly
codegen_flags: <defaults>
</compile_context>

<pallas_src>
import jax
import jax.numpy as jnp
from jax import lax
from jax.experimental import pallas as pl
from jax.experimental.pallas import tpu as pltpu
from jax.experimental.pallas import tpu_sc as plsc

_EPS = 1e-5
_N1 = 10000
_N2 = 2000
_D = 128
_H = 128

_NC = 2
_NS = 16
_K = 2
_BLK = 1024


def _make_sc_agg(n_pad, rows_total):
    cpw = rows_total // (_NC * _NS)
    n_chunks = cpw // _K
    stripe = n_pad // _NS
    zb = stripe // 16

    mesh = plsc.VectorSubcoreMesh(core_axis_name="c", subcore_axis_name="s")

    def body(src_hbm, dst_hbm, table_hbm, agg_out, cnt_out,
             agg_sp, src_v, dst_v, rows_v, zrow_v, cnt_v, sem):
        c = lax.axis_index("c")
        s = lax.axis_index("s")
        w = c * _NS + s

        zero16 = jnp.zeros((16,), jnp.float32)
        one16 = jnp.ones((16,), jnp.float32)
        for i in range(16):
            for j in range(8):
                zrow_v[i, pl.ds(16 * j, 16)] = zero16

        def czero(i, carry):
            cnt_v[pl.ds(i * 16, 16)] = zero16
            return carry

        lax.fori_loop(0, n_pad // 16, czero, 0)

        base = s * stripe

        def zloop(i, carry):
            pltpu.sync_copy(zrow_v, agg_sp.at[pl.ds(base + i * 16, 16)])
            return carry

        lax.fori_loop(0, zb, zloop, 0)
        plsc.subcore_barrier()

        def chunk(i, carry):
            row0 = (w * n_chunks + i) * _K
            pltpu.sync_copy(src_hbm.at[pl.ds(row0, _K)], src_v)
            pltpu.sync_copy(dst_hbm.at[pl.ds(row0, _K)], dst_v)
            cps = [pltpu.async_copy(table_hbm.at[src_v.at[j]], rows_v.at[j],
                                    sem)
                   for j in range(_K)]
            for cp in cps:
                cp.wait()
            for j in range(_K):
                pltpu.sync_copy(rows_v.at[j], agg_sp.at[dst_v.at[j]],
                                add=True)
                for g in range(8):
                    idx16 = dst_v[j, pl.ds(g * 16, 16)]
                    plsc.addupdate_scatter(cnt_v, [idx16], one16)
            return carry

        lax.fori_loop(0, n_chunks, chunk, 0)
        plsc.subcore_barrier()

        pltpu.sync_copy(agg_sp.at[pl.ds(base, stripe)],
                        agg_out.at[c, pl.ds(base, stripe)])
        pltpu.sync_copy(cnt_v, cnt_out.at[c, s])

    return pl.kernel(
        body,
        out_type=[
            jax.ShapeDtypeStruct((_NC, n_pad, _D), jnp.float32),
            jax.ShapeDtypeStruct((_NC, _NS, n_pad), jnp.float32),
        ],
        mesh=mesh,
        scratch_types=[
            pltpu.VMEM_SHARED((n_pad, _D), jnp.float32),
            pltpu.VMEM((_K, 128), jnp.int32),
            pltpu.VMEM((_K, 128), jnp.int32),
            pltpu.VMEM((_K, 128, _D), jnp.float32),
            pltpu.VMEM((16, _D), jnp.float32),
            pltpu.VMEM((n_pad,), jnp.float32),
            pltpu.SemaphoreType.DMA,
        ],
        compiler_params=pltpu.CompilerParams(needs_layout_passes=False),
    )


def _make_tc_pre(n_pad, n_valid):
    nb = n_pad // _BLK

    def body(agg_ref, cnt_ref, xd_ref, wl_ref, bl_ref, wr_ref,
             h_ref, sums_ref, sumsq_ref):
        b = pl.program_id(0)
        agg = agg_ref[0] + agg_ref[1]
        cnt = jnp.sum(cnt_ref[...], axis=(0, 1))[:, None]
        inv = 1.0 / jnp.maximum(cnt, 1.0)
        mean = agg * inv
        h = (jnp.dot(mean, wl_ref[...], preferred_element_type=jnp.float32)
             + jnp.dot(xd_ref[...], wr_ref[...],
                       preferred_element_type=jnp.float32)
             + bl_ref[...])
        h = jnp.maximum(h, 0.0)
        rows = lax.broadcasted_iota(jnp.int32, (_BLK, 1), 0) + b * _BLK
        h = jnp.where(rows < n_valid, h, 0.0)
        h_ref[...] = h
        sums_ref[0] = jnp.sum(h, axis=0, keepdims=True)
        sumsq_ref[0] = jnp.sum(h * h, axis=0, keepdims=True)

    return pl.pallas_call(
        body,
        grid=(nb,),
        in_specs=[
            pl.BlockSpec((_NC, _BLK, _H), lambda b: (0, b, 0)),
            pl.BlockSpec((_NC, _NS, _BLK), lambda b: (0, 0, b)),
            pl.BlockSpec((_BLK, _D), lambda b: (b, 0)),
            pl.BlockSpec((_D, _D), lambda b: (0, 0)),
            pl.BlockSpec((1, _D), lambda b: (0, 0)),
            pl.BlockSpec((_D, _D), lambda b: (0, 0)),
        ],
        out_specs=[
            pl.BlockSpec((_BLK, _D), lambda b: (b, 0)),
            pl.BlockSpec((1, 1, _D), lambda b: (b, 0, 0)),
            pl.BlockSpec((1, 1, _D), lambda b: (b, 0, 0)),
        ],
        out_shape=[
            jax.ShapeDtypeStruct((n_pad, _D), jnp.float32),
            jax.ShapeDtypeStruct((nb, 1, _D), jnp.float32),
            jax.ShapeDtypeStruct((nb, 1, _D), jnp.float32),
        ],
    )


def _make_tc_bn(n_pad, n_valid, blk_out):
    nb_stats = n_pad // _BLK
    nb = n_valid // blk_out
    inv_n = 1.0 / float(n_valid)

    def body(h_ref, sums_ref, sumsq_ref, g_ref, bt_ref, out_ref):
        mu = jnp.sum(sums_ref[:, 0, :], axis=0) * inv_n
        ex2 = jnp.sum(sumsq_ref[:, 0, :], axis=0) * inv_n
        var = ex2 - mu * mu
        scale = g_ref[0] * lax.rsqrt(var + _EPS)
        shift = bt_ref[0] - mu * scale
        out_ref[...] = h_ref[...] * scale + shift

    return pl.pallas_call(
        body,
        grid=(nb,),
        in_specs=[
            pl.BlockSpec((blk_out, _D), lambda b: (b, 0)),
            pl.BlockSpec((nb_stats, 1, _D), lambda b: (0, 0, 0)),
            pl.BlockSpec((nb_stats, 1, _D), lambda b: (0, 0, 0)),
            pl.BlockSpec((1, _D), lambda b: (0, 0)),
            pl.BlockSpec((1, _D), lambda b: (0, 0)),
        ],
        out_specs=pl.BlockSpec((blk_out, _D), lambda b: (b, 0)),
        out_shape=jax.ShapeDtypeStruct((n_valid, _D), jnp.float32),
    )


def _pad_edges(edge_index, rows_total, dummy_dst):
    e = edge_index.shape[1]
    pad = rows_total * 128 - e
    src = jnp.concatenate(
        [edge_index[0].astype(jnp.int32), jnp.zeros((pad,), jnp.int32)])
    dst = jnp.concatenate(
        [edge_index[1].astype(jnp.int32),
         jnp.full((pad,), dummy_dst, jnp.int32)])
    return src.reshape(rows_total, 128), dst.reshape(rows_total, 128)


_EROWS0 = 3968
_EROWS1 = 960
_NPAD0 = 10240
_NPAD1 = 2048

_sc0 = _make_sc_agg(_NPAD0, _EROWS0)
_sc1 = _make_sc_agg(_NPAD1, _EROWS1)
_pre0 = _make_tc_pre(_NPAD0, _N1)
_pre1 = _make_tc_pre(_NPAD1, _N2)
_bn0 = _make_tc_bn(_NPAD0, _N1, 1000)
_bn1 = _make_tc_bn(_NPAD1, _N2, 1000)


def kernel(x, edge_index_l0, edge_index_l1,
           W_l0, b_l0, W_r0, g0, bt0,
           W_l1, b_l1, W_r1, g1, bt1):
    src0, dst0 = _pad_edges(edge_index_l0, _EROWS0, _N1)
    agg0, cnt0 = _sc0(src0, dst0, x)
    hp0, s0, q0 = _pre0(agg0, cnt0, x, W_l0, b_l0.reshape(1, _D), W_r0)
    h0 = _bn0(hp0, s0, q0, g0.reshape(1, _D), bt0.reshape(1, _D))

    src1, dst1 = _pad_edges(edge_index_l1, _EROWS1, _N2)
    agg1, cnt1 = _sc1(src1, dst1, h0)
    hp1, s1, q1 = _pre1(agg1, cnt1, h0, W_l1, b_l1.reshape(1, _D), W_r1)
    return _bn1(hp1, s1, q1, g1.reshape(1, _D), bt1.reshape(1, _D))

# --- scband reference (transcript-rebuilt; emitter-appended) ---
"""Pipeline reference for scband-sage-for-diff-pool-51788715655369 (READ-ONLY COPY).

The authoritative reference and input builder live on the scoring server;
editing this copy changes nothing except your own understanding.
"""

import jax, jax.numpy as jnp
import numpy as np

N0 = 50000
D = 128
H = 128
O = 128
E0 = 500000
N1 = 10000
E1 = 120000
N2 = 2000
EPS = 1e-5


def setup_inputs(seed: int = 0):
    key = jax.random.key(seed)
    ks = jax.random.split(key, 16)
    x = jax.random.normal(ks[0], (N0, D), dtype=jnp.float32)
    edge_index_l0 = jax.random.randint(ks[1], (2, E0), 0, N1, dtype=jnp.int64)
    edge_index_l1 = jax.random.randint(ks[2], (2, E1), 0, N2, dtype=jnp.int64)
    s0 = 1.0 / np.sqrt(D)
    s1 = 1.0 / np.sqrt(H)
    W_l0 = jax.random.uniform(ks[3], (D, H), jnp.float32, -s0, s0)
    b_l0 = jax.random.uniform(ks[4], (H,), jnp.float32, -s0, s0)
    W_r0 = jax.random.uniform(ks[5], (D, H), jnp.float32, -s0, s0)
    g0 = jnp.ones((H,), jnp.float32)
    bt0 = jnp.zeros((H,), jnp.float32)
    W_l1 = jax.random.uniform(ks[6], (H, O), jnp.float32, -s1, s1)
    b_l1 = jax.random.uniform(ks[7], (O,), jnp.float32, -s1, s1)
    W_r1 = jax.random.uniform(ks[8], (H, O), jnp.float32, -s1, s1)
    g1 = jnp.ones((O,), jnp.float32)
    bt1 = jnp.zeros((O,), jnp.float32)
    return {"x": x, "edge_index_l0": edge_index_l0, "edge_index_l1": edge_index_l1,
            "W_l0": W_l0, "b_l0": b_l0, "W_r0": W_r0, "g0": g0, "bt0": bt0,
            "W_l1": W_l1, "b_l1": b_l1, "W_r1": W_r1, "g1": g1, "bt1": bt1}


def _sage_bn_layer(x_src, edge_index, n_dst, W_l, b_l, W_r, gamma, beta):
    # SAGEConv((x, x_target), edge_index): mean-aggregate src msgs onto dst,
    # then lin_l(agg) + lin_r(x_target)
    x_dst = x_src[:n_dst]
    msgs = jnp.take(x_src, edge_index[0], axis=0)
    agg = jax.ops.segment_sum(msgs, edge_index[1], num_segments=n_dst)
    cnt = jax.ops.segment_sum(jnp.ones((edge_index.shape[1],), jnp.float32),
                              edge_index[1], num_segments=n_dst)
    mean = agg / jnp.clip(cnt, 1.0)[:, None]
    h = mean @ W_l + b_l + x_dst @ W_r
    h = jax.nn.relu(h)
    # BatchNorm1d (training mode, batch statistics)
    mu = jnp.mean(h, axis=0)
    var = jnp.var(h, axis=0)
    return (h - mu) / jnp.sqrt(var + EPS) * gamma + beta


def reference(x, edge_index_l0, edge_index_l1,
              W_l0, b_l0, W_r0, g0, bt0,
              W_l1, b_l1, W_r1, g1, bt1):
    h = _sage_bn_layer(x, edge_index_l0, N1, W_l0, b_l0, W_r0, g0, bt0)
    h = _sage_bn_layer(h, edge_index_l1, N2, W_l1, b_l1, W_r1, g1, bt1)
    return h

if __name__ == "__main__":
    import jax
    _d = setup_inputs()
    print(jax.jit(kernel)(*tuple(_d.values())))

</pallas_src>

<mosaic_0001>
#map = affine_map<(d0, d1) -> (0, 0)>
#map1 = affine_map<(d0, d1) -> (0, 0, 0)>
module attributes {stable_mosaic.version = 14 : i64} {
  func.func @body(%arg0: i32, %arg1: i32, %arg2: memref<960x128xi32, #tpu.memory_space<hbm>>, %arg3: memref<960x128xi32, #tpu.memory_space<hbm>>, %arg4: memref<10000x128xf32, #tpu.memory_space<hbm>>, %arg5: memref<2x2048x128xf32, #tpu.memory_space<hbm>>, %arg6: memref<2x16x2048xf32, #tpu.memory_space<hbm>>, %arg7: memref<2048x128xf32, #tpu.memory_space<vmem_shared>>, %arg8: memref<2x128xi32, #tpu.memory_space<vmem>>, %arg9: memref<2x128xi32, #tpu.memory_space<vmem>>, %arg10: memref<2x128x128xf32, #tpu.memory_space<vmem>>, %arg11: memref<16x128xf32, #tpu.memory_space<vmem>>, %arg12: memref<2048xf32, #tpu.memory_space<vmem>>, %arg13: memref<!tpu.dma_semaphore, #tpu.memory_space<semaphore_mem>>) attributes {dimension_semantics = [#tpu.dimension_semantics<core_parallel>, #tpu.dimension_semantics<subcore_parallel>], iteration_bounds = array<i64: 2, 16>, scalar_prefetch = 0 : i64, scratch_operands = 7 : i64, tpu.core_type = #tpu.core_type<sc_vector_subcore>, window_params = [{transform_indices = #map}, {transform_indices = #map}, {transform_indices = #map}, {transform_indices = #map1}, {transform_indices = #map1}]} {
    %mul3A = arith.constant 16 : i32
    %mul3A_0 = arith.muli %arg0, %mul3A : i32
    %add3A = arith.addi %mul3A_0, %arg1 : i32
    %broadcast_in_dim3A = arith.constant 0.000000e+00 : f32
    %broadcast_in_dim3A_1 = vector.broadcast %broadcast_in_dim3A : f32 to vector<16xf32>
    %broadcast_in_dim3A_2 = arith.constant 1.000000e+00 : f32
    %broadcast_in_dim3A_3 = vector.broadcast %broadcast_in_dim3A_2 : f32 to vector<16xf32>
    %swap3A = arith.constant 0 : i32
    %swap3A_4 = arith.index_cast %swap3A : i32 to index
    %swap3A_5 = arith.constant 0 : index
    %swap3A_6 = tpu.vector_load %arg11[%swap3A_4, %swap3A_5] {strides = array<i32>} : memref<16x128xf32, #tpu.memory_space<vmem>>, vector<16xf32>,
    tpu.vector_store %arg11[%swap3A_4, %swap3A_5], %broadcast_in_dim3A_1 {strides = array<i32>} : memref<16x128xf32, #tpu.memory_space<vmem>>, vector<16xf32>,
    %swap3A_7 = arith.constant 0 : i32
    %swap3A_8 = arith.index_cast %swap3A_7 : i32 to index
    %swap3A_9 = arith.constant 16 : index
    %swap3A_10 = tpu.vector_load %arg11[%swap3A_8, %swap3A_9] {strides = array<i32>} : memref<16x128xf32, #tpu.memory_space<vmem>>, vector<16xf32>,
    tpu.vector_store %arg11[%swap3A_8, %swap3A_9], %broadcast_in_dim3A_1 {strides = array<i32>} : memref<16x128xf32, #tpu.memory_space<vmem>>, vector<16xf32>,
    %swap3A_11 = arith.constant 0 : i32
    %swap3A_12 = arith.index_cast %swap3A_11 : i32 to index
    %swap3A_13 = arith.constant 32 : index
    %swap3A_14 = tpu.vector_load %arg11[%swap3A_12, %swap3A_13] {strides = array<i32>} : memref<16x128xf32, #tpu.memory_space<vmem>>, vector<16xf32>,
    tpu.vector_store %arg11[%swap3A_12, %swap3A_13], %broadcast_in_dim3A_1 {strides = array<i32>} : memref<16x128xf32, #tpu.memory_space<vmem>>, vector<16xf32>,
    %swap3A_15 = arith.constant 0 : i32
    %swap3A_16 = arith.index_cast %swap3A_15 : i32 to index
    %swap3A_17 = arith.constant 48 : index
    %swap3A_18 = tpu.vector_load %arg11[%swap3A_16, %swap3A_17] {strides = array<i32>} : memref<16x128xf32, #tpu.memory_space<vmem>>, vector<16xf32>,
    tpu.vector_store %arg11[%swap3A_16, %swap3A_17], %broadcast_in_dim3A_1 {strides = array<i32>} : memref<16x128xf32, #tpu.memory_space<vmem>>, vector<16xf32>,
    %swap3A_19 = arith.constant 0 : i32
    %swap3A_20 = arith.index_cast %swap3A_19 : i32 to index
    %swap3A_21 = arith.constant 64 : index
    %swap3A_22 = tpu.vector_load %arg11[%swap3A_20, %swap3A_21] {strides = array<i32>} : memref<16x128xf32, #tpu.memory_space<vmem>>, vector<16xf32>,
    tpu.vector_store %arg11[%swap3A_20, %swap3A_21], %broadcast_in_dim3A_1 {strides = array<i32>} : memref<16x128xf32, #tpu.memory_space<vmem>>, vector<16xf32>,
    %swap3A_23 = arith.constant 0 : i32
    %swap3A_24 = arith.index_cast %swap3A_23 : i32 to index
    %swap3A_25 = arith.constant 80 : index
    %swap3A_26 = tpu.vector_load %arg11[%swap3A_24, %swap3A_25] {strides = array<i32>} : memref<16x128xf32, #tpu.memory_space<vmem>>, vector<16xf32>,
    tpu.vector_store %arg11[%swap3A_24, %swap3A_25], %broadcast_in_dim3A_1 {strides = array<i32>} : memref<16x128xf32, #tpu.memory_space<vmem>>, vector<16xf32>,
    %swap3A_27 = arith.constant 0 : i32
    %swap3A_28 = arith.index_cast %swap3A_27 : i32 to index
    %swap3A_29 = arith.constant 96 : index
    %swap3A_30 = tpu.vector_load %arg11[%swap3A_28, %swap3A_29] {strides = array<i32>} : memref<16x128xf32, #tpu.memory_space<vmem>>, vector<16xf32>,
    tpu.vector_store %arg11[%swap3A_28, %swap3A_29], %broadcast_in_dim3A_1 {strides = array<i32>} : memref<16x128xf32, #tpu.memory_space<vmem>>, vector<16xf32>,
    %swap3A_31 = arith.constant 0 : i32
    %swap3A_32 = arith.index_cast %swap3A_31 : i32 to index
    %swap3A_33 = arith.constant 112 : index
    %swap3A_34 = tpu.vector_load %arg11[%swap3A_32, %swap3A_33] {strides = array<i32>} : memref<16x128xf32, #tpu.memory_space<vmem>>, vector<16xf32>,
    tpu.vector_store %arg11[%swap3A_32, %swap3A_33], %broadcast_in_dim3A_1 {strides = array<i32>} : memref<16x128xf32, #tpu.memory_space<vmem>>, vector<16xf32>,
    %swap3A_35 = arith.constant 1 : i32
    %swap3A_36 = arith.index_cast %swap3A_35 : i32 to index
    %swap3A_37 = arith.constant 0 : index
    %swap3A_38 = tpu.vector_load %arg11[%swap3A_36, %swap3A_37] {strides = array<i32>} : memref<16x128xf32, #tpu.memory_space<vmem>>, vector<16xf32>,
    tpu.vector_store %arg11[%swap3A_36, %swap3A_37], %broadcast_in_dim3A_1 {strides = array<i32>} : memref<16x128xf32, #tpu.memory_space<vmem>>, vector<16xf32>,
    %swap3A_39 = arith.constant 1 : i32
    %swap3A_40 = arith.index_cast %swap3A_39 : i32 to index
    %swap3A_41 = arith.constant 16 : index
    %swap3A_42 = tpu.vector_load %arg11[%swap3A_40, %swap3A_41] {strides = array<i32>} : memref<16x128xf32, #tpu.memory_space<vmem>>, vector<16xf32>,
    tpu.vector_store %arg11[%swap3A_40, %swap3A_41], %broadcast_in_dim3A_1 {strides = array<i32>} : memref<16x128xf32, #tpu.memory_space<vmem>>, vector<16xf32>,
    %swap3A_43 = arith.constant 1 : i32
    %swap3A_44 = arith.index_cast %swap3A_43 : i32 to index
    %swap3A_45 = arith.constant 32 : index
    %swap3A_46 = tpu.vector_load %arg11[%swap3A_44, %swap3A_45] {strides = array<i32>} : memref<16x128xf32, #tpu.memory_space<vmem>>, vector<16xf32>,
    tpu.vector_store %arg11[%swap3A_44, %swap3A_45], %broadcast_in_dim3A_1 {strides = array<i32>} : memref<16x128xf32, #tpu.memory_space<vmem>>, vector<16xf32>,
    %swap3A_47 = arith.constant 1 : i32
    %swap3A_48 = arith.index_cast %swap3A_47 : i32 to index
    %swap3A_49 = arith.constant 48 : index
    %swap3A_50 = tpu.vector_load %arg11[%swap3A_48, %swap3A_49] {strides = array<i32>} : memref<16x128xf32, #tpu.memory_space<vmem>>, vector<16xf32>,
    tpu.vector_store %arg11[%swap3A_48, %swap3A_49], %broadcast_in_dim3A_1 {strides = array<i32>} : memref<16x128xf32, #tpu.memory_space<vmem>>, vector<16xf32>,
    %swap3A_51 = arith.constant 1 : i32
    %swap3A_52 = arith.index_cast %swap3A_51 : i32 to index
    %swap3A_53 = arith.constant 64 : index
    %swap3A_54 = tpu.vector_load %arg11[%swap3A_52, %swap3A_53] {strides = array<i32>} : memref<16x128xf32, #tpu.memory_space<vmem>>, vector<16xf32>,
    tpu.vector_store %arg11[%swap3A_52, %swap3A_53], %broadcast_in_dim3A_1 {strides = array<i32>} : memref<16x128xf32, #tpu.memory_space<vmem>>, vector<16xf32>,
    %swap3A_55 = arith.constant 1 : i32
    %swap3A_56 = arith.index_cast %swap3A_55 : i32 to index
    %swap3A_57 = arith.constant 80 : index
    %swap3A_58 = tpu.vector_load %arg11[%swap3A_56, %swap3A_57] {strides = array<i32>} : memref<16x128xf32, #tpu.memory_space<vmem>>, vector<16xf32>,
    tpu.vector_store %arg11[%swap3A_56, %swap3A_57], %broadcast_in_dim3A_1 {strides = array<i32>} : memref<16x128xf32, #tpu.memory_space<vmem>>, vector<16xf32>,
    %swap3A_59 = arith.constant 1 : i32
    %swap3A_60 = arith.index_cast %swap3A_59 : i32 to index
    %swap3A_61 = arith.constant 96 : index
    %swap3A_62 = tpu.vector_load %arg11[%swap3A_60, %swap3A_61] {strides = array<i32>} : memref<16x128xf32, #tpu.memory_space<vmem>>, vector<16xf32>,
    tpu.vector_store %arg11[%swap3A_60, %swap3A_61], %broadcast_in_dim3A_1 {strides = array<i32>} : memref<16x128xf32, #tpu.memory_space<vmem>>, vector<16xf32>,
    %swap3A_63 = arith.constant 1 : i32
    %swap3A_64 = arith.index_cast %swap3A_63 : i32 to index
    %swap3A_65 = arith.constant 112 : index
    %swap3A_66 = tpu.vector_load %arg11[%swap3A_64, %swap3A_65] {strides = array<i32>} : memref<16x128xf32, #tpu.memory_space<vmem>>, vector<16xf32>,
    tpu.vector_store %arg11[%swap3A_64, %swap3A_65], %broadcast_in_dim3A_1 {strides = array<i32>} : memref<16x128xf32, #tpu.memory_space<vmem>>, vector<16xf32>,
    %swap3A_67 = arith.constant 2 : i32
    %swap3A_68 = arith.index_cast %swap3A_67 : i32 to index
    %swap3A_69 = arith.constant 0 : index
    %swap3A_70 = tpu.vector_load %arg11[%swap3A_68, %swap3A_69] {strides = array<i32>} : memref<16x128xf32, #tpu.memory_space<vmem>>, vector<16xf32>,
    tpu.vector_store %arg11[%swap3A_68, %swap3A_69], %broadcast_in_dim3A_1 {strides = array<i32>} : memref<16x128xf32, #tpu.memory_space<vmem>>, vector<16xf32>,
    %swap3A_71 = arith.constant 2 : i32
    %swap3A_72 = arith.index_cast %swap3A_71 : i32 to index
    %swap3A_73 = arith.constant 16 : index
    %swap3A_74 = tpu.vector_load %arg11[%swap3A_72, %swap3A_73] {strides = array<i32>} : memref<16x128xf32, #tpu.memory_space<vmem>>, vector<16xf32>,
    tpu.vector_store %arg11[%swap3A_72, %swap3A_73], %broadcast_in_dim3A_1 {strides = array<i32>} : memref<16x128xf32, #tpu.memory_space<vmem>>, vector<16xf32>,
    %swap3A_75 = arith.constant 2 : i32
    %swap3A_76 = arith.index_cast %swap3A_75 : i32 to index
    %swap3A_77 = arith.constant 32 : index
    %swap3A_78 = tpu.vector_load %arg11[%swap3A_76, %swap3A_77] {strides = array<i32>} : memref<16x128xf32, #tpu.memory_space<vmem>>, vector<16xf32>,
    tpu.vector_store %arg11[%swap3A_76, %swap3A_77], %broadcast_in_dim3A_1 {strides = array<i32>} : memref<16x128xf32, #tpu.memory_space<vmem>>, vector<16xf32>,
    %swap3A_79 = arith.constant 2 : i32
    %swap3A_80 = arith.index_cast %swap3A_79 : i32 to index
    %swap3A_81 = arith.constant 48 : index
    %swap3A_82 = tpu.vector_load %arg11[%swap3A_80, %swap3A_81] {strides = array<i32>} : memref<16x128xf32, #tpu.memory_space<vmem>>, vector<16xf32>,
    tpu.vector_store %arg11[%swap3A_80, %swap3A_81], %broadcast_in_dim3A_1 {strides = array<i32>} : memref<16x128xf32, #tpu.memory_space<vmem>>, vector<16xf32>,
    %swap3A_83 = arith.constant 2 : i32
    %swap3A_84 = arith.index_cast %swap3A_83 : i32 to index
    %swap3A_85 = arith.constant 64 : index
    %swap3A_86 = tpu.vector_load %arg11[%swap3A_84, %swap3A_85] {strides = array<i32>} : memref<16x128xf32, #tpu.memory_space<vmem>>, vector<16xf32>,
    tpu.vector_store %arg11[%swap3A_84, %swap3A_85], %broadcast_in_dim3A_1 {strides = array<i32>} : memref<16x128xf32, #tpu.memory_space<vmem>>, vector<16xf32>,
    %swap3A_87 = arith.constant 2 : i32
    %swap3A_88 = arith.index_cast %swap3A_87 : i32 to index
    %swap3A_89 = arith.constant 80 : index
    %swap3A_90 = tpu.vector_load %arg11[%swap3A_88, %swap3A_89] {strides = array<i32>} : memref<16x128xf32, #tpu.memory_space<vmem>>, vector<16xf32>,
    tpu.vector_store %arg11[%swap3A_88, %swap3A_89], %broadcast_in_dim3A_1 {strides = array<i32>} : memref<16x128xf32, #tpu.memory_space<vmem>>, vector<16xf32>,
    %swap3A_91 = arith.constant 2 : i32
    %swap3A_92 = arith.index_cast %swap3A_91 : i32 to index
    %swap3A_93 = arith.constant 96 : index
    %swap3A_94 = tpu.vector_load %arg11[%swap3A_92, %swap3A_93] {strides = array<i32>} : memref<16x128xf32, #tpu.memory_space<vmem>>, vector<16xf32>,
    tpu.vector_store %arg11[%swap3A_92, %swap3A_93], %broadcast_in_dim3A_1 {strides = array<i32>} : memref<16x128xf32, #tpu.memory_space<vmem>>, vector<16xf32>,
    %swap3A_95 = arith.constant 2 : i32
    %swap3A_96 = arith.index_cast %swap3A_95 : i32 to index
    %swap3A_97 = arith.constant 112 : index
    %swap3A_98 = tpu.vector_load %arg11[%swap3A_96, %swap3A_97] {strides = array<i32>} : memref<16x128xf32, #tpu.memory_space<vmem>>, vector<16xf32>,
    tpu.vector_store %arg11[%swap3A_96, %swap3A_97], %broadcast_in_dim3A_1 {strides = array<i32>} : memref<16x128xf32, #tpu.memory_space<vmem>>, vector<16xf32>,
    %swap3A_99 = arith.constant 3 : i32
    %swap3A_100 = arith.index_cast %swap3A_99 : i32 to index
    %swap3A_101 = arith.constant 0 : index
    %swap3A_102 = tpu.vector_load %arg11[%swap3A_100, %swap3A_101] {strides = array<i32>} : memref<16x128xf32, #tpu.memory_space<vmem>>, vector<16xf32>,
    tpu.vector_store %arg11[%swap3A_100, %swap3A_101], %broadcast_in_dim3A_1 {strides = array<i32>} : memref<16x128xf32, #tpu.memory_space<vmem>>, vector<16xf32>,
    %swap3A_103 = arith.constant 3 : i32
    %swap3A_104 = arith.index_cast %swap3A_103 : i32 to index
    %swap3A_105 = arith.constant 16 : index
    %swap3A_106 = tpu.vector_load %arg11[%swap3A_104, %swap3A_105] {strides = array<i32>} : memref<16x128xf32, #tpu.memory_space<vmem>>, vector<16xf32>,
    tpu.vector_store %arg11[%swap3A_104, %swap3A_105], %broadcast_in_dim3A_1 {strides = array<i32>} : memref<16x128xf32, #tpu.memory_space<vmem>>, vector<16xf32>,
    %swap3A_107 = arith.constant 3 : i32
    %swap3A_108 = arith.index_cast %swap3A_107 : i32 to index
    %swap3A_109 = arith.constant 32 : index
    %swap3A_110 = tpu.vector_load %arg11[%swap3A_108, %swap3A_109] {strides = array<i32>} : memref<16x128xf32, #tpu.memory_space<vmem>>, vector<16xf32>,
    tpu.vector_store %arg11[%swap3A_108, %swap3A_109], %broadcast_in_dim3A_1 {strides = array<i32>} : memref<16x128xf32, #tpu.memory_space<vmem>>, vector<16xf32>,
    %swap3A_111 = arith.constant 3 : i32
    %swap3A_112 = arith.index_cast %swap3A_111 : i32 to index
    %swap3A_113 = arith.constant 48 : index
    %swap3A_114 = tpu.vector_load %arg11[%swap3A_112, %swap3A_113] {strides = array<i32>} : memref<16x128xf32, #tpu.memory_space<vmem>>, vector<16xf32>,
    tpu.vector_store %arg11[%swap3A_112, %swap3A_113], %broadcast_in_dim3A_1 {strides = array<i32>} : memref<16x128xf32, #tpu.memory_space<vmem>>, vector<16xf32>,
    %swap3A_115 = arith.constant 3 : i32
    %swap3A_116 = arith.index_cast %swap3A_115 : i32 to index
    %swap3A_117 = arith.constant 64 : index
    %swap3A_118 = tpu.vector_load %arg11[%swap3A_116, %swap3A_117] {strides = array<i32>} : memref<16x128xf32, #tpu.memory_space<vmem>>, vector<16xf32>,
    tpu.vector_store %arg11[%swap3A_116, %swap3A_117], %broadcast_in_dim3A_1 {strides = array<i32>} : memref<16x128xf32, #tpu.memory_space<vmem>>, vector<16xf32>,
    %swap3A_119 = arith.constant 3 : i32
    %swap3A_120 = arith.index_cast %swap3A_119 : i32 to index
    %swap3A_121 = arith.constant 80 : index
    %swap3A_122 = tpu.vector_load %arg11[%swap3A_120, %swap3A_121] {strides = array<i32>} : memref<16x128xf32, #tpu.memory_space<vmem>>, vector<16xf32>,
    tpu.vector_store %arg11[%swap3A_120, %swap3A_121], %broadcast_in_dim3A_1 {strides = array<i32>} : memref<16x128xf32, #tpu.memory_space<vmem>>, vector<16xf32>,
    %swap3A_123 = arith.constant 3 : i32
    %swap3A_124 = arith.index_cast %swap3A_123 : i32 to index
    %swap3A_125 = arith.constant 96 : index
    %swap3A_126 = tpu.vector_load %arg11[%swap3A_124, %swap3A_125] {strides = array<i32>} : memref<16x128xf32, #tpu.memory_space<vmem>>, vector<16xf32>,
    tpu.vector_store %arg11[%swap3A_124, %swap3A_125], %broadcast_in_dim3A_1 {strides = array<i32>} : memref<16x128xf32, #tpu.memory_space<vmem>>, vector<16xf32>,
    %swap3A_127 = arith.constant 3 : i32
    %swap3A_128 = arith.index_cast %swap3A_127 : i32 to index
    %swap3A_129 = arith.constant 112 : index
    %swap3A_130 = tpu.vector_load %arg11[%swap3A_128, %swap3A_129] {strides = array<i32>} : memref<16x128xf32, #tpu.memory_space<vmem>>, vector<16xf32>,
    tpu.vector_store %arg11[%swap3A_128, %swap3A_129], %broadcast_in_dim3A_1 {strides = array<i32>} : memref<16x128xf32, #tpu.memory_space<vmem>>, vector<16xf32>,
    %swap3A_131 = arith.constant 4 : i32
    %swap3A_132 = arith.index_cast %swap3A_131 : i32 to index
    %swap3A_133 = arith.constant 0 : index
    %swap3A_134 = tpu.vector_load %arg11[%swap3A_132, %swap3A_133] {strides = array<i32>} : memref<16x128xf32, #tpu.memory_space<vmem>>, vector<16xf32>,
    tpu.vector_store %arg11[%swap3A_132, %swap3A_133], %broadcast_in_dim3A_1 {strides = array<i32>} : memref<16x128xf32, #tpu.memory_space<vmem>>, vector<16xf32>,
    %swap3A_135 = arith.constant 4 : i32
    %swap3A_136 = arith.index_cast %swap3A_135 : i32 to index
    %swap3A_137 = arith.constant 16 : index
    %swap3A_138 = tpu.vector_load %arg11[%swap3A_136, %swap3A_137] {strides = array<i32>} : memref<16x128xf32, #tpu.memory_space<vmem>>, vector<16xf32>,
    tpu.vector_store %arg11[%swap3A_136, %swap3A_137], %broadcast_in_dim3A_1 {strides = array<i32>} : memref<16x128xf32, #tpu.memory_space<vmem>>, vector<16xf32>,
    %swap3A_139 = arith.constant 4 : i32
    %swap3A_140 = arith.index_cast %swap3A_139 : i32 to index
    %swap3A_141 = arith.constant 32 : index
    %swap3A_142 = tpu.vector_load %arg11[%swap3A_140, %swap3A_141] {strides = array<i32>} : memref<16x128xf32, #tpu.memory_space<vmem>>, vector<16xf32>,
    tpu.vector_store %arg11[%swap3A_140, %swap3A_141], %broadcast_in_dim3A_1 {strides = array<i32>} : memref<16x128xf32, #tpu.memory_space<vmem>>, vector<16xf32>,
    %swap3A_143 = arith.constant 4 : i32
    %swap3A_144 = arith.index_cast %swap3A_143 : i32 to index
    %swap3A_145 = arith.constant 48 : index
    %swap3A_146 = tpu.vector_load %arg11[%swap3A_144, %swap3A_145] {strides = array<i32>} : memref<16x128xf32, #tpu.memory_space<vmem>>, vector<16xf32>,
    tpu.vector_store %arg11[%swap3A_144, %swap3A_145], %broadcast_in_dim3A_1 {strides = array<i32>} : memref<16x128xf32, #tpu.memory_space<vmem>>, vector<16xf32>,
    %swap3A_147 = arith.constant 4 : i32
    %swap3A_148 = arith.index_cast %swap3A_147 : i32 to index
    %swap3A_149 = arith.constant 64 : index
    %swap3A_150 = tpu.vector_load %arg11[%swap3A_148, %swap3A_149] {strides = array<i32>} : memref<16x128xf32, #tpu.memory_space<vmem>>, vector<16xf32>,
    tpu.vector_store %arg11[%swap3A_148, %swap3A_149], %broadcast_in_dim3A_1 {strides = array<i32>} : memref<16x128xf32, #tpu.memory_space<vmem>>, vector<16xf32>,
    %swap3A_151 = arith.constant 4 : i32
    %swap3A_152 = arith.index_cast %swap3A_151 : i32 to index
    %swap3A_153 = arith.constant 80 : index
    %swap3A_154 = tpu.vector_load %arg11[%swap3A_152, %swap3A_153] {strides = array<i32>} : memref<16x128xf32, #tpu.memory_space<vmem>>, vector<16xf32>,
    tpu.vector_store %arg11[%swap3A_152, %swap3A_153], %broadcast_in_dim3A_1 {strides = array<i32>} : memref<16x128xf32, #tpu.memory_space<vmem>>, vector<16xf32>,
    %swap3A_155 = arith.constant 4 : i32
    %swap3A_156 = arith.index_cast %swap3A_155 : i32 to index
    %swap3A_157 = arith.constant 96 : index
    %swap3A_158 = tpu.vector_load %arg11[%swap3A_156, %swap3A_157] {strides = array<i32>} : memref<16x128xf32, #tpu.memory_space<vmem>>, vector<16xf32>,
    tpu.vector_store %arg11[%swap3A_156, %swap3A_157], %broadcast_in_dim3A_1 {strides = array<i32>} : memref<16x128xf32, #tpu.memory_space<vmem>>, vector<16xf32>,
    %swap3A_159 = arith.constant 4 : i32
    %swap3A_160 = arith.index_cast %swap3A_159 : i32 to index
    %swap3A_161 = arith.constant 112 : index
    %swap3A_162 = tpu.vector_load %arg11[%swap3A_160, %swap3A_161] {strides = array<i32>} : memref<16x128xf32, #tpu.memory_space<vmem>>, vector<16xf32>,
    tpu.vector_store %arg11[%swap3A_160, %swap3A_161], %broadcast_in_dim3A_1 {strides = array<i32>} : memref<16x128xf32, #tpu.memory_space<vmem>>, vector<16xf32>,
    %swap3A_163 = arith.constant 5 : i32
    %swap3A_164 = arith.index_cast %swap3A_163 : i32 to index
    %swap3A_165 = arith.constant 0 : index
    %swap3A_166 = tpu.vector_load %arg11[%swap3A_164, %swap3A_165] {strides = array<i32>} : memref<16x128xf32, #tpu.memory_space<vmem>>, vector<16xf32>,
    tpu.vector_store %arg11[%swap3A_164, %swap3A_165], %broadcast_in_dim3A_1 {strides = array<i32>} : memref<16x128xf32, #tpu.memory_space<vmem>>, vector<16xf32>,
    %swap3A_167 = arith.constant 5 : i32
    %swap3A_168 = arith.index_cast %swap3A_167 : i32 to index
    %swap3A_169 = arith.constant 16 : index
    %swap3A_170 = tpu.vector_load %arg11[%swap3A_168, %swap3A_169] {strides = array<i32>} : memref<16x128xf32, #tpu.memory_space<vmem>>, vector<16xf32>,
    tpu.vector_store %arg11[%swap3A_168, %swap3A_169], %broadcast_in_dim3A_1 {strides = array<i32>} : memref<16x128xf32, #tpu.memory_space<vmem>>, vector<16xf32>,
    %swap3A_171 = arith.constant 5 : i32
    %swap3A_172 = arith.index_cast %swap3A_171 : i32 to index
    %swap3A_173 = arith.constant 32 : index
    %swap3A_174 = tpu.vector_load %arg11[%swap3A_172, %swap3A_173] {strides = array<i32>} : memref<16x128xf32, #tpu.memory_space<vmem>>, vector<16xf32>,
    tpu.vector_store %arg11[%swap3A_172, %swap3A_173], %broadcast_in_dim3A_1 {strides = array<i32>} : memref<16x128xf32, #tpu.memory_space<vmem>>, vector<16xf32>,
    %swap3A_175 = arith.constant 5 : i32
    %swap3A_176 = arith.index_cast %swap3A_175 : i32 to index
    %swap3A_177 = arith.constant 48 : index
    %swap3A_178 = tpu.vector_load %arg11[%swap3A_176, %swap3A_177] {strides = array<i32>} : memref<16x128xf32, #tpu.memory_space<vmem>>, vector<16xf32>,
    tpu.vector_store %arg11[%swap3A_176, %swap3A_177], %broadcast_in_dim3A_1 {strides = array<i32>} : memref<16x128xf32, #tpu.memory_space<vmem>>, vector<16xf32>,
    %swap3A_179 = arith.constant 5 : i32
    %swap3A_180 = arith.index_cast %swap3A_179 : i32 to index
    %swap3A_181 = arith.constant 64 : index
    %swap3A_182 = tpu.vector_load %arg11[%swap3A_180, %swap3A_181] {strides = array<i32>} : memref<16x128xf32, #tpu.memory_space<vmem>>, vector<16xf32>,
    tpu.vector_store %arg11[%swap3A_180, %swap3A_181], %broadcast_in_dim3A_1 {strides = array<i32>} : memref<16x128xf32, #tpu.memory_space<vmem>>, vector<16xf32>,
    %swap3A_183 = arith.constant 5 : i32
    %swap3A_184 = arith.index_cast %swap3A_183 : i32 to index
    %swap3A_185 = arith.constant 80 : index
    %swap3A_186 = tpu.vector_load %arg11[%swap3A_184, %swap3A_185] {strides = array<i32>} : memref<16x128xf32, #tpu.memory_space<vmem>>, vector<16xf32>,
    tpu.vector_store %arg11[%swap3A_184, %swap3A_185], %broadcast_in_dim3A_1 {strides = array<i32>} : memref<16x128xf32, #tpu.memory_space<vmem>>, vector<16xf32>,
    %swap3A_187 = arith.constant 5 : i32
    %swap3A_188 = arith.index_cast %swap3A_187 : i32 to index
    %swap3A_189 = arith.constant 96 : index
    %swap3A_190 = tpu.vector_load %arg11[%swap3A_188, %swap3A_189] {strides = array<i32>} : memref<16x128xf32, #tpu.memory_space<vmem>>, vector<16xf32>,
    tpu.vector_store %arg11[%swap3A_188, %swap3A_189], %broadcast_in_dim3A_1 {strides = array<i32>} : memref<16x128xf32, #tpu.memory_space<vmem>>, vector<16xf32>,
    %swap3A_191 = arith.constant 5 : i32
    %swap3A_192 = arith.index_cast %swap3A_191 : i32 to index
    %swap3A_193 = arith.constant 112 : index
    %swap3A_194 = tpu.vector_load %arg11[%swap3A_192, %swap3A_193] {strides = array<i32>} : memref<16x128xf32, #tpu.memory_space<vmem>>, vector<16xf32>,
    tpu.vector_store %arg11[%swap3A_192, %swap3A_193], %broadcast_in_dim3A_1 {strides = array<i32>} : memref<16x128xf32, #tpu.memory_space<vmem>>, vector<16xf32>,
    %swap3A_195 = arith.constant 6 : i32
    %swap3A_196 = arith.index_cast %swap3A_195 : i32 to index
    %swap3A_197 = arith.constant 0 : index
    %swap3A_198 = tpu.vector_load %arg11[%swap3A_196, %swap3A_197] {strides = array<i32>} : memref<16x128xf32, #tpu.memory_space<vmem>>, vector<16xf32>,
    tpu.vector_store %arg11[%swap3A_196, %swap3A_197], %broadcast_in_dim3A_1 {strides = array<i32>} : memref<16x128xf32, #tpu.memory_space<vmem>>, vector<16xf32>,
    %swap3A_199 = arith.constant 6 : i32
    %swap3A_200 = arith.index_cast %swap3A_199 : i32 to index
    %swap3A_201 = arith.constant 16 : index
    %swap3A_202 = tpu.vector_load %arg11[%swap3A_200, %swap3A_201] {strides = array<i32>} : memref<16x128xf32, #tpu.memory_space<vmem>>, vector<16xf32>,
    tpu.vector_store %arg11[%swap3A_200, %swap3A_201], %broadcast_in_dim3A_1 {strides = array<i32>} : memref<16x128xf32, #tpu.memory_space<vmem>>, vector<16xf32>,
    %swap3A_203 = arith.constant 6 : i32
    %swap3A_204 = arith.index_cast %swap3A_203 : i32 to index
    %swap3A_205 = arith.constant 32 : index
    %swap3A_206 = tpu.vector_load %arg11[%swap3A_204, %swap3A_205] {strides = array<i32>} : memref<16x128xf32, #tpu.memory_space<vmem>>, vector<16xf32>,
    tpu.vector_store %arg11[%swap3A_204, %swap3A_205], %broadcast_in_dim3A_1 {strides = array<i32>} : memref<16x128xf32, #tpu.memory_space<vmem>>, vector<16xf32>,
    %swap3A_207 = arith.constant 6 : i32
    %swap3A_208 = arith.index_cast %swap3A_207 : i32 to index
    %swap3A_209 = arith.constant 48 : index
    %swap3A_210 = tpu.vector_load %arg11[%swap3A_208, %swap3A_209] {strides = array<i32>} : memref<16x128xf32, #tpu.memory_space<vmem>>, vector<16xf32>,
    tpu.vector_store %arg11[%swap3A_208, %swap3A_209], %broadcast_in_dim3A_1 {strides = array<i32>} : memref<16x128xf32, #tpu.memory_space<vmem>>, vector<16xf32>,
    %swap3A_211 = arith.constant 6 : i32
    %swap3A_212 = arith.index_cast %swap3A_211 : i32 to index
    %swap3A_213 = arith.constant 64 : index
    %swap3A_214 = tpu.vector_load %arg11[%swap3A_212, %swap3A_213] {strides = array<i32>} : memref<16x128xf32, #tpu.memory_space<vmem>>, vector<16xf32>,
    tpu.vector_store %arg11[%swap3A_212, %swap3A_213], %broadcast_in_dim3A_1 {strides = array<i32>} : memref<16x128xf32, #tpu.memory_space<vmem>>, vector<16xf32>,
    %swap3A_215 = arith.constant 6 : i32
    %swap3A_216 = arith.index_cast %swap3A_215 : i32 to index
    %swap3A_217 = arith.constant 80 : index
    %swap3A_218 = tpu.vector_load %arg11[%swap3A_216, %swap3A_217] {strides = array<i32>} : memref<16x128xf32, #tpu.memory_space<vmem>>, vector<16xf32>,
    tpu.vector_store %arg11[%swap3A_216, %swap3A_217], %broadcast_in_dim3A_1 {strides = array<i32>} : memref<16x128xf32, #tpu.memory_space<vmem>>, vector<16xf32>,
    %swap3A_219 = arith.constant 6 : i32
    %swap3A_220 = arith.index_cast %swap3A_219 : i32 to index
    %swap3A_221 = arith.constant 96 : index
    %swap3A_222 = tpu.vector_load %arg11[%swap3A_220, %swap3A_221] {strides = array<i32>} : memref<16x128xf32, #tpu.memory_space<vmem>>, vector<16xf32>,
    tpu.vector_store %arg11[%swap3A_220, %swap3A_221], %broadcast_in_dim3A_1 {strides = array<i32>} : memref<16x128xf32, #tpu.memory_space<vmem>>, vector<16xf32>,
    %swap3A_223 = arith.constant 6 : i32
    %swap3A_224 = arith.index_cast %swap3A_223 : i32 to index
    %swap3A_225 = arith.constant 112 : index
    %swap3A_226 = tpu.vector_load %arg11[%swap3A_224, %swap3A_225] {strides = array<i32>} : memref<16x128xf32, #tpu.memory_space<vmem>>, vector<16xf32>,
    tpu.vector_store %arg11[%swap3A_224, %swap3A_225], %broadcast_in_dim3A_1 {strides = array<i32>} : memref<16x128xf32, #tpu.memory_space<vmem>>, vector<16xf32>,
    %swap3A_227 = arith.constant 7 : i32
    %swap3A_228 = arith.index_cast %swap3A_227 : i32 to index
    %swap3A_229 = arith.constant 0 : index
    %swap3A_230 = tpu.vector_load %arg11[%swap3A_228, %swap3A_229] {strides = array<i32>} : memref<16x128xf32, #tpu.memory_space<vmem>>, vector<16xf32>,
    tpu.vector_store %arg11[%swap3A_228, %swap3A_229], %broadcast_in_dim3A_1 {strides = array<i32>} : memref<16x128xf32, #tpu.memory_space<vmem>>, vector<16xf32>,
    %swap3A_231 = arith.constant 7 : i32
    %swap3A_232 = arith.index_cast %swap3A_231 : i32 to index
    %swap3A_233 = arith.constant 16 : index
    %swap3A_234 = tpu.vector_load %arg11[%swap3A_232, %swap3A_233] {strides = array<i32>} : memref<16x128xf32, #tpu.memory_space<vmem>>, vector<16xf32>,
    tpu.vector_store %arg11[%swap3A_232, %swap3A_233], %broadcast_in_dim3A_1 {strides = array<i32>} : memref<16x128xf32, #tpu.memory_space<vmem>>, vector<16xf32>,
    %swap3A_235 = arith.constant 7 : i32
    %swap3A_236 = arith.index_cast %swap3A_235 : i32 to index
    %swap3A_237 = arith.constant 32 : index
    %swap3A_238 = tpu.vector_load %arg11[%swap3A_236, %swap3A_237] {strides = array<i32>} : memref<16x128xf32, #tpu.memory_space<vmem>>, vector<16xf32>,
    tpu.vector_store %arg11[%swap3A_236, %swap3A_237], %broadcast_in_dim3A_1 {strides = array<i32>} : memref<16x128xf32, #tpu.memory_space<vmem>>, vector<16xf32>,
    %swap3A_239 = arith.constant 7 : i32
    %swap3A_240 = arith.index_cast %swap3A_239 : i32 to index
    %swap3A_241 = arith.constant 48 : index
    %swap3A_242 = tpu.vector_load %arg11[%swap3A_240, %swap3A_241] {strides = array<i32>} : memref<16x128xf32, #tpu.memory_space<vmem>>, vector<16xf32>,
    tpu.vector_store %arg11[%swap3A_240, %swap3A_241], %broadcast_in_dim3A_1 {strides = array<i32>} : memref<16x128xf32, #tpu.memory_space<vmem>>, vector<16xf32>,
    %swap3A_243 = arith.constant 7 : i32
    %swap3A_244 = arith.index_cast %swap3A_243 : i32 to index
    %swap3A_245 = arith.constant 64 : index
    %swap3A_246 = tpu.vector_load %arg11[%swap3A_244, %swap3A_245] {strides = array<i32>} : memref<16x128xf32, #tpu.memory_space<vmem>>, vector<16xf32>,
    tpu.vector_store %arg11[%swap3A_244, %swap3A_245], %broadcast_in_dim3A_1 {strides = array<i32>} : memref<16x128xf32, #tpu.memory_space<vmem>>, vector<16xf32>,
    %swap3A_247 = arith.constant 7 : i32
    %swap3A_248 = arith.index_cast %swap3A_247 : i32 to index
    %swap3A_249 = arith.constant 80 : index
    %swap3A_250 = tpu.vector_load %arg11[%swap3A_248, %swap3A_249] {strides = array<i32>} : memref<16x128xf32, #tpu.memory_space<vmem>>, vector<16xf32>,
    tpu.vector_store %arg11[%swap3A_248, %swap3A_249], %broadcast_in_dim3A_1 {strides = array<i32>} : memref<16x128xf32, #tpu.memory_space<vmem>>, vector<16xf32>,
    %swap3A_251 = arith.constant 7 : i32
    %swap3A_252 = arith.index_cast %swap3A_251 : i32 to index
    %swap3A_253 = arith.constant 96 : index
    %swap3A_254 = tpu.vector_load %arg11[%swap3A_252, %swap3A_253] {strides = array<i32>} : memref<16x128xf32, #tpu.memory_space<vmem>>, vector<16xf32>,
    tpu.vector_store %arg11[%swap3A_252, %swap3A_253], %broadcast_in_dim3A_1 {strides = array<i32>} : memref<16x128xf32, #tpu.memory_space<vmem>>, vector<16xf32>,
    %swap3A_255 = arith.constant 7 : i32
    %swap3A_256 = arith.index_cast %swap3A_255 : i32 to index
    %swap3A_257 = arith.constant 112 : index
    %swap3A_258 = tpu.vector_load %arg11[%swap3A_256, %swap3A_257] {strides = array<i32>} : memref<16x128xf32, #tpu.memory_space<vmem>>, vector<16xf32>,
    tpu.vector_store %arg11[%swap3A_256, %swap3A_257], %broadcast_in_dim3A_1 {strides = array<i32>} : memref<16x128xf32, #tpu.memory_space<vmem>>, vector<16xf32>,
    %swap3A_259 = arith.constant 8 : i32
    %swap3A_260 = arith.index_cast %swap3A_259 : i32 to index
    %swap3A_261 = arith.constant 0 : index
    %swap3A_262 = tpu.vector_load %arg11[%swap3A_260, %swap3A_261] {strides = array<i32>} : memref<16x128xf32, #tpu.memory_space<vmem>>, vector<16xf32>,
    tpu.vector_store %arg11[%swap3A_260, %swap3A_261], %broadcast_in_dim3A_1 {strides = array<i32>} : memref<16x128xf32, #tpu.memory_space<vmem>>, vector<16xf32>,
    %swap3A_263 = arith.constant 8 : i32
    %swap3A_264 = arith.index_cast %swap3A_263 : i32 to index
    %swap3A_265 = arith.constant 16 : index
    %swap3A_266 = tpu.vector_load %arg11[%swap3A_264, %swap3A_265] {strides = array<i32>} : memref<16x128xf32, #tpu.memory_space<vmem>>, vector<16xf32>,
    tpu.vector_store %arg11[%swap3A_264, %swap3A_265], %broadcast_in_dim3A_1 {strides = array<i32>} : memref<16x128xf32, #tpu.memory_space<vmem>>, vector<16xf32>,
    %swap3A_267 = arith.constant 8 : i32
    %swap3A_268 = arith.index_cast %swap3A_267 : i32 to index
    %swap3A_269 = arith.constant 32 : index
    %swap3A_270 = tpu.vector_load %arg11[%swap3A_268, %swap3A_269] {strides = array<i32>} : memref<16x128xf32, #tpu.memory_space<vmem>>, vector<16xf32>,
    tpu.vector_store %arg11[%swap3A_268, %swap3A_269], %broadcast_in_dim3A_1 {strides = array<i32>} : memref<16x128xf32, #tpu.memory_space<vmem>>, vector<16xf32>,
    %swap3A_271 = arith.constant 8 : i32
    %swap3A_272 = arith.index_cast %swap3A_271 : i32 to index
    %swap3A_273 = arith.constant 48 : index
    %swap3A_274 = tpu.vector_load %arg11[%swap3A_272, %swap3A_273] {strides = array<i32>} : memref<16x128xf32, #tpu.memory_space<vmem>>, vector<16xf32>,
    tpu.vector_store %arg11[%swap3A_272, %swap3A_273], %broadcast_in_dim3A_1 {strides = array<i32>} : memref<16x128xf32, #tpu.memory_space<vmem>>, vector<16xf32>,
    %swap3A_275 = arith.constant 8 : i32
    %swap3A_276 = arith.index_cast %swap3A_275 : i32 to index
    %swap3A_277 = arith.constant 64 : index
    %swap3A_278 = tpu.vector_load %arg11[%swap3A_276, %swap3A_277] {strides = array<i32>} : memref<16x128xf32, #tpu.memory_space<vmem>>, vector<16xf32>,
    tpu.vector_store %arg11[%swap3A_276, %swap3A_277], %broadcast_in_dim3A_1 {strides = array<i32>} : memref<16x128xf32, #tpu.memory_space<vmem>>, vector<16xf32>,
    %swap3A_279 = arith.constant 8 : i32
    %swap3A_280 = arith.index_cast %swap3A_279 : i32 to index
    %swap3A_281 = arith.constant 80 : index
    %swap3A_282 = tpu.vector_load %arg11[%swap3A_280, %swap3A_281] {strides = array<i32>} : memref<16x128xf32, #tpu.memory_space<vmem>>, vector<16xf32>,
    tpu.vector_store %arg11[%swap3A_280, %swap3A_281], %broadcast_in_dim3A_1 {strides = array<i32>} : memref<16x128xf32, #tpu.memory_space<vmem>>, vector<16xf32>,
    %swap3A_283 = arith.constant 8 : i32
    %swap3A_284 = arith.index_cast %swap3A_283 : i32 to index
    %swap3A_285 = arith.constant 96 : index
    %swap3A_286 = tpu.vector_load %arg11[%swap3A_284, %swap3A_285] {strides = array<i32>} : memref<16x128xf32, #tpu.memory_space<vmem>>, vector<16xf32>,
    tpu.vector_store %arg11[%swap3A_284, %swap3A_285], %broadcast_in_dim3A_1 {strides = array<i32>} : memref<16x128xf32, #tpu.memory_space<vmem>>, vector<16xf32>,
    %swap3A_287 = arith.constant 8 : i32
    %swap3A_288 = arith.index_cast %swap3A_287 : i32 to index
    %swap3A_289 = arith.constant 112 : index
    %swap3A_290 = tpu.vector_load %arg11[%swap3A_288, %swap3A_289] {strides = array<i32>} : memref<16x128xf32, #tpu.memory_space<vmem>>, vector<16xf32>,
    tpu.vector_store %arg11[%swap3A_288, %swap3A_289], %broadcast_in_dim3A_1 {strides = array<i32>} : memref<16x128xf32, #tpu.memory_space<vmem>>, vector<16xf32>,
    %swap3A_291 = arith.constant 9 : i32
    %swap3A_292 = arith.index_cast %swap3A_291 : i32 to index
    %swap3A_293 = arith.constant 0 : index
    %swap3A_294 = tpu.vector_load %arg11[%swap3A_292, %swap3A_293] {strides = array<i32>} : memref<16x128xf32, #tpu.memory_space<vmem>>, vector<16xf32>,
    tpu.vector_store %arg11[%swap3A_292, %swap3A_293], %broadcast_in_dim3A_1 {strides = array<i32>} : memref<16x128xf32, #tpu.memory_space<vmem>>, vector<16xf32>,
    %swap3A_295 = arith.constant 9 : i32
    %swap3A_296 = arith.index_cast %swap3A_295 : i32 to index
    %swap3A_297 = arith.constant 16 : index
    %swap3A_298 = tpu.vector_load %arg11[%swap3A_296, %swap3A_297] {strides = array<i32>} : memref<16x128xf32, #tpu.memory_space<vmem>>, vector<16xf32>,
    tpu.vector_store %arg11[%swap3A_296, %swap3A_297], %broadcast_in_dim3A_1 {strides = array<i32>} : memref<16x128xf32, #tpu.memory_space<vmem>>, vector<16xf32>,
    %swap3A_299 = arith.constant 9 : i32
    %swap3A_300 = arith.index_cast %swap3A_299 : i32 to index
    %swap3A_301 = arith.constant 32 : index
    %swap3A_302 = tpu.vector_load %arg11[%swap3A_300, %swap3A_301] {strides = array<i32>} : memref<16x128xf32, #tpu.memory_space<vmem>>, vector<16xf32>,
    tpu.vector_store %arg11[%swap3A_300, %swap3A_301], %broadcast_in_dim3A_1 {strides = array<i32>} : memref<16x128xf32, #tpu.memory_space<vmem>>, vector<16xf32>,
    %swap3A_303 = arith.constant 9 : i32
    %swap3A_304 = arith.index_cast %swap3A_303 : i32 to index
    %swap3A_305 = arith.constant 48 : index
    %swap3A_306 = tpu.vector_load %arg11[%swap3A_304, %swap3A_305] {strides = array<i32>} : memref<16x128xf32, #tpu.memory_space<vmem>>, vector<16xf32>,
    tpu.vector_store %arg11[%swap3A_304, %swap3A_305], %broadcast_in_dim3A_1 {strides = array<i32>} : memref<16x128xf32, #tpu.memory_space<vmem>>, vector<16xf32>,
    %swap3A_307 = arith.constant 9 : i32
    %swap3A_308 = arith.index_cast %swap3A_307 : i32 to index
    %swap3A_309 = arith.constant 64 : index
    %swap3A_310 = tpu.vector_load %arg11[%swap3A_308, %swap3A_309] {strides = array<i32>} : memref<16x128xf32, #tpu.memory_space<vmem>>, vector<16xf32>,
    tpu.vector_store %arg11[%swap3A_308, %swap3A_309], %broadcast_in_dim3A_1 {strides = array<i32>} : memref<16x128xf32, #tpu.memory_space<vmem>>, vector<16xf32>,
    %swap3A_311 = arith.constant 9 : i32
    %swap3A_312 = arith.index_cast %swap3A_311 : i32 to index
    %swap3A_313 = arith.constant 80 : index
    %swap3A_314 = tpu.vector_load %arg11[%swap3A_312, %swap3A_313] {strides = array<i32>} : memref<16x128xf32, #tpu.memory_space<vmem>>, vector<16xf32>,
    tpu.vector_store %arg11[%swap3A_312, %swap3A_313], %broadcast_in_dim3A_1 {strides = array<i32>} : memref<16x128xf32, #tpu.memory_space<vmem>>, vector<16xf32>,
    %swap3A_315 = arith.constant 9 : i32
    %swap3A_316 = arith.index_cast %swap3A_315 : i32 to index
    %swap3A_317 = arith.constant 96 : index
    %swap3A_318 = tpu.vector_load %arg11[%swap3A_316, %swap3A_317] {strides = array<i32>} : memref<16x128xf32, #tpu.memory_space<vmem>>, vector<16xf32>,
    tpu.vector_store %arg11[%swap3A_316, %swap3A_317], %broadcast_in_dim3A_1 {strides = array<i32>} : memref<16x128xf32, #tpu.memory_space<vmem>>, vector<16xf32>,
    %swap3A_319 = arith.constant 9 : i32
    %swap3A_320 = arith.index_cast %swap3A_319 : i32 to index
    %swap3A_321 = arith.constant 112 : index
    %swap3A_322 = tpu.vector_load %arg11[%swap3A_320, %swap3A_321] {strides = array<i32>} : memref<16x128xf32, #tpu.memory_space<vmem>>, vector<16xf32>,
    tpu.vector_store %arg11[%swap3A_320, %swap3A_321], %broadcast_in_dim3A_1 {strides = array<i32>} : memref<16x128xf32, #tpu.memory_space<vmem>>, vector<16xf32>,
    %swap3A_323 = arith.constant 10 : i32
    %swap3A_324 = arith.index_cast %swap3A_323 : i32 to index
    %swap3A_325 = arith.constant 0 : index
    %swap3A_326 = tpu.vector_load %arg11[%swap3A_324, %swap3A_325] {strides = array<i32>} : memref<16x128xf32, #tpu.memory_space<vmem>>, vector<16xf32>,
    tpu.vector_store %arg11[%swap3A_324, %swap3A_325], %broadcast_in_dim3A_1 {strides = array<i32>} : memref<16x128xf32, #tpu.memory_space<vmem>>, vector<16xf32>,
    %swap3A_327 = arith.constant 10 : i32
    %swap3A_328 = arith.index_cast %swap3A_327 : i32 to index
    %swap3A_329 = arith.constant 16 : index
    %swap3A_330 = tpu.vector_load %arg11[%swap3A_328, %swap3A_329] {strides = array<i32>} : memref<16x128xf32, #tpu.memory_space<vmem>>, vector<16xf32>,
    tpu.vector_store %arg11[%swap3A_328, %swap3A_329], %broadcast_in_dim3A_1 {strides = array<i32>} : memref<16x128xf32, #tpu.memory_space<vmem>>, vector<16xf32>,
    %swap3A_331 = arith.constant 10 : i32
    %swap3A_332 = arith.index_cast %swap3A_331 : i32 to index
    %swap3A_333 = arith.constant 32 : index
    %swap3A_334 = tpu.vector_load %arg11[%swap3A_332, %swap3A_333] {strides = array<i32>} : memref<16x128xf32, #tpu.memory_space<vmem>>, vector<16xf32>,
    tpu.vector_store %arg11[%swap3A_332, %swap3A_333], %broadcast_in_dim3A_1 {strides = array<i32>} : memref<16x128xf32, #tpu.memory_space<vmem>>, vector<16xf32>,
    %swap3A_335 = arith.constant 10 : i32
    %swap3A_336 = arith.index_cast %swap3A_335 : i32 to index
    %swap3A_337 = arith.constant 48 : index
    %swap3A_338 = tpu.vector_load %arg11[%swap3A_336, %swap3A_337] {strides = array<i32>} : memref<16x128xf32, #tpu.memory_space<vmem>>, vector<16xf32>,
    tpu.vector_store %arg11[%swap3A_336, %swap3A_337], %broadcast_in_dim3A_1 {strides = array<i32>} : memref<16x128xf32, #tpu.memory_space<vmem>>, vector<16xf32>,
    %swap3A_339 = arith.constant 10 : i32
    %swap3A_340 = arith.index_cast %swap3A_339 : i32 to index
    %swap3A_341 = arith.constant 64 : index
    %swap3A_342 = tpu.vector_load %arg11[%swap3A_340, %swap3A_341] {strides = array<i32>} : memref<16x128xf32, #tpu.memory_space<vmem>>, vector<16xf32>,
    tpu.vector_store %arg11[%swap3A_340, %swap3A_341], %broadcast_in_dim3A_1 {strides = array<i32>} : memref<16x128xf32, #tpu.memory_space<vmem>>, vector<16xf32>,
    %swap3A_343 = arith.constant 10 : i32
    %swap3A_344 = arith.index_cast %swap3A_343 : i32 to index
    %swap3A_345 = arith.constant 80 : index
    %swap3A_346 = tpu.vector_load %arg11[%swap3A_344, %swap3A_345] {strides = array<i32>} : memref<16x128xf32, #tpu.memory_space<vmem>>, vector<16xf32>,
    tpu.vector_store %arg11[%swap3A_344, %swap3A_345], %broadcast_in_dim3A_1 {strides = array<i32>} : memref<16x128xf32, #tpu.memory_space<vmem>>, vector<16xf32>,
    %swap3A_347 = arith.constant 10 : i32
    %swap3A_348 = arith.index_cast %swap3A_347 : i32 to index
    %swap3A_349 = arith.constant 96 : index
    %swap3A_350 = tpu.vector_load %arg11[%swap3A_348, %swap3A_349] {strides = array<i32>} : memref<16x128xf32, #tpu.memory_space<vmem>>, vector<16xf32>,
    tpu.vector_store %arg11[%swap3A_348, %swap3A_349], %broadcast_in_dim3A_1 {strides = array<i32>} : memref<16x128xf32, #tpu.memory_space<vmem>>, vector<16xf32>,
    %swap3A_351 = arith.constant 10 : i32
    %swap3A_352 = arith.index_cast %swap3A_351 : i32 to index
    %swap3A_353 = arith.constant 112 : index
    %swap3A_354 = tpu.vector_load %arg11[%swap3A_352, %swap3A_353] {strides = array<i32>} : memref<16x128xf32, #tpu.memory_space<vmem>>, vector<16xf32>,
    tpu.vector_store %arg11[%swap3A_352, %swap3A_353], %broadcast_in_dim3A_1 {strides = array<i32>} : memref<16x128xf32, #tpu.memory_space<vmem>>, vector<16xf32>,
    %swap3A_355 = arith.constant 11 : i32
    %swap3A_356 = arith.index_cast %swap3A_355 : i32 to index
    %swap3A_357 = arith.constant 0 : index
    %swap3A_358 = tpu.vector_load %arg11[%swap3A_356, %swap3A_357] {strides = array<i32>} : memref<16x128xf32, #tpu.memory_space<vmem>>, vector<16xf32>,
    tpu.vector_store %arg11[%swap3A_356, %swap3A_357], %broadcast_in_dim3A_1 {strides = array<i32>} : memref<16x128xf32, #tpu.memory_space<vmem>>, vector<16xf32>,
    %swap3A_359 = arith.constant 11 : i32
    %swap3A_360 = arith.index_cast %swap3A_359 : i32 to index
    %swap3A_361 = arith.constant 16 : index
    %swap3A_362 = tpu.vector_load %arg11[%swap3A_360, %swap3A_361] {strides = array<i32>} : memref<16x128xf32, #tpu.memory_space<vmem>>, vector<16xf32>,
    tpu.vector_store %arg11[%swap3A_360, %swap3A_361], %broadcast_in_dim3A_1 {strides = array<i32>} : memref<16x128xf32, #tpu.memory_space<vmem>>, vector<16xf32>,
    %swap3A_363 = arith.constant 11 : i32
    %swap3A_364 = arith.index_cast %swap3A_363 : i32 to index
    %swap3A_365 = arith.constant 32 : index
    %swap3A_366 = tpu.vector_load %arg11[%swap3A_364, %swap3A_365] {strides = array<i32>} : memref<16x128xf32, #tpu.memory_space<vmem>>, vector<16xf32>,
    tpu.vector_store %arg11[%swap3A_364, %swap3A_365], %broadcast_in_dim3A_1 {strides = array<i32>} : memref<16x128xf32, #tpu.memory_space<vmem>>, vector<16xf32>,
    %swap3A_367 = arith.constant 11 : i32
    %swap3A_368 = arith.index_cast %swap3A_367 : i32 to index
    %swap3A_369 = arith.constant 48 : index
    %swap3A_370 = tpu.vector_load %arg11[%swap3A_368, %swap3A_369] {strides = array<i32>} : memref<16x128xf32, #tpu.memory_space<vmem>>, vector<16xf32>,
    tpu.vector_store %arg11[%swap3A_368, %swap3A_369], %broadcast_in_dim3A_1 {strides = array<i32>} : memref<16x128xf32, #tpu.memory_space<vmem>>, vector<16xf32>,
    %swap3A_371 = arith.constant 11 : i32
    %swap3A_372 = arith.index_cast %swap3A_371 : i32 to index
    %swap3A_373 = arith.constant 64 : index
    %swap3A_374 = tpu.vector_load %arg11[%swap3A_372, %swap3A_373] {strides = array<i32>} : memref<16x128xf32, #tpu.memory_space<vmem>>, vector<16xf32>,
    tpu.vector_store %arg11[%swap3A_372, %swap3A_373], %broadcast_in_dim3A_1 {strides = array<i32>} : memref<16x128xf32, #tpu.memory_space<vmem>>, vector<16xf32>,
    %swap3A_375 = arith.constant 11 : i32
    %swap3A_376 = arith.index_cast %swap3A_375 : i32 to index
    %swap3A_377 = arith.constant 80 : index
    %swap3A_378 = tpu.vector_load %arg11[%swap3A_376, %swap3A_377] {strides = array<i32>} : memref<16x128xf32, #tpu.memory_space<vmem>>, vector<16xf32>,
    tpu.vector_store %arg11[%swap3A_376, %swap3A_377], %broadcast_in_dim3A_1 {strides = array<i32>} : memref<16x128xf32, #tpu.memory_space<vmem>>, vector<16xf32>,
    %swap3A_379 = arith.constant 11 : i32
    %swap3A_380 = arith.index_cast %swap3A_379 : i32 to index
    %swap3A_381 = arith.constant 96 : index
    %swap3A_382 = tpu.vector_load %arg11[%swap3A_380, %swap3A_381] {strides = array<i32>} : memref<16x128xf32, #tpu.memory_space<vmem>>, vector<16xf32>,
    tpu.vector_store %arg11[%swap3A_380, %swap3A_381], %broadcast_in_dim3A_1 {strides = array<i32>} : memref<16x128xf32, #tpu.memory_space<vmem>>, vector<16xf32>,
    %swap3A_383 = arith.constant 11 : i32
    %swap3A_384 = arith.index_cast %swap3A_383 : i32 to index
    %swap3A_385 = arith.constant 112 : index
    %swap3A_386 = tpu.vector_load %arg11[%swap3A_384, %swap3A_385] {strides = array<i32>} : memref<16x128xf32, #tpu.memory_space<vmem>>, vector<16xf32>,
    tpu.vector_store %arg11[%swap3A_384, %swap3A_385], %broadcast_in_dim3A_1 {strides = array<i32>} : memref<16x128xf32, #tpu.memory_space<vmem>>, vector<16xf32>,
    %swap3A_387 = arith.constant 12 : i32
    %swap3A_388 = arith.index_cast %swap3A_387 : i32 to index
    %swap3A_389 = arith.constant 0 : index
    %swap3A_390 = tpu.vector_load %arg11[%swap3A_388, %swap3A_389] {strides = array<i32>} : memref<16x128xf32, #tpu.memory_space<vmem>>, vector<16xf32>,
    tpu.vector_store %arg11[%swap3A_388, %swap3A_389], %broadcast_in_dim3A_1 {strides = array<i32>} : memref<16x128xf32, #tpu.memory_space<vmem>>, vector<16xf32>,
    %swap3A_391 = arith.constant 12 : i32
    %swap3A_392 = arith.index_cast %swap3A_391 : i32 to index
    %swap3A_393 = arith.constant 16 : index
    %swap3A_394 = tpu.vector_load %arg11[%swap3A_392, %swap3A_393] {strides = array<i32>} : memref<16x128xf32, #tpu.memory_space<vmem>>, vector<16xf32>,
    tpu.vector_store %arg11[%swap3A_392, %swap3A_393], %broadcast_in_dim3A_1 {strides = array<i32>} : memref<16x128xf32, #tpu.memory_space<vmem>>, vector<16xf32>,
    %swap3A_395 = arith.constant 12 : i32
    %swap3A_396 = arith.index_cast %swap3A_395 : i32 to index
    %swap3A_397 = arith.constant 32 : index
    %swap3A_398 = tpu.vector_load %arg11[%swap3A_396, %swap3A_397] {strides = array<i32>} : memref<16x128xf32, #tpu.memory_space<vmem>>, vector<16xf32>,
    tpu.vector_store %arg11[%swap3A_396, %swap3A_397], %broadcast_in_dim3A_1 {strides = array<i32>} : memref<16x128xf32, #tpu.memory_space<vmem>>, vector<16xf32>,
    %swap3A_399 = arith.constant 12 : i32
    %swap3A_400 = arith.index_cast %swap3A_399 : i32 to index
    %swap3A_401 = arith.constant 48 : index
    %swap3A_402 = tpu.vector_load %arg11[%swap3A_400, %swap3A_401] {strides = array<i32>} : memref<16x128xf32, #tpu.memory_space<vmem>>, vector<16xf32>,
    tpu.vector_store %arg11[%swap3A_400, %swap3A_401], %broadcast_in_dim3A_1 {strides = array<i32>} : memref<16x128xf32, #tpu.memory_space<vmem>>, vector<16xf32>,
    %swap3A_403 = arith.constant 12 : i32
    %swap3A_404 = arith.index_cast %swap3A_403 : i32 to index
    %swap3A_405 = arith.constant 64 : index
    %swap3A_406 = tpu.vector_load %arg11[%swap3A_404, %swap3A_405] {strides = array<i32>} : memref<16x128xf32, #tpu.memory_space<vmem>>, vector<16xf32>,
    tpu.vector_store %arg11[%swap3A_404, %swap3A_405], %broadcast_in_dim3A_1 {strides = array<i32>} : memref<16x128xf32, #tpu.memory_space<vmem>>, vector<16xf32>,
    %swap3A_407 = arith.constant 12 : i32
    %swap3A_408 = arith.index_cast %swap3A_407 : i32 to index
    %swap3A_409 = arith.constant 80 : index
    %swap3A_410 = tpu.vector_load %arg11[%swap3A_408, %swap3A_409] {strides = array<i32>} : memref<16x128xf32, #tpu.memory_space<vmem>>, vector<16xf32>,
    tpu.vector_store %arg11[%swap3A_408, %swap3A_409], %broadcast_in_dim3A_1 {strides = array<i32>} : memref<16x128xf32, #tpu.memory_space<vmem>>, vector<16xf32>,
    %swap3A_411 = arith.constant 12 : i32
    %swap3A_412 = arith.index_cast %swap3A_411 : i32 to index
    %swap3A_413 = arith.constant 96 : index
    %swap3A_414 = tpu.vector_load %arg11[%swap3A_412, %swap3A_413] {strides = array<i32>} : memref<16x128xf32, #tpu.memory_space<vmem>>, vector<16xf32>,
    tpu.vector_store %arg11[%swap3A_412, %swap3A_413], %broadcast_in_dim3A_1 {strides = array<i32>} : memref<16x128xf32, #tpu.memory_space<vmem>>, vector<16xf32>,
    %swap3A_415 = arith.constant 12 : i32
    %swap3A_416 = arith.index_cast %swap3A_415 : i32 to index
    %swap3A_417 = arith.constant 112 : index
    %swap3A_418 = tpu.vector_load %arg11[%swap3A_416, %swap3A_417] {strides = array<i32>} : memref<16x128xf32, #tpu.memory_space<vmem>>, vector<16xf32>,
    tpu.vector_store %arg11[%swap3A_416, %swap3A_417], %broadcast_in_dim3A_1 {strides = array<i32>} : memref<16x128xf32, #tpu.memory_space<vmem>>, vector<16xf32>,
    %swap3A_419 = arith.constant 13 : i32
    %swap3A_420 = arith.index_cast %swap3A_419 : i32 to index
    %swap3A_421 = arith.constant 0 : index
    %swap3A_422 = tpu.vector_load %arg11[%swap3A_420, %swap3A_421] {strides = array<i32>} : memref<16x128xf32, #tpu.memory_space<vmem>>, vector<16xf32>,
    tpu.vector_store %arg11[%swap3A_420, %swap3A_421], %broadcast_in_dim3A_1 {strides = array<i32>} : memref<16x128xf32, #tpu.memory_space<vmem>>, vector<16xf32>,
    %swap3A_423 = arith.constant 13 : i32
    %swap3A_424 = arith.index_cast %swap3A_423 : i32 to index
    %swap3A_425 = arith.constant 16 : index
    %swap3A_426 = tpu.vector_load %arg11[%swap3A_424, %swap3A_425] {strides = array<i32>} : memref<16x128xf32, #tpu.memory_space<vmem>>, vector<16xf32>,
    tpu.vector_store %arg11[%swap3A_424, %swap3A_425], %broadcast_in_dim3A_1 {strides = array<i32>} : memref<16x128xf32, #tpu.memory_space<vmem>>, vector<16xf32>,
    %swap3A_427 = arith.constant 13 : i32
    %swap3A_428 = arith.index_cast %swap3A_427 : i32 to index
    %swap3A_429 = arith.constant 32 : index
    %swap3A_430 = tpu.vector_load %arg11[%swap3A_428, %swap3A_429] {strides = array<i32>} : memref<16x128xf32, #tpu.memory_space<vmem>>, vector<16xf32>,
    tpu.vector_store %arg11[%swap3A_428, %swap3A_429], %broadcast_in_dim3A_1 {strides = array<i32>} : memref<16x128xf32, #tpu.memory_space<vmem>>, vector<16xf32>,
    %swap3A_431 = arith.constant 13 : i32
    %swap3A_432 = arith.index_cast %swap3A_431 : i32 to index
    %swap3A_433 = arith.constant 48 : index
    %swap3A_434 = tpu.vector_load %arg11[%swap3A_432, %swap3A_433] {strides = array<i32>} : memref<16x128xf32, #tpu.memory_space<vmem>>, vector<16xf32>,
    tpu.vector_store %arg11[%swap3A_432, %swap3A_433], %broadcast_in_dim3A_1 {strides = array<i32>} : memref<16x128xf32, #tpu.memory_space<vmem>>, vector<16xf32>,
    %swap3A_435 = arith.constant 13 : i32
    %swap3A_436 = arith.index_cast %swap3A_435 : i32 to index
    %swap3A_437 = arith.constant 64 : index
    %swap3A_438 = tpu.vector_load %arg11[%swap3A_436, %swap3A_437] {strides = array<i32>} : memref<16x128xf32, #tpu.memory_space<vmem>>, vector<16xf32>,
    tpu.vector_store %arg11[%swap3A_436, %swap3A_437], %broadcast_in_dim3A_1 {strides = array<i32>} : memref<16x128xf32, #tpu.memory_space<vmem>>, vector<16xf32>,
    %swap3A_439 = arith.constant 13 : i32
    %swap3A_440 = arith.index_cast %swap3A_439 : i32 to index
    %swap3A_441 = arith.constant 80 : index
    %swap3A_442 = tpu.vector_load %arg11[%swap3A_440, %swap3A_441] {strides = array<i32>} : memref<16x128xf32, #tpu.memory_space<vmem>>, vector<16xf32>,
    tpu.vector_store %arg11[%swap3A_440, %swap3A_441], %broadcast_in_dim3A_1 {strides = array<i32>} : memref<16x128xf32, #tpu.memory_space<vmem>>, vector<16xf32>,
    %swap3A_443 = arith.constant 13 : i32
    %swap3A_444 = arith.index_cast %swap3A_443 : i32 to index
    %swap3A_445 = arith.constant 96 : index
    %swap3A_446 = tpu.vector_load %arg11[%swap3A_444, %swap3A_445] {strides = array<i32>} : memref<16x128xf32, #tpu.memory_space<vmem>>, vector<16xf32>,
    tpu.vector_store %arg11[%swap3A_444, %swap3A_445], %broadcast_in_dim3A_1 {strides = array<i32>} : memref<16x128xf32, #tpu.memory_space<vmem>>, vector<16xf32>,
    %swap3A_447 = arith.constant 13 : i32
    %swap3A_448 = arith.index_cast %swap3A_447 : i32 to index
    %swap3A_449 = arith.constant 112 : index
    %swap3A_450 = tpu.vector_load %arg11[%swap3A_448, %swap3A_449] {strides = array<i32>} : memref<16x128xf32, #tpu.memory_space<vmem>>, vector<16xf32>,
    tpu.vector_store %arg11[%swap3A_448, %swap3A_449], %broadcast_in_dim3A_1 {strides = array<i32>} : memref<16x128xf32, #tpu.memory_space<vmem>>, vector<16xf32>,
    %swap3A_451 = arith.constant 14 : i32
    %swap3A_452 = arith.index_cast %swap3A_451 : i32 to index
    %swap3A_453 = arith.constant 0 : index
    %swap3A_454 = tpu.vector_load %arg11[%swap3A_452, %swap3A_453] {strides = array<i32>} : memref<16x128xf32, #tpu.memory_space<vmem>>, vector<16xf32>,
    tpu.vector_store %arg11[%swap3A_452, %swap3A_453], %broadcast_in_dim3A_1 {strides = array<i32>} : memref<16x128xf32, #tpu.memory_space<vmem>>, vector<16xf32>,
    %swap3A_455 = arith.constant 14 : i32
    %swap3A_456 = arith.index_cast %swap3A_455 : i32 to index
    %swap3A_457 = arith.constant 16 : index
    %swap3A_458 = tpu.vector_load %arg11[%swap3A_456, %swap3A_457] {strides = array<i32>} : memref<16x128xf32, #tpu.memory_space<vmem>>, vector<16xf32>,
    tpu.vector_store %arg11[%swap3A_456, %swap3A_457], %broadcast_in_dim3A_1 {strides = array<i32>} : memref<16x128xf32, #tpu.memory_space<vmem>>, vector<16xf32>,
    %swap3A_459 = arith.constant 14 : i32
    %swap3A_460 = arith.index_cast %swap3A_459 : i32 to index
    %swap3A_461 = arith.constant 32 : index
    %swap3A_462 = tpu.vector_load %arg11[%swap3A_460, %swap3A_461] {strides = array<i32>} : memref<16x128xf32, #tpu.memory_space<vmem>>, vector<16xf32>,
    tpu.vector_store %arg11[%swap3A_460, %swap3A_461], %broadcast_in_dim3A_1 {strides = array<i32>} : memref<16x128xf32, #tpu.memory_space<vmem>>, vector<16xf32>,
    %swap3A_463 = arith.constant 14 : i32
    %swap3A_464 = arith.index_cast %swap3A_463 : i32 to index
    %swap3A_465 = arith.constant 48 : index
    %swap3A_466 = tpu.vector_load %arg11[%swap3A_464, %swap3A_465] {strides = array<i32>} : memref<16x128xf32, #tpu.memory_space<vmem>>, vector<16xf32>,
    tpu.vector_store %arg11[%swap3A_464, %swap3A_465], %broadcast_in_dim3A_1 {strides = array<i32>} : memref<16x128xf32, #tpu.memory_space<vmem>>, vector<16xf32>,
    %swap3A_467 = arith.constant 14 : i32
    %swap3A_468 = arith.index_cast %swap3A_467 : i32 to index
    %swap3A_469 = arith.constant 64 : index
    %swap3A_470 = tpu.vector_load %arg11[%swap3A_468, %swap3A_469] {strides = array<i32>} : memref<16x128xf32, #tpu.memory_space<vmem>>, vector<16xf32>,
    tpu.vector_store %arg11[%swap3A_468, %swap3A_469], %broadcast_in_dim3A_1 {strides = array<i32>} : memref<16x128xf32, #tpu.memory_space<vmem>>, vector<16xf32>,
    %swap3A_471 = arith.constant 14 : i32
    %swap3A_472 = arith.index_cast %swap3A_471 : i32 to index
    %swap3A_473 = arith.constant 80 : index
    %swap3A_474 = tpu.vector_load %arg11[%swap3A_472, %swap3A_473] {strides = array<i32>} : memref<16x128xf32, #tpu.memory_space<vmem>>, vector<16xf32>,
    tpu.vector_store %arg11[%swap3A_472, %swap3A_473], %broadcast_in_dim3A_1 {strides = array<i32>} : memref<16x128xf32, #tpu.memory_space<vmem>>, vector<16xf32>,
    %swap3A_475 = arith.constant 14 : i32
    %swap3A_476 = arith.index_cast %swap3A_475 : i32 to index
    %swap3A_477 = arith.constant 96 : index
    %swap3A_478 = tpu.vector_load %arg11[%swap3A_476, %swap3A_477] {strides = array<i32>} : memref<16x128xf32, #tpu.memory_space<vmem>>, vector<16xf32>,
    tpu.vector_store %arg11[%swap3A_476, %swap3A_477], %broadcast_in_dim3A_1 {strides = array<i32>} : memref<16x128xf32, #tpu.memory_space<vmem>>, vector<16xf32>,
    %swap3A_479 = arith.constant 14 : i32
    %swap3A_480 = arith.index_cast %swap3A_479 : i32 to index
    %swap3A_481 = arith.constant 112 : index
    %swap3A_482 = tpu.vector_load %arg11[%swap3A_480, %swap3A_481] {strides = array<i32>} : memref<16x128xf32, #tpu.memory_space<vmem>>, vector<16xf32>,
    tpu.vector_store %arg11[%swap3A_480, %swap3A_481], %broadcast_in_dim3A_1 {strides = array<i32>} : memref<16x128xf32, #tpu.memory_space<vmem>>, vector<16xf32>,
    %swap3A_483 = arith.constant 15 : i32
    %swap3A_484 = arith.index_cast %swap3A_483 : i32 to index
    %swap3A_485 = arith.constant 0 : index
    %swap3A_486 = tpu.vector_load %arg11[%swap3A_484, %swap3A_485] {strides = array<i32>} : memref<16x128xf32, #tpu.memory_space<vmem>>, vector<16xf32>,
    tpu.vector_store %arg11[%swap3A_484, %swap3A_485], %broadcast_in_dim3A_1 {strides = array<i32>} : memref<16x128xf32, #tpu.memory_space<vmem>>, vector<16xf32>,
    %swap3A_487 = arith.constant 15 : i32
    %swap3A_488 = arith.index_cast %swap3A_487 : i32 to index
    %swap3A_489 = arith.constant 16 : index
    %swap3A_490 = tpu.vector_load %arg11[%swap3A_488, %swap3A_489] {strides = array<i32>} : memref<16x128xf32, #tpu.memory_space<vmem>>, vector<16xf32>,
    tpu.vector_store %arg11[%swap3A_488, %swap3A_489], %broadcast_in_dim3A_1 {strides = array<i32>} : memref<16x128xf32, #tpu.memory_space<vmem>>, vector<16xf32>,
    %swap3A_491 = arith.constant 15 : i32
    %swap3A_492 = arith.index_cast %swap3A_491 : i32 to index
    %swap3A_493 = arith.constant 32 : index
    %swap3A_494 = tpu.vector_load %arg11[%swap3A_492, %swap3A_493] {strides = array<i32>} : memref<16x128xf32, #tpu.memory_space<vmem>>, vector<16xf32>,
    tpu.vector_store %arg11[%swap3A_492, %swap3A_493], %broadcast_in_dim3A_1 {strides = array<i32>} : memref<16x128xf32, #tpu.memory_space<vmem>>, vector<16xf32>,
    %swap3A_495 = arith.constant 15 : i32
    %swap3A_496 = arith.index_cast %swap3A_495 : i32 to index
    %swap3A_497 = arith.constant 48 : index
    %swap3A_498 = tpu.vector_load %arg11[%swap3A_496, %swap3A_497] {strides = array<i32>} : memref<16x128xf32, #tpu.memory_space<vmem>>, vector<16xf32>,
    tpu.vector_store %arg11[%swap3A_496, %swap3A_497], %broadcast_in_dim3A_1 {strides = array<i32>} : memref<16x128xf32, #tpu.memory_space<vmem>>, vector<16xf32>,
    %swap3A_499 = arith.constant 15 : i32
    %swap3A_500 = arith.index_cast %swap3A_499 : i32 to index
    %swap3A_501 = arith.constant 64 : index
    %swap3A_502 = tpu.vector_load %arg11[%swap3A_500, %swap3A_501] {strides = array<i32>} : memref<16x128xf32, #tpu.memory_space<vmem>>, vector<16xf32>,
    tpu.vector_store %arg11[%swap3A_500, %swap3A_501], %broadcast_in_dim3A_1 {strides = array<i32>} : memref<16x128xf32, #tpu.memory_space<vmem>>, vector<16xf32>,
    %swap3A_503 = arith.constant 15 : i32
    %swap3A_504 = arith.index_cast %swap3A_503 : i32 to index
    %swap3A_505 = arith.constant 80 : index
    %swap3A_506 = tpu.vector_load %arg11[%swap3A_504, %swap3A_505] {strides = array<i32>} : memref<16x128xf32, #tpu.memory_space<vmem>>, vector<16xf32>,
    tpu.vector_store %arg11[%swap3A_504, %swap3A_505], %broadcast_in_dim3A_1 {strides = array<i32>} : memref<16x128xf32, #tpu.memory_space<vmem>>, vector<16xf32>,
    %swap3A_507 = arith.constant 15 : i32
    %swap3A_508 = arith.index_cast %swap3A_507 : i32 to index
    %swap3A_509 = arith.constant 96 : index
    %swap3A_510 = tpu.vector_load %arg11[%swap3A_508, %swap3A_509] {strides = array<i32>} : memref<16x128xf32, #tpu.memory_space<vmem>>, vector<16xf32>,
    tpu.vector_store %arg11[%swap3A_508, %swap3A_509], %broadcast_in_dim3A_1 {strides = array<i32>} : memref<16x128xf32, #tpu.memory_space<vmem>>, vector<16xf32>,
    %swap3A_511 = arith.constant 15 : i32
    %swap3A_512 = arith.index_cast %swap3A_511 : i32 to index
    %swap3A_513 = arith.constant 112 : index
    %swap3A_514 = tpu.vector_load %arg11[%swap3A_512, %swap3A_513] {strides = array<i32>} : memref<16x128xf32, #tpu.memory_space<vmem>>, vector<16xf32>,
    tpu.vector_store %arg11[%swap3A_512, %swap3A_513], %broadcast_in_dim3A_1 {strides = array<i32>} : memref<16x128xf32, #tpu.memory_space<vmem>>, vector<16xf32>,
    %scan3A = arith.constant 0 : i32
    %scan3A_515 = arith.constant 0 : i32
    %scan3A_516 = arith.constant 128 : i32
    %scan3A_517 = arith.addi %scan3A_515, %scan3A_516 : i32
    %scan3A_518 = arith.constant 1 : i32
    scf.for %scan3A_535 = %scan3A_515 to %scan3A_517 step %scan3A_518  : i32 {
      %mul3A_536 = arith.constant 16 : i32
      %mul3A_537 = arith.muli %scan3A_535, %mul3A_536 : i32
      %swap3A_538 = arith.index_cast %mul3A_537 : i32 to index
      %swap3A_539 = tpu.vector_load %arg12[%swap3A_538] {strides = array<i32>} : memref<2048xf32, #tpu.memory_space<vmem>>, vector<16xf32>,
      tpu.vector_store %arg12[%swap3A_538], %broadcast_in_dim3A_1 {strides = array<i32>} : memref<2048xf32, #tpu.memory_space<vmem>>, vector<16xf32>,
    }
    %scan3A_519 = arith.constant 128 : i32
    %mul3A_520 = arith.constant 128 : i32
    %mul3A_521 = arith.muli %arg1, %mul3A_520 : i32
    %scan3A_522 = arith.constant 0 : i32
    %scan3A_523 = arith.constant 0 : i32
    %scan3A_524 = arith.constant 8 : i32
    %scan3A_525 = arith.addi %scan3A_523, %scan3A_524 : i32
    %scan3A_526 = arith.constant 1 : i32
    scf.for %scan3A_535 = %scan3A_523 to %scan3A_525 step %scan3A_526  : i32 {
      %mul3A_536 = arith.constant 16 : i32
      %mul3A_537 = arith.muli %scan3A_535, %mul3A_536 : i32
      %add3A_538 = arith.addi %mul3A_521, %mul3A_537 : i32
      "tpu.region"() ({
        %run_scoped3A = tpu.sem_alloc : memref<!tpu.dma_semaphore, #tpu.memory_space<semaphore_mem>>
        %dma_start3A = arith.constant 0 : i32
        %dma_start3A_539 = tpu.memref_slice %arg7[%add3A_538, %dma_start3A] : memref<2048x128xf32, #tpu.memory_space<vmem_shared>> -> memref<16x128xf32, #tpu.memory_space<vmem_shared>>
        %dma_start3A_540 = arith.constant 0 : i32
        %dma_start3A_541 = tpu.memref_slice %arg7[%add3A_538, %dma_start3A_540] : memref<2048x128xf32, #tpu.memory_space<vmem_shared>> -> memref<16x128xf32, #tpu.memory_space<vmem_shared>>
        tpu.enqueue_dma source(%arg11 : memref<16x128xf32, #tpu.memory_space<vmem>>) target(%dma_start3A_541 : memref<16x128xf32, #tpu.memory_space<vmem_shared>>) target_semaphore(%run_scoped3A : memref<!tpu.dma_semaphore, #tpu.memory_space<semaphore_mem>>)
        %dma_wait3A = arith.constant 0 : i32
        %dma_wait3A_542 = tpu.memref_slice %arg7[%add3A_538, %dma_wait3A] : memref<2048x128xf32, #tpu.memory_space<vmem_shared>> -> memref<16x128xf32, #tpu.memory_space<vmem_shared>>
        %dma_wait3A_543 = arith.constant 0 : i32
        %dma_wait3A_544 = tpu.memref_slice %arg7[%add3A_538, %dma_wait3A_543] : memref<2048x128xf32, #tpu.memory_space<vmem_shared>> -> memref<16x128xf32, #tpu.memory_space<vmem_shared>>
        tpu.wait_dma2 semaphore(%run_scoped3A : memref<!tpu.dma_semaphore, #tpu.memory_space<semaphore_mem>>) src(%arg11 : memref<16x128xf32, #tpu.memory_space<vmem>>) dst(%dma_wait3A_544 : memref<16x128xf32, #tpu.memory_space<vmem_shared>>)
        tpu.yield
      }) : () -> ()
    }
    %scan3A_527 = arith.constant 8 : i32
    %barrier3A = arith.constant 0 : index
    tpu.barrier barrier_id(%barrier3A)
    %scan3A_528 = arith.constant 0 : i32
    %scan3A_529 = arith.constant 0 : i32
    %scan3A_530 = arith.constant 15 : i32
    %scan3A_531 = arith.addi %scan3A_529, %scan3A_530 : i32
    %scan3A_532 = arith.constant 1 : i32
    scf.for %scan3A_535 = %scan3A_529 to %scan3A_531 step %scan3A_532  : i32 {
      %mul3A_536 = arith.constant 15 : i32
      %mul3A_537 = arith.muli %add3A, %mul3A_536 : i32
      %add3A_538 = arith.addi %mul3A_537, %scan3A_535 : i32
      %mul3A_539 = arith.constant 2 : i32
      %mul3A_540 = arith.muli %add3A_538, %mul3A_539 : i32
      "tpu.region"() ({
        %run_scoped3A_653 = tpu.sem_alloc : memref<!tpu.dma_semaphore, #tpu.memory_space<semaphore_mem>>
        %dma_start3A_654 = arith.constant 0 : i32
        %dma_start3A_655 = tpu.memref_slice %arg2[%mul3A_540, %dma_start3A_654] : memref<960x128xi32, #tpu.memory_space<hbm>> -> memref<2x128xi32, #tpu.memory_space<hbm>>
        %dma_start3A_656 = arith.constant 0 : i32
        %dma_start3A_657 = tpu.memref_slice %arg2[%mul3A_540, %dma_start3A_656] : memref<960x128xi32, #tpu.memory_space<hbm>> -> memref<2x128xi32, #tpu.memory_space<hbm>>
        tpu.enqueue_dma source(%dma_start3A_657 : memref<2x128xi32, #tpu.memory_space<hbm>>) target(%arg8 : memref<2x128xi32, #tpu.memory_space<vmem>>) target_semaphore(%run_scoped3A_653 : memref<!tpu.dma_semaphore, #tpu.memory_space<semaphore_mem>>)
        %dma_wait3A_658 = arith.constant 0 : i32
        %dma_wait3A_659 = tpu.memref_slice %arg2[%mul3A_540, %dma_wait3A_658] : memref<960x128xi32, #tpu.memory_space<hbm>> -> memref<2x128xi32, #tpu.memory_space<hbm>>
        %dma_wait3A_660 = arith.constant 0 : i32
        %dma_wait3A_661 = tpu.memref_slice %arg2[%mul3A_540, %dma_wait3A_660] : memref<960x128xi32, #tpu.memory_space<hbm>> -> memref<2x128xi32, #tpu.memory_space<hbm>>
        tpu.wait_dma2 semaphore(%run_scoped3A_653 : memref<!tpu.dma_semaphore, #tpu.memory_space<semaphore_mem>>) src(%dma_wait3A_661 : memref<2x128xi32, #tpu.memory_space<hbm>>) dst(%arg8 : memref<2x128xi32, #tpu.memory_space<vmem>>)
        tpu.yield
      }) : () -> ()
      "tpu.region"() ({
        %run_scoped3A_653 = tpu.sem_alloc : memref<!tpu.dma_semaphore, #tpu.memory_space<semaphore_mem>>
        %dma_start3A_654 = arith.constant 0 : i32
        %dma_start3A_655 = tpu.memref_slice %arg3[%mul3A_540, %dma_start3A_654] : memref<960x128xi32, #tpu.memory_space<hbm>> -> memref<2x128xi32, #tpu.memory_space<hbm>>
        %dma_start3A_656 = arith.constant 0 : i32
        %dma_start3A_657 = tpu.memref_slice %arg3[%mul3A_540, %dma_start3A_656] : memref<960x128xi32, #tpu.memory_space<hbm>> -> memref<2x128xi32, #tpu.memory_space<hbm>>
        tpu.enqueue_dma source(%dma_start3A_657 : memref<2x128xi32, #tpu.memory_space<hbm>>) target(%arg9 : memref<2x128xi32, #tpu.memory_space<vmem>>) target_semaphore(%run_scoped3A_653 : memref<!tpu.dma_semaphore, #tpu.memory_space<semaphore_mem>>)
        %dma_wait3A_658 = arith.constant 0 : i32
        %dma_wait3A_659 = tpu.memref_slice %arg3[%mul3A_540, %dma_wait3A_658] : memref<960x128xi32, #tpu.memory_space<hbm>> -> memref<2x128xi32, #tpu.memory_space<hbm>>
        %dma_wait3A_660 = arith.constant 0 : i32
        %dma_wait3A_661 = tpu.memref_slice %arg3[%mul3A_540, %dma_wait3A_660] : memref<960x128xi32, #tpu.memory_space<hbm>> -> memref<2x128xi32, #tpu.memory_space<hbm>>
        tpu.wait_dma2 semaphore(%run_scoped3A_653 : memref<!tpu.dma_semaphore, #tpu.memory_space<semaphore_mem>>) src(%dma_wait3A_661 : memref<2x128xi32, #tpu.memory_space<hbm>>) dst(%arg9 : memref<2x128xi32, #tpu.memory_space<vmem>>)
        tpu.yield
      }) : () -> ()
      %dma_start3A = arith.constant 0 : i32
      %dma_start3A_541 = arith.constant 0 : i32
      %dma_start3A_542 = arith.constant 0 : i32
      %dma_start3A_543 = arith.constant 0 : i32
      %dma_start3A_544 = tpu.memref_slice %arg10[%dma_start3A_541, %dma_start3A_542, %dma_start3A_543] : memref<2x128x128xf32, #tpu.memory_space<vmem>> -> memref<1x128x128xf32, #tpu.memory_space<vmem>>
      %dma_start3A_545 = tpu.memref_squeeze %dma_start3A_544 : memref<1x128x128xf32, #tpu.memory_space<vmem>> -> memref<128x128xf32, #tpu.memory_space<vmem>>
      %dma_start3A_546 = arith.constant 0 : i32
      %dma_start3A_547 = tpu.memref_slice %arg8[%dma_start3A, %dma_start3A_546] : memref<2x128xi32, #tpu.memory_space<vmem>> -> memref<1x128xi32, #tpu.memory_space<vmem>>
      %dma_start3A_548 = tpu.memref_squeeze %dma_start3A_547 : memref<1x128xi32, #tpu.memory_space<vmem>> -> memref<128xi32, #tpu.memory_space<vmem>>
      %dma_start3A_549 = arith.constant 0 : i32
      %dma_start3A_550 = arith.constant 0 : i32
      %dma_start3A_551 = tpu.memref_slice %arg4[%dma_start3A_549, %dma_start3A_550] : memref<10000x128xf32, #tpu.memory_space<hbm>> -> memref<10000x128xf32, #tpu.memory_space<hbm>>
      tpu.enqueue_indirect_dma source(%dma_start3A_551 : memref<10000x128xf32, #tpu.memory_space<hbm>>) target(%dma_start3A_545 : memref<128x128xf32, #tpu.memory_space<vmem>>) offsets(%dma_start3A_548 : memref<128xi32, #tpu.memory_space<vmem>>) semaphore(%arg13 : memref<!tpu.dma_semaphore, #tpu.memory_space<semaphore_mem>>)
      %dma_start3A_552 = arith.constant 1 : i32
      %dma_start3A_553 = arith.constant 1 : i32
      %dma_start3A_554 = arith.constant 0 : i32
      %dma_start3A_555 = arith.constant 0 : i32
      %dma_start3A_556 = tpu.memref_slice %arg10[%dma_start3A_553, %dma_start3A_554, %dma_start3A_555] : memref<2x128x128xf32, #tpu.memory_space<vmem>> -> memref<1x128x128xf32, #tpu.memory_space<vmem>>
      %dma_start3A_557 = tpu.memref_squeeze %dma_start3A_556 : memref<1x128x128xf32, #tpu.memory_space<vmem>> -> memref<128x128xf32, #tpu.memory_space<vmem>>
      %dma_start3A_558 = arith.constant 0 : i32
      %dma_start3A_559 = tpu.memref_slice %arg8[%dma_start3A_552, %dma_start3A_558] : memref<2x128xi32, #tpu.memory_space<vmem>> -> memref<1x128xi32, #tpu.memory_space<vmem>>
      %dma_start3A_560 = tpu.memref_squeeze %dma_start3A_559 : memref<1x128xi32, #tpu.memory_space<vmem>> -> memref<128xi32, #tpu.memory_space<vmem>>
      %dma_start3A_561 = arith.constant 0 : i32
      %dma_start3A_562 = arith.constant 0 : i32
      %dma_start3A_563 = tpu.memref_slice %arg4[%dma_start3A_561, %dma_start3A_562] : memref<10000x128xf32, #tpu.memory_space<hbm>> -> memref<10000x128xf32, #tpu.memory_space<hbm>>
      tpu.enqueue_indirect_dma source(%dma_start3A_563 : memref<10000x128xf32, #tpu.memory_space<hbm>>) target(%dma_start3A_557 : memref<128x128xf32, #tpu.memory_space<vmem>>) offsets(%dma_start3A_560 : memref<128xi32, #tpu.memory_space<vmem>>) semaphore(%arg13 : memref<!tpu.dma_semaphore, #tpu.memory_space<semaphore_mem>>)
      %dma_wait3A = arith.constant 0 : i32
      %dma_wait3A_564 = arith.constant 0 : i32
      %dma_wait3A_565 = arith.constant 0 : i32
      %dma_wait3A_566 = arith.constant 0 : i32
      %dma_wait3A_567 = tpu.memref_slice %arg10[%dma_wait3A_564, %dma_wait3A_565, %dma_wait3A_566] : memref<2x128x128xf32, #tpu.memory_space<vmem>> -> memref<1x128x128xf32, #tpu.memory_space<vmem>>
      %dma_wait3A_568 = tpu.memref_squeeze %dma_wait3A_567 : memref<1x128x128xf32, #tpu.memory_space<vmem>> -> memref<128x128xf32, #tpu.memory_space<vmem>>
      %dma_wait3A_569 = arith.constant 0 : i32
      %dma_wait3A_570 = tpu.memref_slice %arg8[%dma_wait3A, %dma_wait3A_569] : memref<2x128xi32, #tpu.memory_space<vmem>> -> memref<1x128xi32, #tpu.memory_space<vmem>>
      %dma_wait3A_571 = tpu.memref_squeeze %dma_wait3A_570 : memref<1x128xi32, #tpu.memory_space<vmem>> -> memref<128xi32, #tpu.memory_space<vmem>>
      %dma_wait3A_572 = arith.constant 0 : i32
      %dma_wait3A_573 = arith.constant 0 : i32
      %dma_wait3A_574 = tpu.memref_slice %arg4[%dma_wait3A_572, %dma_wait3A_573] : memref<10000x128xf32, #tpu.memory_space<hbm>> -> memref<10000x128xf32, #tpu.memory_space<hbm>>
      tpu.wait_indirect_dma semaphore(%arg13 : memref<!tpu.dma_semaphore, #tpu.memory_space<semaphore_mem>>) src(%dma_wait3A_574 : memref<10000x128xf32, #tpu.memory_space<hbm>>) dst(%dma_wait3A_568 : memref<128x128xf32, #tpu.memory_space<vmem>>)
      %dma_wait3A_575 = arith.constant 1 : i32
      %dma_wait3A_576 = arith.constant 1 : i32
      %dma_wait3A_577 = arith.constant 0 : i32
      %dma_wait3A_578 = arith.constant 0 : i32
      %dma_wait3A_579 = tpu.memref_slice %arg10[%dma_wait3A_576, %dma_wait3A_577, %dma_wait3A_578] : memref<2x128x128xf32, #tpu.memory_space<vmem>> -> memref<1x128x128xf32, #tpu.memory_space<vmem>>
      %dma_wait3A_580 = tpu.memref_squeeze %dma_wait3A_579 : memref<1x128x128xf32, #tpu.memory_space<vmem>> -> memref<128x128xf32, #tpu.memory_space<vmem>>
      %dma_wait3A_581 = arith.constant 0 : i32
      %dma_wait3A_582 = tpu.memref_slice %arg8[%dma_wait3A_575, %dma_wait3A_581] : memref<2x128xi32, #tpu.memory_space<vmem>> -> memref<1x128xi32, #tpu.memory_space<vmem>>
      %dma_wait3A_583 = tpu.memref_squeeze %dma_wait3A_582 : memref<1x128xi32, #tpu.memory_space<vmem>> -> memref<128xi32, #tpu.memory_space<vmem>>
      %dma_wait3A_584 = arith.constant 0 : i32
      %dma_wait3A_585 = arith.constant 0 : i32
      %dma_wait3A_586 = tpu.memref_slice %arg4[%dma_wait3A_584, %dma_wait3A_585] : memref<10000x128xf32, #tpu.memory_space<hbm>> -> memref<10000x128xf32, #tpu.memory_space<hbm>>
      tpu.wait_indirect_dma semaphore(%arg13 : memref<!tpu.dma_semaphore, #tpu.memory_space<semaphore_mem>>) src(%dma_wait3A_586 : memref<10000x128xf32, #tpu.memory_space<hbm>>) dst(%dma_wait3A_580 : memref<128x128xf32, #tpu.memory_space<vmem>>)
      %run_scoped3A = arith.constant 0 : i32
      %run_scoped3A_587 = arith.constant 0 : i32
      "tpu.region"() ({
        %run_scoped3A_653 = tpu.sem_alloc : memref<!tpu.dma_semaphore, #tpu.memory_space<semaphore_mem>>
        %dma_start3A_654 = arith.constant 0 : i32
        %dma_start3A_655 = arith.constant 0 : i32
        %dma_start3A_656 = tpu.memref_slice %arg10[%run_scoped3A, %dma_start3A_654, %dma_start3A_655] : memref<2x128x128xf32, #tpu.memory_space<vmem>> -> memref<1x128x128xf32, #tpu.memory_space<vmem>>
        %dma_start3A_657 = tpu.memref_squeeze %dma_start3A_656 : memref<1x128x128xf32, #tpu.memory_space<vmem>> -> memref<128x128xf32, #tpu.memory_space<vmem>>
        %dma_start3A_658 = arith.constant 0 : i32
        %dma_start3A_659 = tpu.memref_slice %arg9[%run_scoped3A_587, %dma_start3A_658] : memref<2x128xi32, #tpu.memory_space<vmem>> -> memref<1x128xi32, #tpu.memory_space<vmem>>
        %dma_start3A_660 = tpu.memref_squeeze %dma_start3A_659 : memref<1x128xi32, #tpu.memory_space<vmem>> -> memref<128xi32, #tpu.memory_space<vmem>>
        %dma_start3A_661 = arith.constant 0 : i32
        %dma_start3A_662 = arith.constant 0 : i32
        %dma_start3A_663 = tpu.memref_slice %arg7[%dma_start3A_661, %dma_start3A_662] : memref<2048x128xf32, #tpu.memory_space<vmem_shared>> -> memref<2048x128xf32, #tpu.memory_space<vmem_shared>>
        tpu.enqueue_indirect_dma source(%dma_start3A_657 : memref<128x128xf32, #tpu.memory_space<vmem>>) target(%dma_start3A_663 : memref<2048x128xf32, #tpu.memory_space<vmem_shared>>) offsets(%dma_start3A_660 : memref<128xi32, #tpu.memory_space<vmem>>) semaphore(%run_scoped3A_653 : memref<!tpu.dma_semaphore, #tpu.memory_space<semaphore_mem>>) {add = true}
        %dma_wait3A_664 = arith.constant 0 : i32
        %dma_wait3A_665 = arith.constant 0 : i32
        %dma_wait3A_666 = tpu.memref_slice %arg10[%run_scoped3A, %dma_wait3A_664, %dma_wait3A_665] : memref<2x128x128xf32, #tpu.memory_space<vmem>> -> memref<1x128x128xf32, #tpu.memory_space<vmem>>
        %dma_wait3A_667 = tpu.memref_squeeze %dma_wait3A_666 : memref<1x128x128xf32, #tpu.memory_space<vmem>> -> memref<128x128xf32, #tpu.memory_space<vmem>>
        %dma_wait3A_668 = arith.constant 0 : i32
        %dma_wait3A_669 = tpu.memref_slice %arg9[%run_scoped3A_587, %dma_wait3A_668] : memref<2x128xi32, #tpu.memory_space<vmem>> -> memref<1x128xi32, #tpu.memory_space<vmem>>
        %dma_wait3A_670 = tpu.memref_squeeze %dma_wait3A_669 : memref<1x128xi32, #tpu.memory_space<vmem>> -> memref<128xi32, #tpu.memory_space<vmem>>
        %dma_wait3A_671 = arith.constant 0 : i32
        %dma_wait3A_672 = arith.constant 0 : i32
        %dma_wait3A_673 = tpu.memref_slice %arg7[%dma_wait3A_671, %dma_wait3A_672] : memref<2048x128xf32, #tpu.memory_space<vmem_shared>> -> memref<2048x128xf32, #tpu.memory_space<vmem_shared>>
        tpu.wait_indirect_dma semaphore(%run_scoped3A_653 : memref<!tpu.dma_semaphore, #tpu.memory_space<semaphore_mem>>) src(%dma_wait3A_667 : memref<128x128xf32, #tpu.memory_space<vmem>>) dst(%dma_wait3A_673 : memref<2048x128xf32, #tpu.memory_space<vmem_shared>>)
        tpu.yield
      }) : () -> ()
      %get3A = arith.constant 0 : i32
      %get3A_588 = arith.index_cast %get3A : i32 to index
      %get3A_589 = arith.constant 0 : index
      %get3A_590 = tpu.vector_load %arg9[%get3A_588, %get3A_589] {strides = array<i32>} : memref<2x128xi32, #tpu.memory_space<vmem>>, vector<16xi32>,
      tpu.vector_store_idx %arg12[%get3A_590], %broadcast_in_dim3A_3 {add = true} : memref<2048xf32, #tpu.memory_space<vmem>>[vector<16xi32>], vector<16xf32>,
      %get3A_591 = arith.constant 0 : i32
      %get3A_592 = arith.index_cast %get3A_591 : i32 to index
      %get3A_593 = arith.constant 16 : index
      %get3A_594 = tpu.vector_load %arg9[%get3A_592, %get3A_593] {strides = array<i32>} : memref<2x128xi32, #tpu.memory_space<vmem>>, vector<16xi32>,
      tpu.vector_store_idx %arg12[%get3A_594], %broadcast_in_dim3A_3 {add = true} : memref<2048xf32, #tpu.memory_space<vmem>>[vector<16xi32>], vector<16xf32>,
      %get3A_595 = arith.constant 0 : i32
      %get3A_596 = arith.index_cast %get3A_595 : i32 to index
      %get3A_597 = arith.constant 32 : index
      %get3A_598 = tpu.vector_load %arg9[%get3A_596, %get3A_597] {strides = array<i32>} : memref<2x128xi32, #tpu.memory_space<vmem>>, vector<16xi32>,
      tpu.vector_store_idx %arg12[%get3A_598], %broadcast_in_dim3A_3 {add = true} : memref<2048xf32, #tpu.memory_space<vmem>>[vector<16xi32>], vector<16xf32>,
      %get3A_599 = arith.constant 0 : i32
      %get3A_600 = arith.index_cast %get3A_599 : i32 to index
      %get3A_601 = arith.constant 48 : index
      %get3A_602 = tpu.vector_load %arg9[%get3A_600, %get3A_601] {strides = array<i32>} : memref<2x128xi32, #tpu.memory_space<vmem>>, vector<16xi32>,
      tpu.vector_store_idx %arg12[%get3A_602], %broadcast_in_dim3A_3 {add = true} : memref<2048xf32, #tpu.memory_space<vmem>>[vector<16xi32>], vector<16xf32>,
      %get3A_603 = arith.constant 0 : i32
      %get3A_604 = arith.index_cast %get3A_603 : i32 to index
      %get3A_605 = arith.constant 64 : index
      %get3A_606 = tpu.vector_load %arg9[%get3A_604, %get3A_605] {strides = array<i32>} : memref<2x128xi32, #tpu.memory_space<vmem>>, vector<16xi32>,
      tpu.vector_store_idx %arg12[%get3A_606], %broadcast_in_dim3A_3 {add = true} : memref<2048xf32, #tpu.memory_space<vmem>>[vector<16xi32>], vector<16xf32>,
      %get3A_607 = arith.constant 0 : i32
      %get3A_608 = arith.index_cast %get3A_607 : i32 to index
      %get3A_609 = arith.constant 80 : index
      %get3A_610 = tpu.vector_load %arg9[%get3A_608, %get3A_609] {strides = array<i32>} : memref<2x128xi32, #tpu.memory_space<vmem>>, vector<16xi32>,
      tpu.vector_store_idx %arg12[%get3A_610], %broadcast_in_dim3A_3 {add = true} : memref<2048xf32, #tpu.memory_space<vmem>>[vector<16xi32>], vector<16xf32>,
      %get3A_611 = arith.constant 0 : i32
      %get3A_612 = arith.index_cast %get3A_611 : i32 to index
      %get3A_613 = arith.constant 96 : index
      %get3A_614 = tpu.vector_load %arg9[%get3A_612, %get3A_613] {strides = array<i32>} : memref<2x128xi32, #tpu.memory_space<vmem>>, vector<16xi32>,
      tpu.vector_store_idx %arg12[%get3A_614], %broadcast_in_dim3A_3 {add = true} : memref<2048xf32, #tpu.memory_space<vmem>>[vector<16xi32>], vector<16xf32>,
      %get3A_615 = arith.constant 0 : i32
      %get3A_616 = arith.index_cast %get3A_615 : i32 to index
      %get3A_617 = arith.constant 112 : index
      %get3A_618 = tpu.vector_load %arg9[%get3A_616, %get3A_617] {strides = array<i32>} : memref<2x128xi32, #tpu.memory_space<vmem>>, vector<16xi32>,
      tpu.vector_store_idx %arg12[%get3A_618], %broadcast_in_dim3A_3 {add = true} : memref<2048xf32, #tpu.memory_space<vmem>>[vector<16xi32>], vector<16xf32>,
      %run_scoped3A_619 = arith.constant 1 : i32
      %run_scoped3A_620 = arith.constant 1 : i32
      "tpu.region"() ({
        %run_scoped3A_653 = tpu.sem_alloc : memref<!tpu.dma_semaphore, #tpu.memory_space<semaphore_mem>>
        %dma_start3A_654 = arith.constant 0 : i32
        %dma_start3A_655 = arith.constant 0 : i32
        %dma_start3A_656 = tpu.memref_slice %arg10[%run_scoped3A_619, %dma_start3A_654, %dma_start3A_655] : memref<2x128x128xf32, #tpu.memory_space<vmem>> -> memref<1x128x128xf32, #tpu.memory_space<vmem>>
        %dma_start3A_657 = tpu.memref_squeeze %dma_start3A_656 : memref<1x128x128xf32, #tpu.memory_space<vmem>> -> memref<128x128xf32, #tpu.memory_space<vmem>>
        %dma_start3A_658 = arith.constant 0 : i32
        %dma_start3A_659 = tpu.memref_slice %arg9[%run_scoped3A_620, %dma_start3A_658] : memref<2x128xi32, #tpu.memory_space<vmem>> -> memref<1x128xi32, #tpu.memory_space<vmem>>
        %dma_start3A_660 = tpu.memref_squeeze %dma_start3A_659 : memref<1x128xi32, #tpu.memory_space<vmem>> -> memref<128xi32, #tpu.memory_space<vmem>>
        %dma_start3A_661 = arith.constant 0 : i32
        %dma_start3A_662 = arith.constant 0 : i32
        %dma_start3A_663 = tpu.memref_slice %arg7[%dma_start3A_661, %dma_start3A_662] : memref<2048x128xf32, #tpu.memory_space<vmem_shared>> -> memref<2048x128xf32, #tpu.memory_space<vmem_shared>>
        tpu.enqueue_indirect_dma source(%dma_start3A_657 : memref<128x128xf32, #tpu.memory_space<vmem>>) target(%dma_start3A_663 : memref<2048x128xf32, #tpu.memory_space<vmem_shared>>) offsets(%dma_start3A_660 : memref<128xi32, #tpu.memory_space<vmem>>) semaphore(%run_scoped3A_653 : memref<!tpu.dma_semaphore, #tpu.memory_space<semaphore_mem>>) {add = true}
        %dma_wait3A_664 = arith.constant 0 : i32
        %dma_wait3A_665 = arith.constant 0 : i32
        %dma_wait3A_666 = tpu.memref_slice %arg10[%run_scoped3A_619, %dma_wait3A_664, %dma_wait3A_665] : memref<2x128x128xf32, #tpu.memory_space<vmem>> -> memref<1x128x128xf32, #tpu.memory_space<vmem>>
        %dma_wait3A_667 = tpu.memref_squeeze %dma_wait3A_666 : memref<1x128x128xf32, #tpu.memory_space<vmem>> -> memref<128x128xf32, #tpu.memory_space<vmem>>
        %dma_wait3A_668 = arith.constant 0 : i32
        %dma_wait3A_669 = tpu.memref_slice %arg9[%run_scoped3A_620, %dma_wait3A_668] : memref<2x128xi32, #tpu.memory_space<vmem>> -> memref<1x128xi32, #tpu.memory_space<vmem>>
        %dma_wait3A_670 = tpu.memref_squeeze %dma_wait3A_669 : memref<1x128xi32, #tpu.memory_space<vmem>> -> memref<128xi32, #tpu.memory_space<vmem>>
        %dma_wait3A_671 = arith.constant 0 : i32
        %dma_wait3A_672 = arith.constant 0 : i32
        %dma_wait3A_673 = tpu.memref_slice %arg7[%dma_wait3A_671, %dma_wait3A_672] : memref<2048x128xf32, #tpu.memory_space<vmem_shared>> -> memref<2048x128xf32, #tpu.memory_space<vmem_shared>>
        tpu.wait_indirect_dma semaphore(%run_scoped3A_653 : memref<!tpu.dma_semaphore, #tpu.memory_space<semaphore_mem>>) src(%dma_wait3A_667 : memref<128x128xf32, #tpu.memory_space<vmem>>) dst(%dma_wait3A_673 : memref<2048x128xf32, #tpu.memory_space<vmem_shared>>)
        tpu.yield
      }) : () -> ()
      %get3A_621 = arith.constant 1 : i32
      %get3A_622 = arith.index_cast %get3A_621 : i32 to index
      %get3A_623 = arith.constant 0 : index
      %get3A_624 = tpu.vector_load %arg9[%get3A_622, %get3A_623] {strides = array<i32>} : memref<2x128xi32, #tpu.memory_space<vmem>>, vector<16xi32>,
      tpu.vector_store_idx %arg12[%get3A_624], %broadcast_in_dim3A_3 {add = true} : memref<2048xf32, #tpu.memory_space<vmem>>[vector<16xi32>], vector<16xf32>,
      %get3A_625 = arith.constant 1 : i32
      %get3A_626 = arith.index_cast %get3A_625 : i32 to index
      %get3A_627 = arith.constant 16 : index
      %get3A_628 = tpu.vector_load %arg9[%get3A_626, %get3A_627] {strides = array<i32>} : memref<2x128xi32, #tpu.memory_space<vmem>>, vector<16xi32>,
      tpu.vector_store_idx %arg12[%get3A_628], %broadcast_in_dim3A_3 {add = true} : memref<2048xf32, #tpu.memory_space<vmem>>[vector<16xi32>], vector<16xf32>,
      %get3A_629 = arith.constant 1 : i32
      %get3A_630 = arith.index_cast %get3A_629 : i32 to index
      %get3A_631 = arith.constant 32 : index
      %get3A_632 = tpu.vector_load %arg9[%get3A_630, %get3A_631] {strides = array<i32>} : memref<2x128xi32, #tpu.memory_space<vmem>>, vector<16xi32>,
      tpu.vector_store_idx %arg12[%get3A_632], %broadcast_in_dim3A_3 {add = true} : memref<2048xf32, #tpu.memory_space<vmem>>[vector<16xi32>], vector<16xf32>,
      %get3A_633 = arith.constant 1 : i32
      %get3A_634 = arith.index_cast %get3A_633 : i32 to index
      %get3A_635 = arith.constant 48 : index
      %get3A_636 = tpu.vector_load %arg9[%get3A_634, %get3A_635] {strides = array<i32>} : memref<2x128xi32, #tpu.memory_space<vmem>>, vector<16xi32>,
      tpu.vector_store_idx %arg12[%get3A_636], %broadcast_in_dim3A_3 {add = true} : memref<2048xf32, #tpu.memory_space<vmem>>[vector<16xi32>], vector<16xf32>,
      %get3A_637 = arith.constant 1 : i32
      %get3A_638 = arith.index_cast %get3A_637 : i32 to index
      %get3A_639 = arith.constant 64 : index
      %get3A_640 = tpu.vector_load %arg9[%get3A_638, %get3A_639] {strides = array<i32>} : memref<2x128xi32, #tpu.memory_space<vmem>>, vector<16xi32>,
      tpu.vector_store_idx %arg12[%get3A_640], %broadcast_in_dim3A_3 {add = true} : memref<2048xf32, #tpu.memory_space<vmem>>[vector<16xi32>], vector<16xf32>,
      %get3A_641 = arith.constant 1 : i32
      %get3A_642 = arith.index_cast %get3A_641 : i32 to index
      %get3A_643 = arith.constant 80 : index
      %get3A_644 = tpu.vector_load %arg9[%get3A_642, %get3A_643] {strides = array<i32>} : memref<2x128xi32, #tpu.memory_space<vmem>>, vector<16xi32>,
      tpu.vector_store_idx %arg12[%get3A_644], %broadcast_in_dim3A_3 {add = true} : memref<2048xf32, #tpu.memory_space<vmem>>[vector<16xi32>], vector<16xf32>,
      %get3A_645 = arith.constant 1 : i32
      %get3A_646 = arith.index_cast %get3A_645 : i32 to index
      %get3A_647 = arith.constant 96 : index
      %get3A_648 = tpu.vector_load %arg9[%get3A_646, %get3A_647] {strides = array<i32>} : memref<2x128xi32, #tpu.memory_space<vmem>>, vector<16xi32>,
      tpu.vector_store_idx %arg12[%get3A_648], %broadcast_in_dim3A_3 {add = true} : memref<2048xf32, #tpu.memory_space<vmem>>[vector<16xi32>], vector<16xf32>,
      %get3A_649 = arith.constant 1 : i32
      %get3A_650 = arith.index_cast %get3A_649 : i32 to index
      %get3A_651 = arith.constant 112 : index
      %get3A_652 = tpu.vector_load %arg9[%get3A_650, %get3A_651] {strides = array<i32>} : memref<2x128xi32, #tpu.memory_space<vmem>>, vector<16xi32>,
      tpu.vector_store_idx %arg12[%get3A_652], %broadcast_in_dim3A_3 {add = true} : memref<2048xf32, #tpu.memory_space<vmem>>[vector<16xi32>], vector<16xf32>,
    }
    %scan3A_533 = arith.constant 15 : i32
    %barrier3A_534 = arith.constant 0 : index
    tpu.barrier barrier_id(%barrier3A_534)
    "tpu.region"() ({
      %run_scoped3A = tpu.sem_alloc : memref<!tpu.dma_semaphore, #tpu.memory_space<semaphore_mem>>
      %dma_start3A = arith.constant 0 : i32
      %dma_start3A_535 = tpu.memref_slice %arg5[%arg0, %mul3A_521, %dma_start3A] : memref<2x2048x128xf32, #tpu.memory_space<hbm>> -> memref<1x128x128xf32, #tpu.memory_space<hbm>>
      %dma_start3A_536 = tpu.memref_squeeze %dma_start3A_535 : memref<1x128x128xf32, #tpu.memory_space<hbm>> -> memref<128x128xf32, #tpu.memory_space<hbm>>
      %dma_start3A_537 = arith.constant 0 : i32
      %dma_start3A_538 = tpu.memref_slice %arg7[%mul3A_521, %dma_start3A_537] : memref<2048x128xf32, #tpu.memory_space<vmem_shared>> -> memref<128x128xf32, #tpu.memory_space<vmem_shared>>
      tpu.enqueue_dma source(%dma_start3A_538 : memref<128x128xf32, #tpu.memory_space<vmem_shared>>) target(%dma_start3A_536 : memref<128x128xf32, #tpu.memory_space<hbm>>) target_semaphore(%run_scoped3A : memref<!tpu.dma_semaphore, #tpu.memory_space<semaphore_mem>>)
      %dma_wait3A = arith.constant 0 : i32
      %dma_wait3A_539 = tpu.memref_slice %arg5[%arg0, %mul3A_521, %dma_wait3A] : memref<2x2048x128xf32, #tpu.memory_space<hbm>> -> memref<1x128x128xf32, #tpu.memory_space<hbm>>
      %dma_wait3A_540 = tpu.memref_squeeze %dma_wait3A_539 : memref<1x128x128xf32, #tpu.memory_space<hbm>> -> memref<128x128xf32, #tpu.memory_space<hbm>>
      %dma_wait3A_541 = arith.constant 0 : i32
      %dma_wait3A_542 = tpu.memref_slice %arg7[%mul3A_521, %dma_wait3A_541] : memref<2048x128xf32, #tpu.memory_space<vmem_shared>> -> memref<128x128xf32, #tpu.memory_space<vmem_shared>>
      tpu.wait_dma2 semaphore(%run_scoped3A : memref<!tpu.dma_semaphore, #tpu.memory_space<semaphore_mem>>) src(%dma_wait3A_542 : memref<128x128xf32, #tpu.memory_space<vmem_shared>>) dst(%dma_wait3A_540 : memref<128x128xf32, #tpu.memory_space<hbm>>)
      tpu.yield
    }) : () -> ()
    "tpu.region"() ({
      %run_scoped3A = tpu.sem_alloc : memref<!tpu.dma_semaphore, #tpu.memory_space<semaphore_mem>>
      %dma_start3A = arith.constant 0 : i32
      %dma_start3A_535 = tpu.memref_slice %arg6[%arg0, %arg1, %dma_start3A] : memref<2x16x2048xf32, #tpu.memory_space<hbm>> -> memref<1x1x2048xf32, #tpu.memory_space<hbm>>
      %dma_start3A_536 = tpu.memref_squeeze %dma_start3A_535 : memref<1x1x2048xf32, #tpu.memory_space<hbm>> -> memref<2048xf32, #tpu.memory_space<hbm>>
      %dma_start3A_537 = arith.constant 0 : i32
      %dma_start3A_538 = tpu.memref_slice %arg6[%arg0, %arg1, %dma_start3A_537] : memref<2x16x2048xf32, #tpu.memory_space<hbm>> -> memref<1x1x2048xf32, #tpu.memory_space<hbm>>
      %dma_start3A_539 = tpu.memref_squeeze %dma_start3A_538 : memref<1x1x2048xf32, #tpu.memory_space<hbm>> -> memref<2048xf32, #tpu.memory_space<hbm>>
      tpu.enqueue_dma source(%arg12 : memref<2048xf32, #tpu.memory_space<vmem>>) target(%dma_start3A_539 : memref<2048xf32, #tpu.memory_space<hbm>>) target_semaphore(%run_scoped3A : memref<!tpu.dma_semaphore, #tpu.memory_space<semaphore_mem>>)
      %dma_wait3A = arith.constant 0 : i32
      %dma_wait3A_540 = tpu.memref_slice %arg6[%arg0, %arg1, %dma_wait3A] : memref<2x16x2048xf32, #tpu.memory_space<hbm>> -> memref<1x1x2048xf32, #tpu.memory_space<hbm>>
      %dma_wait3A_541 = tpu.memref_squeeze %dma_wait3A_540 : memref<1x1x2048xf32, #tpu.memory_space<hbm>> -> memref<2048xf32, #tpu.memory_space<hbm>>
      %dma_wait3A_542 = arith.constant 0 : i32
      %dma_wait3A_543 = tpu.memref_slice %arg6[%arg0, %arg1, %dma_wait3A_542] : memref<2x16x2048xf32, #tpu.memory_space<hbm>> -> memref<1x1x2048xf32, #tpu.memory_space<hbm>>
      %dma_wait3A_544 = tpu.memref_squeeze %dma_wait3A_543 : memref<1x1x2048xf32, #tpu.memory_space<hbm>> -> memref<2048xf32, #tpu.memory_space<hbm>>
      tpu.wait_dma2 semaphore(%run_scoped3A : memref<!tpu.dma_semaphore, #tpu.memory_space<semaphore_mem>>) src(%arg12 : memref<2048xf32, #tpu.memory_space<vmem>>) dst(%dma_wait3A_544 : memref<2048xf32, #tpu.memory_space<hbm>>)
      tpu.yield
    }) : () -> ()
    return
  }
}

#map = affine_map<(d0, d1) -> (0, 0)>
#map1 = affine_map<(d0, d1) -> (0, 0, 0)>
module attributes {stable_mosaic.version = 14 : i64} {
  func.func @body(%arg0: i32, %arg1: i32, %arg2: memref<3968x128xi32, #tpu.memory_space<hbm>>, %arg3: memref<3968x128xi32, #tpu.memory_space<hbm>>, %arg4: memref<50000x128xf32, #tpu.memory_space<hbm>>, %arg5: memref<2x10240x128xf32, #tpu.memory_space<hbm>>, %arg6: memref<2x16x10240xf32, #tpu.memory_space<hbm>>, %arg7: memref<10240x128xf32, #tpu.memory_space<vmem_shared>>, %arg8: memref<2x128xi32, #tpu.memory_space<vmem>>, %arg9: memref<2x128xi32, #tpu.memory_space<vmem>>, %arg10: memref<2x128x128xf32, #tpu.memory_space<vmem>>, %arg11: memref<16x128xf32, #tpu.memory_space<vmem>>, %arg12: memref<10240xf32, #tpu.memory_space<vmem>>, %arg13: memref<!tpu.dma_semaphore, #tpu.memory_space<semaphore_mem>>) attributes {dimension_semantics = [#tpu.dimension_semantics<core_parallel>, #tpu.dimension_semantics<subcore_parallel>], iteration_bounds = array<i64: 2, 16>, scalar_prefetch = 0 : i64, scratch_operands = 7 : i64, tpu.core_type = #tpu.core_type<sc_vector_subcore>, window_params = [{transform_indices = #map}, {transform_indices = #map}, {transform_indices = #map}, {transform_indices = #map1}, {transform_indices = #map1}]} {
    %mul3A = arith.constant 16 : i32
    %mul3A_0 = arith.muli %arg0, %mul3A : i32
    %add3A = arith.addi %mul3A_0, %arg1 : i32
    %broadcast_in_dim3A = arith.constant 0.000000e+00 : f32
    %broadcast_in_dim3A_1 = vector.broadcast %broadcast_in_dim3A : f32 to vector<16xf32>
    %broadcast_in_dim3A_2 = arith.constant 1.000000e+00 : f32
    %broadcast_in_dim3A_3 = vector.broadcast %broadcast_in_dim3A_2 : f32 to vector<16xf32>
    %swap3A = arith.constant 0 : i32
    %swap3A_4 = arith.index_cast %swap3A : i32 to index
    %swap3A_5 = arith.constant 0 : index
    %swap3A_6 = tpu.vector_load %arg11[%swap3A_4, %swap3A_5] {strides = array<i32>} : memref<16x128xf32, #tpu.memory_space<vmem>>, vector<16xf32>,
    tpu.vector_store %arg11[%swap3A_4, %swap3A_5], %broadcast_in_dim3A_1 {strides = array<i32>} : memref<16x128xf32, #tpu.memory_space<vmem>>, vector<16xf32>,
    %swap3A_7 = arith.constant 0 : i32
    %swap3A_8 = arith.index_cast %swap3A_7 : i32 to index
    %swap3A_9 = arith.constant 16 : index
    %swap3A_10 = tpu.vector_load %arg11[%swap3A_8, %swap3A_9] {strides = array<i32>} : memref<16x128xf32, #tpu.memory_space<vmem>>, vector<16xf32>,
    tpu.vector_store %arg11[%swap3A_8, %swap3A_9], %broadcast_in_dim3A_1 {strides = array<i32>} : memref<16x128xf32, #tpu.memory_space<vmem>>, vector<16xf32>,
    %swap3A_11 = arith.constant 0 : i32
    %swap3A_12 = arith.index_cast %swap3A_11 : i32 to index
    %swap3A_13 = arith.constant 32 : index
    %swap3A_14 = tpu.vector_load %arg11[%swap3A_12, %swap3A_13] {strides = array<i32>} : memref<16x128xf32, #tpu.memory_space<vmem>>, vector<16xf32>,
    tpu.vector_store %arg11[%swap3A_12, %swap3A_13], %broadcast_in_dim3A_1 {strides = array<i32>} : memref<16x128xf32, #tpu.memory_space<vmem>>, vector<16xf32>,
    %swap3A_15 = arith.constant 0 : i32
    %swap3A_16 = arith.index_cast %swap3A_15 : i32 to index
    %swap3A_17 = arith.constant 48 : index
    %swap3A_18 = tpu.vector_load %arg11[%swap3A_16, %swap3A_17] {strides = array<i32>} : memref<16x128xf32, #tpu.memory_space<vmem>>, vector<16xf32>,
    tpu.vector_store %arg11[%swap3A_16, %swap3A_17], %broadcast_in_dim3A_1 {strides = array<i32>} : memref<16x128xf32, #tpu.memory_space<vmem>>, vector<16xf32>,
    %swap3A_19 = arith.constant 0 : i32
    %swap3A_20 = arith.index_cast %swap3A_19 : i32 to index
    %swap3A_21 = arith.constant 64 : index
    %swap3A_22 = tpu.vector_load %arg11[%swap3A_20, %swap3A_21] {strides = array<i32>} : memref<16x128xf32, #tpu.memory_space<vmem>>, vector<16xf32>,
    tpu.vector_store %arg11[%swap3A_20, %swap3A_21], %broadcast_in_dim3A_1 {strides = array<i32>} : memref<16x128xf32, #tpu.memory_space<vmem>>, vector<16xf32>,
    %swap3A_23 = arith.constant 0 : i32
    %swap3A_24 = arith.index_cast %swap3A_23 : i32 to index
    %swap3A_25 = arith.constant 80 : index
    %swap3A_26 = tpu.vector_load %arg11[%swap3A_24, %swap3A_25] {strides = array<i32>} : memref<16x128xf32, #tpu.memory_space<vmem>>, vector<16xf32>,
    tpu.vector_store %arg11[%swap3A_24, %swap3A_25], %broadcast_in_dim3A_1 {strides = array<i32>} : memref<16x128xf32, #tpu.memory_space<vmem>>, vector<16xf32>,
    %swap3A_27 = arith.constant 0 : i32
    %swap3A_28 = arith.index_cast %swap3A_27 : i32 to index
    %swap3A_29 = arith.constant 96 : index
    %swap3A_30 = tpu.vector_load %arg11[%swap3A_28, %swap3A_29] {strides = array<i32>} : memref<16x128xf32, #tpu.memory_space<vmem>>, vector<16xf32>,
    tpu.vector_store %arg11[%swap3A_28, %swap3A_29], %broadcast_in_dim3A_1 {strides = array<i32>} : memref<16x128xf32, #tpu.memory_space<vmem>>, vector<16xf32>,
    %swap3A_31 = arith.constant 0 : i32
    %swap3A_32 = arith.index_cast %swap3A_31 : i32 to index
    %swap3A_33 = arith.constant 112 : index
    %swap3A_34 = tpu.vector_load %arg11[%swap3A_32, %swap3A_33] {strides = array<i32>} : memref<16x128xf32, #tpu.memory_space<vmem>>, vector<16xf32>,
    tpu.vector_store %arg11[%swap3A_32, %swap3A_33], %broadcast_in_dim3A_1 {strides = array<i32>} : memref<16x128xf32, #tpu.memory_space<vmem>>, vector<16xf32>,
    %swap3A_35 = arith.constant 1 : i32
    %swap3A_36 = arith.index_cast %swap3A_35 : i32 to index
    %swap3A_37 = arith.constant 0 : index
    %swap3A_38 = tpu.vector_load %arg11[%swap3A_36, %swap3A_37] {strides = array<i32>} : memref<16x128xf32, #tpu.memory_space<vmem>>, vector<16xf32>,
    tpu.vector_store %arg11[%swap3A_36, %swap3A_37], %broadcast_in_dim3A_1 {strides = array<i32>} : memref<16x128xf32, #tpu.memory_space<vmem>>, vector<16xf32>,
    %swap3A_39 = arith.constant 1 : i32
    %swap3A_40 = arith.index_cast %swap3A_39 : i32 to index
    %swap3A_41 = arith.constant 16 : index
    %swap3A_42 = tpu.vector_load %arg11[%swap3A_40, %swap3A_41] {strides = array<i32>} : memref<16x128xf32, #tpu.memory_space<vmem>>, vector<16xf32>,
    tpu.vector_store %arg11[%swap3A_40, %swap3A_41], %broadcast_in_dim3A_1 {strides = array<i32>} : memref<16x128xf32, #tpu.memory_space<vmem>>, vector<16xf32>,
    %swap3A_43 = arith.constant 1 : i32
    %swap3A_44 = arith.index_cast %swap3A_43 : i32 to index
    %swap3A_45 = arith.constant 32 : index
    %swap3A_46 = tpu.vector_load %arg11[%swap3A_44, %swap3A_45] {strides = array<i32>} : memref<16x128xf32, #tpu.memory_space<vmem>>, vector<16xf32>,
    tpu.vector_store %arg11[%swap3A_44, %swap3A_45], %broadcast_in_dim3A_1 {strides = array<i32>} : memref<16x128xf32, #tpu.memory_space<vmem>>, vector<16xf32>,
    %swap3A_47 = arith.constant 1 : i32
    %swap3A_48 = arith.index_cast %swap3A_47 : i32 to index
    %swap3A_49 = arith.constant 48 : index
    %swap3A_50 = tpu.vector_load %arg11[%swap3A_48, %swap3A_49] {strides = array<i32>} : memref<16x128xf32, #tpu.memory_space<vmem>>, vector<16xf32>,
    tpu.vector_store %arg11[%swap3A_48, %swap3A_49], %broadcast_in_dim3A_1 {strides = array<i32>} : memref<16x128xf32, #tpu.memory_space<vmem>>, vector<16xf32>,
    %swap3A_51 = arith.constant 1 : i32
    %swap3A_52 = arith.index_cast %swap3A_51 : i32 to index
    %swap3A_53 = arith.constant 64 : index
    %swap3A_54 = tpu.vector_load %arg11[%swap3A_52, %swap3A_53] {strides = array<i32>} : memref<16x128xf32, #tpu.memory_space<vmem>>, vector<16xf32>,
    tpu.vector_store %arg11[%swap3A_52, %swap3A_53], %broadcast_in_dim3A_1 {strides = array<i32>} : memref<16x128xf32, #tpu.memory_space<vmem>>, vector<16xf32>,
    %swap3A_55 = arith.constant 1 : i32
    %swap3A_56 = arith.index_cast %swap3A_55 : i32 to index
    %swap3A_57 = arith.constant 80 : index
    %swap3A_58 = tpu.vector_load %arg11[%swap3A_56, %swap3A_57] {strides = array<i32>} : memref<16x128xf32, #tpu.memory_space<vmem>>, vector<16xf32>,
    tpu.vector_store %arg11[%swap3A_56, %swap3A_57], %broadcast_in_dim3A_1 {strides = array<i32>} : memref<16x128xf32, #tpu.memory_space<vmem>>, vector<16xf32>,
    %swap3A_59 = arith.constant 1 : i32
    %swap3A_60 = arith.index_cast %swap3A_59 : i32 to index
    %swap3A_61 = arith.constant 96 : index
    %swap3A_62 = tpu.vector_load %arg11[%swap3A_60, %swap3A_61] {strides = array<i32>} : memref<16x128xf32, #tpu.memory_space<vmem>>, vector<16xf32>,
    tpu.vector_store %arg11[%swap3A_60, %swap3A_61], %broadcast_in_dim3A_1 {strides = array<i32>} : memref<16x128xf32, #tpu.memory_space<vmem>>, vector<16xf32>,
    %swap3A_63 = arith.constant 1 : i32
    %swap3A_64 = arith.index_cast %swap3A_63 : i32 to index
    %swap3A_65 = arith.constant 112 : index
    %swap3A_66 = tpu.vector_load %arg11[%swap3A_64, %swap3A_65] {strides = array<i32>} : memref<16x128xf32, #tpu.memory_space<vmem>>, vector<16xf32>,
    tpu.vector_store %arg11[%swap3A_64, %swap3A_65], %broadcast_in_dim3A_1 {strides = array<i32>} : memref<16x128xf32, #tpu.memory_space<vmem>>, vector<16xf32>,
    %swap3A_67 = arith.constant 2 : i32
    %swap3A_68 = arith.index_cast %swap3A_67 : i32 to index
    %swap3A_69 = arith.constant 0 : index
    %swap3A_70 = tpu.vector_load %arg11[%swap3A_68, %swap3A_69] {strides = array<i32>} : memref<16x128xf32, #tpu.memory_space<vmem>>, vector<16xf32>,
    tpu.vector_store %arg11[%swap3A_68, %swap3A_69], %broadcast_in_dim3A_1 {strides = array<i32>} : memref<16x128xf32, #tpu.memory_space<vmem>>, vector<16xf32>,
    %swap3A_71 = arith.constant 2 : i32
    %swap3A_72 = arith.index_cast %swap3A_71 : i32 to index
    %swap3A_73 = arith.constant 16 : index
    %swap3A_74 = tpu.vector_load %arg11[%swap3A_72, %swap3A_73] {strides = array<i32>} : memref<16x128xf32, #tpu.memory_space<vmem>>, vector<16xf32>,
    tpu.vector_store %arg11[%swap3A_72, %swap3A_73], %broadcast_in_dim3A_1 {strides = array<i32>} : memref<16x128xf32, #tpu.memory_space<vmem>>, vector<16xf32>,
    %swap3A_75 = arith.constant 2 : i32
    %swap3A_76 = arith.index_cast %swap3A_75 : i32 to index
    %swap3A_77 = arith.constant 32 : index
    %swap3A_78 = tpu.vector_load %arg11[%swap3A_76, %swap3A_77] {strides = array<i32>} : memref<16x128xf32, #tpu.memory_space<vmem>>, vector<16xf32>,
    tpu.vector_store %arg11[%swap3A_76, %swap3A_77], %broadcast_in_dim3A_1 {strides = array<i32>} : memref<16x128xf32, #tpu.memory_space<vmem>>, vector<16xf32>,
    %swap3A_79 = arith.constant 2 : i32
    %swap3A_80 = arith.index_cast %swap3A_79 : i32 to index
    %swap3A_81 = arith.constant 48 : index
    %swap3A_82 = tpu.vector_load %arg11[%swap3A_80, %swap3A_81] {strides = array<i32>} : memref<16x128xf32, #tpu.memory_space<vmem>>, vector<16xf32>,
    tpu.vector_store %arg11[%swap3A_80, %swap3A_81], %broadcast_in_dim3A_1 {strides = array<i32>} : memref<16x128xf32, #tpu.memory_space<vmem>>, vector<16xf32>,
    %swap3A_83 = arith.constant 2 : i32
    %swap3A_84 = arith.index_cast %swap3A_83 : i32 to index
    %swap3A_85 = arith.constant 64 : index
    %swap3A_86 = tpu.vector_load %arg11[%swap3A_84, %swap3A_85] {strides = array<i32>} : memref<16x128xf32, #tpu.memory_space<vmem>>, vector<16xf32>,
    tpu.vector_store %arg11[%swap3A_84, %swap3A_85], %broadcast_in_dim3A_1 {strides = array<i32>} : memref<16x128xf32, #tpu.memory_space<vmem>>, vector<16xf32>,
    %swap3A_87 = arith.constant 2 : i32
    %swap3A_88 = arith.index_cast %swap3A_87 : i32 to index
    %swap3A_89 = arith.constant 80 : index
    %swap3A_90 = tpu.vector_load %arg11[%swap3A_88, %swap3A_89] {strides = array<i32>} : memref<16x128xf32, #tpu.memory_space<vmem>>, vector<16xf32>,
    tpu.vector_store %arg11[%swap3A_88, %swap3A_89], %broadcast_in_dim3A_1 {strides = array<i32>} : memref<16x128xf32, #tpu.memory_space<vmem>>, vector<16xf32>,
    %swap3A_91 = arith.constant 2 : i32
    %swap3A_92 = arith.index_cast %swap3A_91 : i32 to index
    %swap3A_93 = arith.constant 96 : index
    %swap3A_94 = tpu.vector_load %arg11[%swap3A_92, %swap3A_93] {strides = array<i32>} : memref<16x128xf32, #tpu.memory_space<vmem>>, vector<16xf32>,
    tpu.vector_store %arg11[%swap3A_92, %swap3A_93], %broadcast_in_dim3A_1 {strides = array<i32>} : memref<16x128xf32, #tpu.memory_space<vmem>>, vector<16xf32>,
    %swap3A_95 = arith.constant 2 : i32
    %swap3A_96 = arith.index_cast %swap3A_95 : i32 to index
    %swap3A_97 = arith.constant 112 : index
    %swap3A_98 = tpu.vector_load %arg11[%swap3A_96, %swap3A_97] {strides = array<i32>} : memref<16x128xf32, #tpu.memory_space<vmem>>, vector<16xf32>,
    tpu.vector_store %arg11[%swap3A_96, %swap3A_97], %broadcast_in_dim3A_1 {strides = array<i32>} : memref<16x128xf32, #tpu.memory_space<vmem>>, vector<16xf32>,
    %swap3A_99 = arith.constant 3 : i32
    %swap3A_100 = arith.index_cast %swap3A_99 : i32 to index
    %swap3A_101 = arith.constant 0 : index
    %swap3A_102 = tpu.vector_load %arg11[%swap3A_100, %swap3A_101] {strides = array<i32>} : memref<16x128xf32, #tpu.memory_space<vmem>>, vector<16xf32>,
    tpu.vector_store %arg11[%swap3A_100, %swap3A_101], %broadcast_in_dim3A_1 {strides = array<i32>} : memref<16x128xf32, #tpu.memory_space<vmem>>, vector<16xf32>,
    %swap3A_103 = arith.constant 3 : i32
    %swap3A_104 = arith.index_cast %swap3A_103 : i32 to index
    %swap3A_105 = arith.constant 16 : index
    %swap3A_106 = tpu.vector_load %arg11[%swap3A_104, %swap3A_105] {strides = array<i32>} : memref<16x128xf32, #tpu.memory_space<vmem>>, vector<16xf32>,
    tpu.vector_store %arg11[%swap3A_104, %swap3A_105], %broadcast_in_dim3A_1 {strides = array<i32>} : memref<16x128xf32, #tpu.memory_space<vmem>>, vector<16xf32>,
    %swap3A_107 = arith.constant 3 : i32
    %swap3A_108 = arith.index_cast %swap3A_107 : i32 to index
    %swap3A_109 = arith.constant 32 : index
    %swap3A_110 = tpu.vector_load %arg11[%swap3A_108, %swap3A_109] {strides = array<i32>} : memref<16x128xf32, #tpu.memory_space<vmem>>, vector<16xf32>,
    tpu.vector_store %arg11[%swap3A_108, %swap3A_109], %broadcast_in_dim3A_1 {strides = array<i32>} : memref<16x128xf32, #tpu.memory_space<vmem>>, vector<16xf32>,
    %swap3A_111 = arith.constant 3 : i32
    %swap3A_112 = arith.index_cast %swap3A_111 : i32 to index
    %swap3A_113 = arith.constant 48 : index
    %swap3A_114 = tpu.vector_load %arg11[%swap3A_112, %swap3A_113] {strides = array<i32>} : memref<16x128xf32, #tpu.memory_space<vmem>>, vector<16xf32>,
    tpu.vector_store %arg11[%swap3A_112, %swap3A_113], %broadcast_in_dim3A_1 {strides = array<i32>} : memref<16x128xf32, #tpu.memory_space<vmem>>, vector<16xf32>,
    %swap3A_115 = arith.constant 3 : i32
    %swap3A_116 = arith.index_cast %swap3A_115 : i32 to index
    %swap3A_117 = arith.constant 64 : index
    %swap3A_118 = tpu.vector_load %arg11[%swap3A_116, %swap3A_117] {strides = array<i32>} : memref<16x128xf32, #tpu.memory_space<vmem>>, vector<16xf32>,
    tpu.vector_store %arg11[%swap3A_116, %swap3A_117], %broadcast_in_dim3A_1 {strides = array<i32>} : memref<16x128xf32, #tpu.memory_space<vmem>>, vector<16xf32>,
    %swap3A_119 = arith.constant 3 : i32
    %swap3A_120 = arith.index_cast %swap3A_119 : i32 to index
    %swap3A_121 = arith.constant 80 : index
    %swap3A_122 = tpu.vector_load %arg11[%swap3A_120, %swap3A_121] {strides = array<i32>} : memref<16x128xf32, #tpu.memory_space<vmem>>, vector<16xf32>,
    tpu.vector_store %arg11[%swap3A_120, %swap3A_121], %broadcast_in_dim3A_1 {strides = array<i32>} : memref<16x128xf32, #tpu.memory_space<vmem>>, vector<16xf32>,
    %swap3A_123 = arith.constant 3 : i32
    %swap3A_124 = arith.index_cast %swap3A_123 : i32 to index
    %swap3A_125 = arith.constant 96 : index
    %swap3A_126 = tpu.vector_load %arg11[%swap3A_124, %swap3A_125] {strides = array<i32>} : memref<16x128xf32, #tpu.memory_space<vmem>>, vector<16xf32>,
    tpu.vector_store %arg11[%swap3A_124, %swap3A_125], %broadcast_in_dim3A_1 {strides = array<i32>} : memref<16x128xf32, #tpu.memory_space<vmem>>, vector<16xf32>,
    %swap3A_127 = arith.constant 3 : i32
    %swap3A_128 = arith.index_cast %swap3A_127 : i32 to index
    %swap3A_129 = arith.constant 112 : index
    %swap3A_130 = tpu.vector_load %arg11[%swap3A_128, %swap3A_129] {strides = array<i32>} : memref<16x128xf32, #tpu.memory_space<vmem>>, vector<16xf32>,
    tpu.vector_store %arg11[%swap3A_128, %swap3A_129], %broadcast_in_dim3A_1 {strides = array<i32>} : memref<16x128xf32, #tpu.memory_space<vmem>>, vector<16xf32>,
    %swap3A_131 = arith.constant 4 : i32
    %swap3A_132 = arith.index_cast %swap3A_131 : i32 to index
    %swap3A_133 = arith.constant 0 : index
    %swap3A_134 = tpu.vector_load %arg11[%swap3A_132, %swap3A_133] {strides = array<i32>} : memref<16x128xf32, #tpu.memory_space<vmem>>, vector<16xf32>,
    tpu.vector_store %arg11[%swap3A_132, %swap3A_133], %broadcast_in_dim3A_1 {strides = array<i32>} : memref<16x128xf32, #tpu.memory_space<vmem>>, vector<16xf32>,
    %swap3A_135 = arith.constant 4 : i32
    %swap3A_136 = arith.index_cast %swap3A_135 : i32 to index
    %swap3A_137 = arith.constant 16 : index
    %swap3A_138 = tpu.vector_load %arg11[%swap3A_136, %swap3A_137] {strides = array<i32>} : memref<16x128xf32, #tpu.memory_space<vmem>>, vector<16xf32>,
    tpu.vector_store %arg11[%swap3A_136, %swap3A_137], %broadcast_in_dim3A_1 {strides = array<i32>} : memref<16x128xf32, #tpu.memory_space<vmem>>, vector<16xf32>,
    %swap3A_139 = arith.constant 4 : i32
    %swap3A_140 = arith.index_cast %swap3A_139 : i32 to index
    %swap3A_141 = arith.constant 32 : index
    %swap3A_142 = tpu.vector_load %arg11[%swap3A_140, %swap3A_141] {strides = array<i32>} : memref<16x128xf32, #tpu.memory_space<vmem>>, vector<16xf32>,
    tpu.vector_store %arg11[%swap3A_140, %swap3A_141], %broadcast_in_dim3A_1 {strides = array<i32>} : memref<16x128xf32, #tpu.memory_space<vmem>>, vector<16xf32>,
    %swap3A_143 = arith.constant 4 : i32
    %swap3A_144 = arith.index_cast %swap3A_143 : i32 to index
    %swap3A_145 = arith.constant 48 : index
    %swap3A_146 = tpu.vector_load %arg11[%swap3A_144, %swap3A_145] {strides = array<i32>} : memref<16x128xf32, #tpu.memory_space<vmem>>, vector<16xf32>,
    tpu.vector_store %arg11[%swap3A_144, %swap3A_145], %broadcast_in_dim3A_1 {strides = array<i32>} : memref<16x128xf32, #tpu.memory_space<vmem>>, vector<16xf32>,
    %swap3A_147 = arith.constant 4 : i32
    %swap3A_148 = arith.index_cast %swap3A_147 : i32 to index
    %swap3A_149 = arith.constant 64 : index
    %swap3A_150 = tpu.vector_load %arg11[%swap3A_148, %swap3A_149] {strides = array<i32>} : memref<16x128xf32, #tpu.memory_space<vmem>>, vector<16xf32>,
    tpu.vector_store %arg11[%swap3A_148, %swap3A_149], %broadcast_in_dim3A_1 {strides = array<i32>} : memref<16x128xf32, #tpu.memory_space<vmem>>, vector<16xf32>,
    %swap3A_151 = arith.constant 4 : i32
    %swap3A_152 = arith.index_cast %swap3A_151 : i32 to index
    %swap3A_153 = arith.constant 80 : index
    %swap3A_154 = tpu.vector_load %arg11[%swap3A_152, %swap3A_153] {strides = array<i32>} : memref<16x128xf32, #tpu.memory_space<vmem>>, vector<16xf32>,
    tpu.vector_store %arg11[%swap3A_152, %swap3A_153], %broadcast_in_dim3A_1 {strides = array<i32>} : memref<16x128xf32, #tpu.memory_space<vmem>>, vector<16xf32>,
    %swap3A_155 = arith.constant 4 : i32
    %swap3A_156 = arith.index_cast %swap3A_155 : i32 to index
    %swap3A_157 = arith.constant 96 : index
    %swap3A_158 = tpu.vector_load %arg11[%swap3A_156, %swap3A_157] {strides = array<i32>} : memref<16x128xf32, #tpu.memory_space<vmem>>, vector<16xf32>,
    tpu.vector_store %arg11[%swap3A_156, %swap3A_157], %broadcast_in_dim3A_1 {strides = array<i32>} : memref<16x128xf32, #tpu.memory_space<vmem>>, vector<16xf32>,
    %swap3A_159 = arith.constant 4 : i32
    %swap3A_160 = arith.index_cast %swap3A_159 : i32 to index
    %swap3A_161 = arith.constant 112 : index
    %swap3A_162 = tpu.vector_load %arg11[%swap3A_160, %swap3A_161] {strides = array<i32>} : memref<16x128xf32, #tpu.memory_space<vmem>>, vector<16xf32>,
    tpu.vector_store %arg11[%swap3A_160, %swap3A_161], %broadcast_in_dim3A_1 {strides = array<i32>} : memref<16x128xf32, #tpu.memory_space<vmem>>, vector<16xf32>,
    %swap3A_163 = arith.constant 5 : i32
    %swap3A_164 = arith.index_cast %swap3A_163 : i32 to index
    %swap3A_165 = arith.constant 0 : index
    %swap3A_166 = tpu.vector_load %arg11[%swap3A_164, %swap3A_165] {strides = array<i32>} : memref<16x128xf32, #tpu.memory_space<vmem>>, vector<16xf32>,
    tpu.vector_store %arg11[%swap3A_164, %swap3A_165], %broadcast_in_dim3A_1 {strides = array<i32>} : memref<16x128xf32, #tpu.memory_space<vmem>>, vector<16xf32>,
    %swap3A_167 = arith.constant 5 : i32
    %swap3A_168 = arith.index_cast %swap3A_167 : i32 to index
    %swap3A_169 = arith.constant 16 : index
    %swap3A_170 = tpu.vector_load %arg11[%swap3A_168, %swap3A_169] {strides = array<i32>} : memref<16x128xf32, #tpu.memory_space<vmem>>, vector<16xf32>,
    tpu.vector_store %arg11[%swap3A_168, %swap3A_169], %broadcast_in_dim3A_1 {strides = array<i32>} : memref<16x128xf32, #tpu.memory_space<vmem>>, vector<16xf32>,
    %swap3A_171 = arith.constant 5 : i32
    %swap3A_172 = arith.index_cast %swap3A_171 : i32 to index
    %swap3A_173 = arith.constant 32 : index
    %swap3A_174 = tpu.vector_load %arg11[%swap3A_172, %swap3A_173] {strides = array<i32>} : memref<16x128xf32, #tpu.memory_space<vmem>>, vector<16xf32>,
    tpu.vector_store %arg11[%swap3A_172, %swap3A_173], %broadcast_in_dim3A_1 {strides = array<i32>} : memref<16x128xf32, #tpu.memory_space<vmem>>, vector<16xf32>,
    %swap3A_175 = arith.constant 5 : i32
    %swap3A_176 = arith.index_cast %swap3A_175 : i32 to index
    %swap3A_177 = arith.constant 48 : index
    %swap3A_178 = tpu.vector_load %arg11[%swap3A_176, %swap3A_177] {strides = array<i32>} : memref<16x128xf32, #tpu.memory_space<vmem>>, vector<16xf32>,
    tpu.vector_store %arg11[%swap3A_176, %swap3A_177], %broadcast_in_dim3A_1 {strides = array<i32>} : memref<16x128xf32, #tpu.memory_space<vmem>>, vector<16xf32>,
    %swap3A_179 = arith.constant 5 : i32
    %swap3A_180 = arith.index_cast %swap3A_179 : i32 to index
    %swap3A_181 = arith.constant 64 : index
    %swap3A_182 = tpu.vector_load %arg11[%swap3A_180, %swap3A_181] {strides = array<i32>} : memref<16x128xf32, #tpu.memory_space<vmem>>, vector<16xf32>,
    tpu.vector_store %arg11[%swap3A_180, %swap3A_181], %broadcast_in_dim3A_1 {strides = array<i32>} : memref<16x128xf32, #tpu.memory_space<vmem>>, vector<16xf32>,
    %swap3A_183 = arith.constant 5 : i32
    %swap3A_184 = arith.index_cast %swap3A_183 : i32 to index
    %swap3A_185 = arith.constant 80 : index
    %swap3A_186 = tpu.vector_load %arg11[%swap3A_184, %swap3A_185] {strides = array<i32>} : memref<16x128xf32, #tpu.memory_space<vmem>>, vector<16xf32>,
    tpu.vector_store %arg11[%swap3A_184, %swap3A_185], %broadcast_in_dim3A_1 {strides = array<i32>} : memref<16x128xf32, #tpu.memory_space<vmem>>, vector<16xf32>,
    %swap3A_187 = arith.constant 5 : i32
    %swap3A_188 = arith.index_cast %swap3A_187 : i32 to index
    %swap3A_189 = arith.constant 96 : index
    %swap3A_190 = tpu.vector_load %arg11[%swap3A_188, %swap3A_189] {strides = array<i32>} : memref<16x128xf32, #tpu.memory_space<vmem>>, vector<16xf32>,
    tpu.vector_store %arg11[%swap3A_188, %swap3A_189], %broadcast_in_dim3A_1 {strides = array<i32>} : memref<16x128xf32, #tpu.memory_space<vmem>>, vector<16xf32>,
    %swap3A_191 = arith.constant 5 : i32
    %swap3A_192 = arith.index_cast %swap3A_191 : i32 to index
    %swap3A_193 = arith.constant 112 : index
    %swap3A_194 = tpu.vector_load %arg11[%swap3A_192, %swap3A_193] {strides = array<i32>} : memref<16x128xf32, #tpu.memory_space<vmem>>, vector<16xf32>,
    tpu.vector_store %arg11[%swap3A_192, %swap3A_193], %broadcast_in_dim3A_1 {strides = array<i32>} : memref<16x128xf32, #tpu.memory_space<vmem>>, vector<16xf32>,
    %swap3A_195 = arith.constant 6 : i32
    %swap3A_196 = arith.index_cast %swap3A_195 : i32 to index
    %swap3A_197 = arith.constant 0 : index
    %swap3A_198 = tpu.vector_load %arg11[%swap3A_196, %swap3A_197] {strides = array<i32>} : memref<16x128xf32, #tpu.memory_space<vmem>>, vector<16xf32>,
    tpu.vector_store %arg11[%swap3A_196, %swap3A_197], %broadcast_in_dim3A_1 {strides = array<i32>} : memref<16x128xf32, #tpu.memory_space<vmem>>, vector<16xf32>,
    %swap3A_199 = arith.constant 6 : i32
    %swap3A_200 = arith.index_cast %swap3A_199 : i32 to index
    %swap3A_201 = arith.constant 16 : index
    %swap3A_202 = tpu.vector_load %arg11[%swap3A_200, %swap3A_201] {strides = array<i32>} : memref<16x128xf32, #tpu.memory_space<vmem>>, vector<16xf32>,
    tpu.vector_store %arg11[%swap3A_200, %swap3A_201], %broadcast_in_dim3A_1 {strides = array<i32>} : memref<16x128xf32, #tpu.memory_space<vmem>>, vector<16xf32>,
    %swap3A_203 = arith.constant 6 : i32
    %swap3A_204 = arith.index_cast %swap3A_203 : i32 to index
    %swap3A_205 = arith.constant 32 : index
    %swap3A_206 = tpu.vector_load %arg11[%swap3A_204, %swap3A_205] {strides = array<i32>} : memref<16x128xf32, #tpu.memory_space<vmem>>, vector<16xf32>,
    tpu.vector_store %arg11[%swap3A_204, %swap3A_205], %broadcast_in_dim3A_1 {strides = array<i32>} : memref<16x128xf32, #tpu.memory_space<vmem>>, vector<16xf32>,
    %swap3A_207 = arith.constant 6 : i32
    %swap3A_208 = arith.index_cast %swap3A_207 : i32 to index
    %swap3A_209 = arith.constant 48 : index
    %swap3A_210 = tpu.vector_load %arg11[%swap3A_208, %swap3A_209] {strides = array<i32>} : memref<16x128xf32, #tpu.memory_space<vmem>>, vector<16xf32>,
    tpu.vector_store %arg11[%swap3A_208, %swap3A_209], %broadcast_in_dim3A_1 {strides = array<i32>} : memref<16x128xf32, #tpu.memory_space<vmem>>, vector<16xf32>,
    %swap3A_211 = arith.constant 6 : i32
    %swap3A_212 = arith.index_cast %swap3A_211 : i32 to index
    %swap3A_213 = arith.constant 64 : index
    %swap3A_214 = tpu.vector_load %arg11[%swap3A_212, %swap3A_213] {strides = array<i32>} : memref<16x128xf32, #tpu.memory_space<vmem>>, vector<16xf32>,
    tpu.vector_store %arg11[%swap3A_212, %swap3A_213], %broadcast_in_dim3A_1 {strides = array<i32>} : memref<16x128xf32, #tpu.memory_space<vmem>>, vector<16xf32>,
    %swap3A_215 = arith.constant 6 : i32
    %swap3A_216 = arith.index_cast %swap3A_215 : i32 to index
    %swap3A_217 = arith.constant 80 : index
    %swap3A_218 = tpu.vector_load %arg11[%swap3A_216, %swap3A_217] {strides = array<i32>} : memref<16x128xf32, #tpu.memory_space<vmem>>, vector<16xf32>,
    tpu.vector_store %arg11[%swap3A_216, %swap3A_217], %broadcast_in_dim3A_1 {strides = array<i32>} : memref<16x128xf32, #tpu.memory_space<vmem>>, vector<16xf32>,
    %swap3A_219 = arith.constant 6 : i32
    %swap3A_220 = arith.index_cast %swap3A_219 : i32 to index
    %swap3A_221 = arith.constant 96 : index
    %swap3A_222 = tpu.vector_load %arg11[%swap3A_220, %swap3A_221] {strides = array<i32>} : memref<16x128xf32, #tpu.memory_space<vmem>>, vector<16xf32>,
    tpu.vector_store %arg11[%swap3A_220, %swap3A_221], %broadcast_in_dim3A_1 {strides = array<i32>} : memref<16x128xf32, #tpu.memory_space<vmem>>, vector<16xf32>,
    %swap3A_223 = arith.constant 6 : i32
    %swap3A_224 = arith.index_cast %swap3A_223 : i32 to index
    %swap3A_225 = arith.constant 112 : index
    %swap3A_226 = tpu.vector_load %arg11[%swap3A_224, %swap3A_225] {strides = array<i32>} : memref<16x128xf32, #tpu.memory_space<vmem>>, vector<16xf32>,
    tpu.vector_store %arg11[%swap3A_224, %swap3A_225], %broadcast_in_dim3A_1 {strides = array<i32>} : memref<16x128xf32, #tpu.memory_space<vmem>>, vector<16xf32>,
    %swap3A_227 = arith.constant 7 : i32
    %swap3A_228 = arith.index_cast %swap3A_227 : i32 to index
    %swap3A_229 = arith.constant 0 : index
    %swap3A_230 = tpu.vector_load %arg11[%swap3A_228, %swap3A_229] {strides = array<i32>} : memref<16x128xf32, #tpu.memory_space<vmem>>, vector<16xf32>,
    tpu.vector_store %arg11[%swap3A_228, %swap3A_229], %broadcast_in_dim3A_1 {strides = array<i32>} : memref<16x128xf32, #tpu.memory_space<vmem>>, vector<16xf32>,
    %swap3A_231 = arith.constant 7 : i32
    %swap3A_232 = arith.index_cast %swap3A_231 : i32 to index
    %swap3A_233 = arith.constant 16 : index
    %swap3A_234 = tpu.vector_load %arg11[%swap3A_232, %swap3A_233] {strides = array<i32>} : memref<16x128xf32, #tpu.memory_space<vmem>>, vector<16xf32>,
    tpu.vector_store %arg11[%swap3A_232, %swap3A_233], %broadcast_in_dim3A_1 {strides = array<i32>} : memref<16x128xf32, #tpu.memory_space<vmem>>, vector<16xf32>,
    %swap3A_235 = arith.constant 7 : i32
    %swap3A_236 = arith.index_cast %swap3A_235 : i32 to index
    %swap3A_237 = arith.constant 32 : index
    %swap3A_238 = tpu.vector_load %arg11[%swap3A_236, %swap3A_237] {strides = array<i32>} : memref<16x128xf32, #tpu.memory_space<vmem>>, vector<16xf32>,
    tpu.vector_store %arg11[%swap3A_236, %swap3A_237], %broadcast_in_dim3A_1 {strides = array<i32>} : memref<16x128xf32, #tpu.memory_space<vmem>>, vector<16xf32>,
    %swap3A_239 = arith.constant 7 : i32
    %swap3A_240 = arith.index_cast %swap3A_239 : i32 to index
    %swap3A_241 = arith.constant 48 : index
    %swap3A_242 = tpu.vector_load %arg11[%swap3A_240, %swap3A_241] {strides = array<i32>} : memref<16x128xf32, #tpu.memory_space<vmem>>, vector<16xf32>,
    tpu.vector_store %arg11[%swap3A_240, %swap3A_241], %broadcast_in_dim3A_1 {strides = array<i32>} : memref<16x128xf32, #tpu.memory_space<vmem>>, vector<16xf32>,
    %swap3A_243 = arith.constant 7 : i32
    %swap3A_244 = arith.index_cast %swap3A_243 : i32 to index
    %swap3A_245 = arith.constant 64 : index
    %swap3A_246 = tpu.vector_load %arg11[%swap3A_244, %swap3A_245] {strides = array<i32>} : memref<16x128xf32, #tpu.memory_space<vmem>>, vector<16xf32>,
    tpu.vector_store %arg11[%swap3A_244, %swap3A_245], %broadcast_in_dim3A_1 {strides = array<i32>} : memref<16x128xf32, #tpu.memory_space<vmem>>, vector<16xf32>,
    %swap3A_247 = arith.constant 7 : i32
    %swap3A_248 = arith.index_cast %swap3A_247 : i32 to index
    %swap3A_249 = arith.constant 80 : index
    %swap3A_250 = tpu.vector_load %arg11[%swap3A_248, %swap3A_249] {strides = array<i32>} : memref<16x128xf32, #tpu.memory_space<vmem>>, vector<16xf32>,
    tpu.vector_store %arg11[%swap3A_248, %swap3A_249], %broadcast_in_dim3A_1 {strides = array<i32>} : memref<16x128xf32, #tpu.memory_space<vmem>>, vector<16xf32>,
    %swap3A_251 = arith.constant 7 : i32
    %swap3A_252 = arith.index_cast %swap3A_251 : i32 to index
    %swap3A_253 = arith.constant 96 : index
    %swap3A_254 = tpu.vector_load %arg11[%swap3A_252, %swap3A_253] {strides = array<i32>} : memref<16x128xf32, #tpu.memory_space<vmem>>, vector<16xf32>,
    tpu.vector_store %arg11[%swap3A_252, %swap3A_253], %broadcast_in_dim3A_1 {strides = array<i32>} : memref<16x128xf32, #tpu.memory_space<vmem>>, vector<16xf32>,
    %swap3A_255 = arith.constant 7 : i32
    %swap3A_256 = arith.index_cast %swap3A_255 : i32 to index
    %swap3A_257 = arith.constant 112 : index
    %swap3A_258 = tpu.vector_load %arg11[%swap3A_256, %swap3A_257] {strides = array<i32>} : memref<16x128xf32, #tpu.memory_space<vmem>>, vector<16xf32>,
    tpu.vector_store %arg11[%swap3A_256, %swap3A_257], %broadcast_in_dim3A_1 {strides = array<i32>} : memref<16x128xf32, #tpu.memory_space<vmem>>, vector<16xf32>,
    %swap3A_259 = arith.constant 8 : i32
    %swap3A_260 = arith.index_cast %swap3A_259 : i32 to index
    %swap3A_261 = arith.constant 0 : index
    %swap3A_262 = tpu.vector_load %arg11[%swap3A_260, %swap3A_261] {strides = array<i32>} : memref<16x128xf32, #tpu.memory_space<vmem>>, vector<16xf32>,
    tpu.vector_store %arg11[%swap3A_260, %swap3A_261], %broadcast_in_dim3A_1 {strides = array<i32>} : memref<16x128xf32, #tpu.memory_space<vmem>>, vector<16xf32>,
    %swap3A_263 = arith.constant 8 : i32
    %swap3A_264 = arith.index_cast %swap3A_263 : i32 to index
    %swap3A_265 = arith.constant 16 : index
    %swap3A_266 = tpu.vector_load %arg11[%swap3A_264, %swap3A_265] {strides = array<i32>} : memref<16x128xf32, #tpu.memory_space<vmem>>, vector<16xf32>,
    tpu.vector_store %arg11[%swap3A_264, %swap3A_265], %broadcast_in_dim3A_1 {strides = array<i32>} : memref<16x128xf32, #tpu.memory_space<vmem>>, vector<16xf32>,
    %swap3A_267 = arith.constant 8 : i32
    %swap3A_268 = arith.index_cast %swap3A_267 : i32 to index
    %swap3A_269 = arith.constant 32 : index
    %swap3A_270 = tpu.vector_load %arg11[%swap3A_268, %swap3A_269] {strides = array<i32>} : memref<16x128xf32, #tpu.memory_space<vmem>>, vector<16xf32>,
    tpu.vector_store %arg11[%swap3A_268, %swap3A_269], %broadcast_in_dim3A_1 {strides = array<i32>} : memref<16x128xf32, #tpu.memory_space<vmem>>, vector<16xf32>,
    %swap3A_271 = arith.constant 8 : i32
    %swap3A_272 = arith.index_cast %swap3A_271 : i32 to index
    %swap3A_273 = arith.constant 48 : index
    %swap3A_274 = tpu.vector_load %arg11[%swap3A_272, %swap3A_273] {strides = array<i32>} : memref<16x128xf32, #tpu.memory_space<vmem>>, vector<16xf32>,
    tpu.vector_store %arg11[%swap3A_272, %swap3A_273], %broadcast_in_dim3A_1 {strides = array<i32>} : memref<16x128xf32, #tpu.memory_space<vmem>>, vector<16xf32>,
    %swap3A_275 = arith.constant 8 : i32
    %swap3A_276 = arith.index_cast %swap3A_275 : i32 to index
    %swap3A_277 = arith.constant 64 : index
    %swap3A_278 = tpu.vector_load %arg11[%swap3A_276, %swap3A_277] {strides = array<i32>} : memref<16x128xf32, #tpu.memory_space<vmem>>, vector<16xf32>,
    tpu.vector_store %arg11[%swap3A_276, %swap3A_277], %broadcast_in_dim3A_1 {strides = array<i32>} : memref<16x128xf32, #tpu.memory_space<vmem>>, vector<16xf32>,
    %swap3A_279 = arith.constant 8 : i32
    %swap3A_280 = arith.index_cast %swap3A_279 : i32 to index
    %swap3A_281 = arith.constant 80 : index
    %swap3A_282 = tpu.vector_load %arg11[%swap3A_280, %swap3A_281] {strides = array<i32>} : memref<16x128xf32, #tpu.memory_space<vmem>>, vector<16xf32>,
    tpu.vector_store %arg11[%swap3A_280, %swap3A_281], %broadcast_in_dim3A_1 {strides = array<i32>} : memref<16x128xf32, #tpu.memory_space<vmem>>, vector<16xf32>,
    %swap3A_283 = arith.constant 8 : i32
    %swap3A_284 = arith.index_cast %swap3A_283 : i32 to index
    %swap3A_285 = arith.constant 96 : index
    %swap3A_286 = tpu.vector_load %arg11[%swap3A_284, %swap3A_285] {strides = array<i32>} : memref<16x128xf32, #tpu.memory_space<vmem>>, vector<16xf32>,
    tpu.vector_store %arg11[%swap3A_284, %swap3A_285], %broadcast_in_dim3A_1 {strides = array<i32>} : memref<16x128xf32, #tpu.memory_space<vmem>>, vector<16xf32>,
    %swap3A_287 = arith.constant 8 : i32
    %swap3A_288 = arith.index_cast %swap3A_287 : i32 to index
    %swap3A_289 = arith.constant 112 : index
    %swap3A_290 = tpu.vector_load %arg11[%swap3A_288, %swap3A_289] {strides = array<i32>} : memref<16x128xf32, #tpu.memory_space<vmem>>, vector<16xf32>,
    tpu.vector_store %arg11[%swap3A_288, %swap3A_289], %broadcast_in_dim3A_1 {strides = array<i32>} : memref<16x128xf32, #tpu.memory_space<vmem>>, vector<16xf32>,
    %swap3A_291 = arith.constant 9 : i32
    %swap3A_292 = arith.index_cast %swap3A_291 : i32 to index
    %swap3A_293 = arith.constant 0 : index
    %swap3A_294 = tpu.vector_load %arg11[%swap3A_292, %swap3A_293] {strides = array<i32>} : memref<16x128xf32, #tpu.memory_space<vmem>>, vector<16xf32>,
    tpu.vector_store %arg11[%swap3A_292, %swap3A_293], %broadcast_in_dim3A_1 {strides = array<i32>} : memref<16x128xf32, #tpu.memory_space<vmem>>, vector<16xf32>,
    %swap3A_295 = arith.constant 9 : i32
    %swap3A_296 = arith.index_cast %swap3A_295 : i32 to index
    %swap3A_297 = arith.constant 16 : index
    %swap3A_298 = tpu.vector_load %arg11[%swap3A_296, %swap3A_297] {strides = array<i32>} : memref<16x128xf32, #tpu.memory_space<vmem>>, vector<16xf32>,
    tpu.vector_store %arg11[%swap3A_296, %swap3A_297], %broadcast_in_dim3A_1 {strides = array<i32>} : memref<16x128xf32, #tpu.memory_space<vmem>>, vector<16xf32>,
    %swap3A_299 = arith.constant 9 : i32
    %swap3A_300 = arith.index_cast %swap3A_299 : i32 to index
    %swap3A_301 = arith.constant 32 : index
    %swap3A_302 = tpu.vector_load %arg11[%swap3A_300, %swap3A_301] {strides = array<i32>} : memref<16x128xf32, #tpu.memory_space<vmem>>, vector<16xf32>,
    tpu.vector_store %arg11[%swap3A_300, %swap3A_301], %broadcast_in_dim3A_1 {strides = array<i32>} : memref<16x128xf32, #tpu.memory_space<vmem>>, vector<16xf32>,
    %swap3A_303 = arith.constant 9 : i32
    %swap3A_304 = arith.index_cast %swap3A_303 : i32 to index
    %swap3A_305 = arith.constant 48 : index
    %swap3A_306 = tpu.vector_load %arg11[%swap3A_304, %swap3A_305] {strides = array<i32>} : memref<16x128xf32, #tpu.memory_space<vmem>>, vector<16xf32>,
    tpu.vector_store %arg11[%swap3A_304, %swap3A_305], %broadcast_in_dim3A_1 {strides = array<i32>} : memref<16x128xf32, #tpu.memory_space<vmem>>, vector<16xf32>,
    %swap3A_307 = arith.constant 9 : i32
    %swap3A_308 = arith.index_cast %swap3A_307 : i32 to index
    %swap3A_309 = arith.constant 64 : index
    %swap3A_310 = tpu.vector_load %arg11[%swap3A_308, %swap3A_309] {strides = array<i32>} : memref<16x128xf32, #tpu.memory_space<vmem>>, vector<16xf32>,
    tpu.vector_store %arg11[%swap3A_308, %swap3A_309], %broadcast_in_dim3A_1 {strides = array<i32>} : memref<16x128xf32, #tpu.memory_space<vmem>>, vector<16xf32>,
    %swap3A_311 = arith.constant 9 : i32
    %swap3A_312 = arith.index_cast %swap3A_311 : i32 to index
    %swap3A_313 = arith.constant 80 : index
    %swap3A_314 = tpu.vector_load %arg11[%swap3A_312, %swap3A_313] {strides = array<i32>} : memref<16x128xf32, #tpu.memory_space<vmem>>, vector<16xf32>,
    tpu.vector_store %arg11[%swap3A_312, %swap3A_313], %broadcast_in_dim3A_1 {strides = array<i32>} : memref<16x128xf32, #tpu.memory_space<vmem>>, vector<16xf32>,
    %swap3A_315 = arith.constant 9 : i32
    %swap3A_316 = arith.index_cast %swap3A_315 : i32 to index
    %swap3A_317 = arith.constant 96 : index
    %swap3A_318 = tpu.vector_load %arg11[%swap3A_316, %swap3A_317] {strides = array<i32>} : memref<16x128xf32, #tpu.memory_space<vmem>>, vector<16xf32>,
    tpu.vector_store %arg11[%swap3A_316, %swap3A_317], %broadcast_in_dim3A_1 {strides = array<i32>} : memref<16x128xf32, #tpu.memory_space<vmem>>, vector<16xf32>,
    %swap3A_319 = arith.constant 9 : i32
    %swap3A_320 = arith.index_cast %swap3A_319 : i32 to index
    %swap3A_321 = arith.constant 112 : index
    %swap3A_322 = tpu.vector_load %arg11[%swap3A_320, %swap3A_321] {strides = array<i32>} : memref<16x128xf32, #tpu.memory_space<vmem>>, vector<16xf32>,
    tpu.vector_store %arg11[%swap3A_320, %swap3A_321], %broadcast_in_dim3A_1 {strides = array<i32>} : memref<16x128xf32, #tpu.memory_space<vmem>>, vector<16xf32>,
    %swap3A_323 = arith.constant 10 : i32
    %swap3A_324 = arith.index_cast %swap3A_323 : i32 to index
    %swap3A_325 = arith.constant 0 : index
    %swap3A_326 = tpu.vector_load %arg11[%swap3A_324, %swap3A_325] {strides = array<i32>} : memref<16x128xf32, #tpu.memory_space<vmem>>, vector<16xf32>,
    tpu.vector_store %arg11[%swap3A_324, %swap3A_325], %broadcast_in_dim3A_1 {strides = array<i32>} : memref<16x128xf32, #tpu.memory_space<vmem>>, vector<16xf32>,
    %swap3A_327 = arith.constant 10 : i32
    %swap3A_328 = arith.index_cast %swap3A_327 : i32 to index
    %swap3A_329 = arith.constant 16 : index
    %swap3A_330 = tpu.vector_load %arg11[%swap3A_328, %swap3A_329] {strides = array<i32>} : memref<16x128xf32, #tpu.memory_space<vmem>>, vector<16xf32>,
    tpu.vector_store %arg11[%swap3A_328, %swap3A_329], %broadcast_in_dim3A_1 {strides = array<i32>} : memref<16x128xf32, #tpu.memory_space<vmem>>, vector<16xf32>,
    %swap3A_331 = arith.constant 10 : i32
    %swap3A_332 = arith.index_cast %swap3A_331 : i32 to index
    %swap3A_333 = arith.constant 32 : index
    %swap3A_334 = tpu.vector_load %arg11[%swap3A_332, %swap3A_333] {strides = array<i32>} : memref<16x128xf32, #tpu.memory_space<vmem>>, vector<16xf32>,
    tpu.vector_store %arg11[%swap3A_332, %swap3A_333], %broadcast_in_dim3A_1 {strides = array<i32>} : memref<16x128xf32, #tpu.memory_space<vmem>>, vector<16xf32>,
    %swap3A_335 = arith.constant 10 : i32
    %swap3A_336 = arith.index_cast %swap3A_335 : i32 to index
    %swap3A_337 = arith.constant 48 : index
    %swap3A_338 = tpu.vector_load %arg11[%swap3A_336, %swap3A_337] {strides = array<i32>} : memref<16x128xf32, #tpu.memory_space<vmem>>, vector<16xf32>,
    tpu.vector_store %arg11[%swap3A_336, %swap3A_337], %broadcast_in_dim3A_1 {strides = array<i32>} : memref<16x128xf32, #tpu.memory_space<vmem>>, vector<16xf32>,
    %swap3A_339 = arith.constant 10 : i32
    %swap3A_340 = arith.index_cast %swap3A_339 : i32 to index
    %swap3A_341 = arith.constant 64 : index
    %swap3A_342 = tpu.vector_load %arg11[%swap3A_340, %swap3A_341] {strides = array<i32>} : memref<16x128xf32, #tpu.memory_space<vmem>>, vector<16xf32>,
    tpu.vector_store %arg11[%swap3A_340, %swap3A_341], %broadcast_in_dim3A_1 {strides = array<i32>} : memref<16x128xf32, #tpu.memory_space<vmem>>, vector<16xf32>,
    %swap3A_343 = arith.constant 10 : i32
    %swap3A_344 = arith.index_cast %swap3A_343 : i32 to index
    %swap3A_345 = arith.constant 80 : index
    %swap3A_346 = tpu.vector_load %arg11[%swap3A_344, %swap3A_345] {strides = array<i32>} : memref<16x128xf32, #tpu.memory_space<vmem>>, vector<16xf32>,
    tpu.vector_store %arg11[%swap3A_344, %swap3A_345], %broadcast_in_dim3A_1 {strides = array<i32>} : memref<16x128xf32, #tpu.memory_space<vmem>>, vector<16xf32>,
    %swap3A_347 = arith.constant 10 : i32
    %swap3A_348 = arith.index_cast %swap3A_347 : i32 to index
    %swap3A_349 = arith.constant 96 : index
    %swap3A_350 = tpu.vector_load %arg11[%swap3A_348, %swap3A_349] {strides = array<i32>} : memref<16x128xf32, #tpu.memory_space<vmem>>, vector<16xf32>,
    tpu.vector_store %arg11[%swap3A_348, %swap3A_349], %broadcast_in_dim3A_1 {strides = array<i32>} : memref<16x128xf32, #tpu.memory_space<vmem>>, vector<16xf32>,
    %swap3A_351 = arith.constant 10 : i32
    %swap3A_352 = arith.index_cast %swap3A_351 : i32 to index
    %swap3A_353 = arith.constant 112 : index
    %swap3A_354 = tpu.vector_load %arg11[%swap3A_352, %swap3A_353] {strides = array<i32>} : memref<16x128xf32, #tpu.memory_space<vmem>>, vector<16xf32>,
    tpu.vector_store %arg11[%swap3A_352, %swap3A_353], %broadcast_in_dim3A_1 {strides = array<i32>} : memref<16x128xf32, #tpu.memory_space<vmem>>, vector<16xf32>,
    %swap3A_355 = arith.constant 11 : i32
    %swap3A_356 = arith.index_cast %swap3A_355 : i32 to index
    %swap3A_357 = arith.constant 0 : index
    %swap3A_358 = tpu.vector_load %arg11[%swap3A_356, %swap3A_357] {strides = array<i32>} : memref<16x128xf32, #tpu.memory_space<vmem>>, vector<16xf32>,
    tpu.vector_store %arg11[%swap3A_356, %swap3A_357], %broadcast_in_dim3A_1 {strides = array<i32>} : memref<16x128xf32, #tpu.memory_space<vmem>>, vector<16xf32>,
    %swap3A_359 = arith.constant 11 : i32
    %swap3A_360 = arith.index_cast %swap3A_359 : i32 to index
    %swap3A_361 = arith.constant 16 : index
    %swap3A_362 = tpu.vector_load %arg11[%swap3A_360, %swap3A_361] {strides = array<i32>} : memref<16x128xf32, #tpu.memory_space<vmem>>, vector<16xf32>,
    tpu.vector_store %arg11[%swap3A_360, %swap3A_361], %broadcast_in_dim3A_1 {strides = array<i32>} : memref<16x128xf32, #tpu.memory_space<vmem>>, vector<16xf32>,
    %swap3A_363 = arith.constant 11 : i32
    %swap3A_364 = arith.index_cast %swap3A_363 : i32 to index
    %swap3A_365 = arith.constant 32 : index
    %swap3A_366 = tpu.vector_load %arg11[%swap3A_364, %swap3A_365] {strides = array<i32>} : memref<16x128xf32, #tpu.memory_space<vmem>>, vector<16xf32>,
    tpu.vector_store %arg11[%swap3A_364, %swap3A_365], %broadcast_in_dim3A_1 {strides = array<i32>} : memref<16x128xf32, #tpu.memory_space<vmem>>, vector<16xf32>,
    %swap3A_367 = arith.constant 11 : i32
    %swap3A_368 = arith.index_cast %swap3A_367 : i32 to index
    %swap3A_369 = arith.constant 48 : index
    %swap3A_370 = tpu.vector_load %arg11[%swap3A_368, %swap3A_369] {strides = array<i32>} : memref<16x128xf32, #tpu.memory_space<vmem>>, vector<16xf32>,
    tpu.vector_store %arg11[%swap3A_368, %swap3A_369], %broadcast_in_dim3A_1 {strides = array<i32>} : memref<16x128xf32, #tpu.memory_space<vmem>>, vector<16xf32>,
    %swap3A_371 = arith.constant 11 : i32
    %swap3A_372 = arith.index_cast %swap3A_371 : i32 to index
    %swap3A_373 = arith.constant 64 : index
    %swap3A_374 = tpu.vector_load %arg11[%swap3A_372, %swap3A_373] {strides = array<i32>} : memref<16x128xf32, #tpu.memory_space<vmem>>, vector<16xf32>,
    tpu.vector_store %arg11[%swap3A_372, %swap3A_373], %broadcast_in_dim3A_1 {strides = array<i32>} : memref<16x128xf32, #tpu.memory_space<vmem>>, vector<16xf32>,
    %swap3A_375 = arith.constant 11 : i32
    %swap3A_376 = arith.index_cast %swap3A_375 : i32 to index
    %swap3A_377 = arith.constant 80 : index
    %swap3A_378 = tpu.vector_load %arg11[%swap3A_376, %swap3A_377] {strides = array<i32>} : memref<16x128xf32, #tpu.memory_space<vmem>>, vector<16xf32>,
    tpu.vector_store %arg11[%swap3A_376, %swap3A_377], %broadcast_in_dim3A_1 {strides = array<i32>} : memref<16x128xf32, #tpu.memory_space<vmem>>, vector<16xf32>,
    %swap3A_379 = arith.constant 11 : i32
    %swap3A_380 = arith.index_cast %swap3A_379 : i32 to index
    %swap3A_381 = arith.constant 96 : index
    %swap3A_382 = tpu.vector_load %arg11[%swap3A_380, %swap3A_381] {strides = array<i32>} : memref<16x128xf32, #tpu.memory_space<vmem>>, vector<16xf32>,
    tpu.vector_store %arg11[%swap3A_380, %swap3A_381], %broadcast_in_dim3A_1 {strides = array<i32>} : memref<16x128xf32, #tpu.memory_space<vmem>>, vector<16xf32>,
    %swap3A_383 = arith.constant 11 : i32
    %swap3A_384 = arith.index_cast %swap3A_383 : i32 to index
    %swap3A_385 = arith.constant 112 : index
    %swap3A_386 = tpu.vector_load %arg11[%swap3A_384, %swap3A_385] {strides = array<i32>} : memref<16x128xf32, #tpu.memory_space<vmem>>, vector<16xf32>,
    tpu.vector_store %arg11[%swap3A_384, %swap3A_385], %broadcast_in_dim3A_1 {strides = array<i32>} : memref<16x128xf32, #tpu.memory_space<vmem>>, vector<16xf32>,
    %swap3A_387 = arith.constant 12 : i32
    %swap3A_388 = arith.index_cast %swap3A_387 : i32 to index
    %swap3A_389 = arith.constant 0 : index
    %swap3A_390 = tpu.vector_load %arg11[%swap3A_388, %swap3A_389] {strides = array<i32>} : memref<16x128xf32, #tpu.memory_space<vmem>>, vector<16xf32>,
    tpu.vector_store %arg11[%swap3A_388, %swap3A_389], %broadcast_in_dim3A_1 {strides = array<i32>} : memref<16x128xf32, #tpu.memory_space<vmem>>, vector<16xf32>,
    %swap3A_391 = arith.constant 12 : i32
    %swap3A_392 = arith.index_cast %swap3A_391 : i32 to index
    %swap3A_393 = arith.constant 16 : index
    %swap3A_394 = tpu.vector_load %arg11[%swap3A_392, %swap3A_393] {strides = array<i32>} : memref<16x128xf32, #tpu.memory_space<vmem>>, vector<16xf32>,
    tpu.vector_store %arg11[%swap3A_392, %swap3A_393], %broadcast_in_dim3A_1 {strides = array<i32>} : memref<16x128xf32, #tpu.memory_space<vmem>>, vector<16xf32>,
    %swap3A_395 = arith.constant 12 : i32
    %swap3A_396 = arith.index_cast %swap3A_395 : i32 to index
    %swap3A_397 = arith.constant 32 : index
    %swap3A_398 = tpu.vector_load %arg11[%swap3A_396, %swap3A_397] {strides = array<i32>} : memref<16x128xf32, #tpu.memory_space<vmem>>, vector<16xf32>,
    tpu.vector_store %arg11[%swap3A_396, %swap3A_397], %broadcast_in_dim3A_1 {strides = array<i32>} : memref<16x128xf32, #tpu.memory_space<vmem>>, vector<16xf32>,
    %swap3A_399 = arith.constant 12 : i32
    %swap3A_400 = arith.index_cast %swap3A_399 : i32 to index
    %swap3A_401 = arith.constant 48 : index
    %swap3A_402 = tpu.vector_load %arg11[%swap3A_400, %swap3A_401] {strides = array<i32>} : memref<16x128xf32, #tpu.memory_space<vmem>>, vector<16xf32>,
    tpu.vector_store %arg11[%swap3A_400, %swap3A_401], %broadcast_in_dim3A_1 {strides = array<i32>} : memref<16x128xf32, #tpu.memory_space<vmem>>, vector<16xf32>,
    %swap3A_403 = arith.constant 12 : i32
    %swap3A_404 = arith.index_cast %swap3A_403 : i32 to index
    %swap3A_405 = arith.constant 64 : index
    %swap3A_406 = tpu.vector_load %arg11[%swap3A_404, %swap3A_405] {strides = array<i32>} : memref<16x128xf32, #tpu.memory_space<vmem>>, vector<16xf32>,
    tpu.vector_store %arg11[%swap3A_404, %swap3A_405], %broadcast_in_dim3A_1 {strides = array<i32>} : memref<16x128xf32, #tpu.memory_space<vmem>>, vector<16xf32>,
    %swap3A_407 = arith.constant 12 : i32
    %swap3A_408 = arith.index_cast %swap3A_407 : i32 to index
    %swap3A_409 = arith.constant 80 : index
    %swap3A_410 = tpu.vector_load %arg11[%swap3A_408, %swap3A_409] {strides = array<i32>} : memref<16x128xf32, #tpu.memory_space<vmem>>, vector<16xf32>,
    tpu.vector_store %arg11[%swap3A_408, %swap3A_409], %broadcast_in_dim3A_1 {strides = array<i32>} : memref<16x128xf32, #tpu.memory_space<vmem>>, vector<16xf32>,
    %swap3A_411 = arith.constant 12 : i32
    %swap3A_412 = arith.index_cast %swap3A_411 : i32 to index
    %swap3A_413 = arith.constant 96 : index
    %swap3A_414 = tpu.vector_load %arg11[%swap3A_412, %swap3A_413] {strides = array<i32>} : memref<16x128xf32, #tpu.memory_space<vmem>>, vector<16xf32>,
    tpu.vector_store %arg11[%swap3A_412, %swap3A_413], %broadcast_in_dim3A_1 {strides = array<i32>} : memref<16x128xf32, #tpu.memory_space<vmem>>, vector<16xf32>,
    %swap3A_415 = arith.constant 12 : i32
    %swap3A_416 = arith.index_cast %swap3A_415 : i32 to index
    %swap3A_417 = arith.constant 112 : index
    %swap3A_418 = tpu.vector_load %arg11[%swap3A_416, %swap3A_417] {strides = array<i32>} : memref<16x128xf32, #tpu.memory_space<vmem>>, vector<16xf32>,
    tpu.vector_store %arg11[%swap3A_416, %swap3A_417], %broadcast_in_dim3A_1 {strides = array<i32>} : memref<16x128xf32, #tpu.memory_space<vmem>>, vector<16xf32>,
    %swap3A_419 = arith.constant 13 : i32
    %swap3A_420 = arith.index_cast %swap3A_419 : i32 to index
    %swap3A_421 = arith.constant 0 : index
    %swap3A_422 = tpu.vector_load %arg11[%swap3A_420, %swap3A_421] {strides = array<i32>} : memref<16x128xf32, #tpu.memory_space<vmem>>, vector<16xf32>,
    tpu.vector_store %arg11[%swap3A_420, %swap3A_421], %broadcast_in_dim3A_1 {strides = array<i32>} : memref<16x128xf32, #tpu.memory_space<vmem>>, vector<16xf32>,
    %swap3A_423 = arith.constant 13 : i32
    %swap3A_424 = arith.index_cast %swap3A_423 : i32 to index
    %swap3A_425 = arith.constant 16 : index
    %swap3A_426 = tpu.vector_load %arg11[%swap3A_424, %swap3A_425] {strides = array<i32>} : memref<16x128xf32, #tpu.memory_space<vmem>>, vector<16xf32>,
    tpu.vector_store %arg11[%swap3A_424, %swap3A_425], %broadcast_in_dim3A_1 {strides = array<i32>} : memref<16x128xf32, #tpu.memory_space<vmem>>, vector<16xf32>,
    %swap3A_427 = arith.constant 13 : i32
    %swap3A_428 = arith.index_cast %swap3A_427 : i32 to index
    %swap3A_429 = arith.constant 32 : index
    %swap3A_430 = tpu.vector_load %arg11[%swap3A_428, %swap3A_429] {strides = array<i32>} : memref<16x128xf32, #tpu.memory_space<vmem>>, vector<16xf32>,
    tpu.vector_store %arg11[%swap3A_428, %swap3A_429], %broadcast_in_dim3A_1 {strides = array<i32>} : memref<16x128xf32, #tpu.memory_space<vmem>>, vector<16xf32>,
    %swap3A_431 = arith.constant 13 : i32
    %swap3A_432 = arith.index_cast %swap3A_431 : i32 to index
    %swap3A_433 = arith.constant 48 : index
    %swap3A_434 = tpu.vector_load %arg11[%swap3A_432, %swap3A_433] {strides = array<i32>} : memref<16x128xf32, #tpu.memory_space<vmem>>, vector<16xf32>,
    tpu.vector_store %arg11[%swap3A_432, %swap3A_433], %broadcast_in_dim3A_1 {strides = array<i32>} : memref<16x128xf32, #tpu.memory_space<vmem>>, vector<16xf32>,
    %swap3A_435 = arith.constant 13 : i32
    %swap3A_436 = arith.index_cast %swap3A_435 : i32 to index
    %swap3A_437 = arith.constant 64 : index
    %swap3A_438 = tpu.vector_load %arg11[%swap3A_436, %swap3A_437] {strides = array<i32>} : memref<16x128xf32, #tpu.memory_space<vmem>>, vector<16xf32>,
    tpu.vector_store %arg11[%swap3A_436, %swap3A_437], %broadcast_in_dim3A_1 {strides = array<i32>} : memref<16x128xf32, #tpu.memory_space<vmem>>, vector<16xf32>,
    %swap3A_439 = arith.constant 13 : i32
    %swap3A_440 = arith.index_cast %swap3A_439 : i32 to index
    %swap3A_441 = arith.constant 80 : index
    %swap3A_442 = tpu.vector_load %arg11[%swap3A_440, %swap3A_441] {strides = array<i32>} : memref<16x128xf32, #tpu.memory_space<vmem>>, vector<16xf32>,
    tpu.vector_store %arg11[%swap3A_440, %swap3A_441], %broadcast_in_dim3A_1 {strides = array<i32>} : memref<16x128xf32, #tpu.memory_space<vmem>>, vector<16xf32>,
    %swap3A_443 = arith.constant 13 : i32
    %swap3A_444 = arith.index_cast %swap3A_443 : i32 to index
    %swap3A_445 = arith.constant 96 : index
    %swap3A_446 = tpu.vector_load %arg11[%swap3A_444, %swap3A_445] {strides = array<i32>} : memref<16x128xf32, #tpu.memory_space<vmem>>, vector<16xf32>,
    tpu.vector_store %arg11[%swap3A_444, %swap3A_445], %broadcast_in_dim3A_1 {strides = array<i32>} : memref<16x128xf32, #tpu.memory_space<vmem>>, vector<16xf32>,
    %swap3A_447 = arith.constant 13 : i32
    %swap3A_448 = arith.index_cast %swap3A_447 : i32 to index
    %swap3A_449 = arith.constant 112 : index
    %swap3A_450 = tpu.vector_load %arg11[%swap3A_448, %swap3A_449] {strides = array<i32>} : memref<16x128xf32, #tpu.memory_space<vmem>>, vector<16xf32>,
    tpu.vector_store %arg11[%swap3A_448, %swap3A_449], %broadcast_in_dim3A_1 {strides = array<i32>} : memref<16x128xf32, #tpu.memory_space<vmem>>, vector<16xf32>,
    %swap3A_451 = arith.constant 14 : i32
    %swap3A_452 = arith.index_cast %swap3A_451 : i32 to index
    %swap3A_453 = arith.constant 0 : index
    %swap3A_454 = tpu.vector_load %arg11[%swap3A_452, %swap3A_453] {strides = array<i32>} : memref<16x128xf32, #tpu.memory_space<vmem>>, vector<16xf32>,
    tpu.vector_store %arg11[%swap3A_452, %swap3A_453], %broadcast_in_dim3A_1 {strides = array<i32>} : memref<16x128xf32, #tpu.memory_space<vmem>>, vector<16xf32>,
    %swap3A_455 = arith.constant 14 : i32
    %swap3A_456 = arith.index_cast %swap3A_455 : i32 to index
    %swap3A_457 = arith.constant 16 : index
    %swap3A_458 = tpu.vector_load %arg11[%swap3A_456, %swap3A_457] {strides = array<i32>} : memref<16x128xf32, #tpu.memory_space<vmem>>, vector<16xf32>,
    tpu.vector_store %arg11[%swap3A_456, %swap3A_457], %broadcast_in_dim3A_1 {strides = array<i32>} : memref<16x128xf32, #tpu.memory_space<vmem>>, vector<16xf32>,
    %swap3A_459 = arith.constant 14 : i32
    %swap3A_460 = arith.index_cast %swap3A_459 : i32 to index
    %swap3A_461 = arith.constant 32 : index
    %swap3A_462 = tpu.vector_load %arg11[%swap3A_460, %swap3A_461] {strides = array<i32>} : memref<16x128xf32, #tpu.memory_space<vmem>>, vector<16xf32>,
    tpu.vector_store %arg11[%swap3A_460, %swap3A_461], %broadcast_in_dim3A_1 {strides = array<i32>} : memref<16x128xf32, #tpu.memory_space<vmem>>, vector<16xf32>,
    %swap3A_463 = arith.constant 14 : i32
    %swap3A_464 = arith.index_cast %swap3A_463 : i32 to index
    %swap3A_465 = arith.constant 48 : index
    %swap3A_466 = tpu.vector_load %arg11[%swap3A_464, %swap3A_465] {strides = array<i32>} : memref<16x128xf32, #tpu.memory_space<vmem>>, vector<16xf32>,
    tpu.vector_store %arg11[%swap3A_464, %swap3A_465], %broadcast_in_dim3A_1 {strides = array<i32>} : memref<16x128xf32, #tpu.memory_space<vmem>>, vector<16xf32>,
    %swap3A_467 = arith.constant 14 : i32
    %swap3A_468 = arith.index_cast %swap3A_467 : i32 to index
    %swap3A_469 = arith.constant 64 : index
    %swap3A_470 = tpu.vector_load %arg11[%swap3A_468, %swap3A_469] {strides = array<i32>} : memref<16x128xf32, #tpu.memory_space<vmem>>, vector<16xf32>,
    tpu.vector_store %arg11[%swap3A_468, %swap3A_469], %broadcast_in_dim3A_1 {strides = array<i32>} : memref<16x128xf32, #tpu.memory_space<vmem>>, vector<16xf32>,
    %swap3A_471 = arith.constant 14 : i32
    %swap3A_472 = arith.index_cast %swap3A_471 : i32 to index
    %swap3A_473 = arith.constant 80 : index
    %swap3A_474 = tpu.vector_load %arg11[%swap3A_472, %swap3A_473] {strides = array<i32>} : memref<16x128xf32, #tpu.memory_space<vmem>>, vector<16xf32>,
    tpu.vector_store %arg11[%swap3A_472, %swap3A_473], %broadcast_in_dim3A_1 {strides = array<i32>} : memref<16x128xf32, #tpu.memory_space<vmem>>, vector<16xf32>,
    %swap3A_475 = arith.constant 14 : i32
    %swap3A_476 = arith.index_cast %swap3A_475 : i32 to index
    %swap3A_477 = arith.constant 96 : index
    %swap3A_478 = tpu.vector_load %arg11[%swap3A_476, %swap3A_477] {strides = array<i32>} : memref<16x128xf32, #tpu.memory_space<vmem>>, vector<16xf32>,
    tpu.vector_store %arg11[%swap3A_476, %swap3A_477], %broadcast_in_dim3A_1 {strides = array<i32>} : memref<16x128xf32, #tpu.memory_space<vmem>>, vector<16xf32>,
    %swap3A_479 = arith.constant 14 : i32
    %swap3A_480 = arith.index_cast %swap3A_479 : i32 to index
    %swap3A_481 = arith.constant 112 : index
    %swap3A_482 = tpu.vector_load %arg11[%swap3A_480, %swap3A_481] {strides = array<i32>} : memref<16x128xf32, #tpu.memory_space<vmem>>, vector<16xf32>,
    tpu.vector_store %arg11[%swap3A_480, %swap3A_481], %broadcast_in_dim3A_1 {strides = array<i32>} : memref<16x128xf32, #tpu.memory_space<vmem>>, vector<16xf32>,
    %swap3A_483 = arith.constant 15 : i32
    %swap3A_484 = arith.index_cast %swap3A_483 : i32 to index
    %swap3A_485 = arith.constant 0 : index
    %swap3A_486 = tpu.vector_load %arg11[%swap3A_484, %swap3A_485] {strides = array<i32>} : memref<16x128xf32, #tpu.memory_space<vmem>>, vector<16xf32>,
    tpu.vector_store %arg11[%swap3A_484, %swap3A_485], %broadcast_in_dim3A_1 {strides = array<i32>} : memref<16x128xf32, #tpu.memory_space<vmem>>, vector<16xf32>,
    %swap3A_487 = arith.constant 15 : i32
    %swap3A_488 = arith.index_cast %swap3A_487 : i32 to index
    %swap3A_489 = arith.constant 16 : index
    %swap3A_490 = tpu.vector_load %arg11[%swap3A_488, %swap3A_489] {strides = array<i32>} : memref<16x128xf32, #tpu.memory_space<vmem>>, vector<16xf32>,
    tpu.vector_store %arg11[%swap3A_488, %swap3A_489], %broadcast_in_dim3A_1 {strides = array<i32>} : memref<16x128xf32, #tpu.memory_space<vmem>>, vector<16xf32>,
    %swap3A_491 = arith.constant 15 : i32
    %swap3A_492 = arith.index_cast %swap3A_491 : i32 to index
    %swap3A_493 = arith.constant 32 : index
    %swap3A_494 = tpu.vector_load %arg11[%swap3A_492, %swap3A_493] {strides = array<i32>} : memref<16x128xf32, #tpu.memory_space<vmem>>, vector<16xf32>,
    tpu.vector_store %arg11[%swap3A_492, %swap3A_493], %broadcast_in_dim3A_1 {strides = array<i32>} : memref<16x128xf32, #tpu.memory_space<vmem>>, vector<16xf32>,
    %swap3A_495 = arith.constant 15 : i32
    %swap3A_496 = arith.index_cast %swap3A_495 : i32 to index
    %swap3A_497 = arith.constant 48 : index
    %swap3A_498 = tpu.vector_load %arg11[%swap3A_496, %swap3A_497] {strides = array<i32>} : memref<16x128xf32, #tpu.memory_space<vmem>>, vector<16xf32>,
    tpu.vector_store %arg11[%swap3A_496, %swap3A_497], %broadcast_in_dim3A_1 {strides = array<i32>} : memref<16x128xf32, #tpu.memory_space<vmem>>, vector<16xf32>,
    %swap3A_499 = arith.constant 15 : i32
    %swap3A_500 = arith.index_cast %swap3A_499 : i32 to index
    %swap3A_501 = arith.constant 64 : index
    %swap3A_502 = tpu.vector_load %arg11[%swap3A_500, %swap3A_501] {strides = array<i32>} : memref<16x128xf32, #tpu.memory_space<vmem>>, vector<16xf32>,
    tpu.vector_store %arg11[%swap3A_500, %swap3A_501], %broadcast_in_dim3A_1 {strides = array<i32>} : memref<16x128xf32, #tpu.memory_space<vmem>>, vector<16xf32>,
    %swap3A_503 = arith.constant 15 : i32
    %swap3A_504 = arith.index_cast %swap3A_503 : i32 to index
    %swap3A_505 = arith.constant 80 : index
    %swap3A_506 = tpu.vector_load %arg11[%swap3A_504, %swap3A_505] {strides = array<i32>} : memref<16x128xf32, #tpu.memory_space<vmem>>, vector<16xf32>,
    tpu.vector_store %arg11[%swap3A_504, %swap3A_505], %broadcast_in_dim3A_1 {strides = array<i32>} : memref<16x128xf32, #tpu.memory_space<vmem>>, vector<16xf32>,
    %swap3A_507 = arith.constant 15 : i32
    %swap3A_508 = arith.index_cast %swap3A_507 : i32 to index
    %swap3A_509 = arith.constant 96 : index
    %swap3A_510 = tpu.vector_load %arg11[%swap3A_508, %swap3A_509] {strides = array<i32>} : memref<16x128xf32, #tpu.memory_space<vmem>>, vector<16xf32>,
    tpu.vector_store %arg11[%swap3A_508, %swap3A_509], %broadcast_in_dim3A_1 {strides = array<i32>} : memref<16x128xf32, #tpu.memory_space<vmem>>, vector<16xf32>,
    %swap3A_511 = arith.constant 15 : i32
    %swap3A_512 = arith.index_cast %swap3A_511 : i32 to index
    %swap3A_513 = arith.constant 112 : index
    %swap3A_514 = tpu.vector_load %arg11[%swap3A_512, %swap3A_513] {strides = array<i32>} : memref<16x128xf32, #tpu.memory_space<vmem>>, vector<16xf32>,
    tpu.vector_store %arg11[%swap3A_512, %swap3A_513], %broadcast_in_dim3A_1 {strides = array<i32>} : memref<16x128xf32, #tpu.memory_space<vmem>>, vector<16xf32>,
    %scan3A = arith.constant 0 : i32
    %scan3A_515 = arith.constant 0 : i32
    %scan3A_516 = arith.constant 640 : i32
    %scan3A_517 = arith.addi %scan3A_515, %scan3A_516 : i32
    %scan3A_518 = arith.constant 1 : i32
    scf.for %scan3A_535 = %scan3A_515 to %scan3A_517 step %scan3A_518  : i32 {
      %mul3A_536 = arith.constant 16 : i32
      %mul3A_537 = arith.muli %scan3A_535, %mul3A_536 : i32
      %swap3A_538 = arith.index_cast %mul3A_537 : i32 to index
      %swap3A_539 = tpu.vector_load %arg12[%swap3A_538] {strides = array<i32>} : memref<10240xf32, #tpu.memory_space<vmem>>, vector<16xf32>,
      tpu.vector_store %arg12[%swap3A_538], %broadcast_in_dim3A_1 {strides = array<i32>} : memref<10240xf32, #tpu.memory_space<vmem>>, vector<16xf32>,
    }
    %scan3A_519 = arith.constant 640 : i32
    %mul3A_520 = arith.constant 640 : i32
    %mul3A_521 = arith.muli %arg1, %mul3A_520 : i32
    %scan3A_522 = arith.constant 0 : i32
    %scan3A_523 = arith.constant 0 : i32
    %scan3A_524 = arith.constant 40 : i32
    %scan3A_525 = arith.addi %scan3A_523, %scan3A_524 : i32
    %scan3A_526 = arith.constant 1 : i32
    scf.for %scan3A_535 = %scan3A_523 to %scan3A_525 step %scan3A_526  : i32 {
      %mul3A_536 = arith.constant 16 : i32
      %mul3A_537 = arith.muli %scan3A_535, %mul3A_536 : i32
      %add3A_538 = arith.addi %mul3A_521, %mul3A_537 : i32
      "tpu.region"() ({
        %run_scoped3A = tpu.sem_alloc : memref<!tpu.dma_semaphore, #tpu.memory_space<semaphore_mem>>
        %dma_start3A = arith.constant 0 : i32
        %dma_start3A_539 = tpu.memref_slice %arg7[%add3A_538, %dma_start3A] : memref<10240x128xf32, #tpu.memory_space<vmem_shared>> -> memref<16x128xf32, #tpu.memory_space<vmem_shared>>
        %dma_start3A_540 = arith.constant 0 : i32
        %dma_start3A_541 = tpu.memref_slice %arg7[%add3A_538, %dma_start3A_540] : memref<10240x128xf32, #tpu.memory_space<vmem_shared>> -> memref<16x128xf32, #tpu.memory_space<vmem_shared>>
        tpu.enqueue_dma source(%arg11 : memref<16x128xf32, #tpu.memory_space<vmem>>) target(%dma_start3A_541 : memref<16x128xf32, #tpu.memory_space<vmem_shared>>) target_semaphore(%run_scoped3A : memref<!tpu.dma_semaphore, #tpu.memory_space<semaphore_mem>>)
        %dma_wait3A = arith.constant 0 : i32
        %dma_wait3A_542 = tpu.memref_slice %arg7[%add3A_538, %dma_wait3A] : memref<10240x128xf32, #tpu.memory_space<vmem_shared>> -> memref<16x128xf32, #tpu.memory_space<vmem_shared>>
        %dma_wait3A_543 = arith.constant 0 : i32
        %dma_wait3A_544 = tpu.memref_slice %arg7[%add3A_538, %dma_wait3A_543] : memref<10240x128xf32, #tpu.memory_space<vmem_shared>> -> memref<16x128xf32, #tpu.memory_space<vmem_shared>>
        tpu.wait_dma2 semaphore(%run_scoped3A : memref<!tpu.dma_semaphore, #tpu.memory_space<semaphore_mem>>) src(%arg11 : memref<16x128xf32, #tpu.memory_space<vmem>>) dst(%dma_wait3A_544 : memref<16x128xf32, #tpu.memory_space<vmem_shared>>)
        tpu.yield
      }) : () -> ()
    }
    %scan3A_527 = arith.constant 40 : i32
    %barrier3A = arith.constant 0 : index
    tpu.barrier barrier_id(%barrier3A)
    %scan3A_528 = arith.constant 0 : i32
    %scan3A_529 = arith.constant 0 : i32
    %scan3A_530 = arith.constant 62 : i32
    %scan3A_531 = arith.addi %scan3A_529, %scan3A_530 : i32
    %scan3A_532 = arith.constant 1 : i32
    scf.for %scan3A_535 = %scan3A_529 to %scan3A_531 step %scan3A_532  : i32 {
      %mul3A_536 = arith.constant 62 : i32
      %mul3A_537 = arith.muli %add3A, %mul3A_536 : i32
      %add3A_538 = arith.addi %mul3A_537, %scan3A_535 : i32
      %mul3A_539 = arith.constant 2 : i32
      %mul3A_540 = arith.muli %add3A_538, %mul3A_539 : i32
      "tpu.region"() ({
        %run_scoped3A_653 = tpu.sem_alloc : memref<!tpu.dma_semaphore, #tpu.memory_space<semaphore_mem>>
        %dma_start3A_654 = arith.constant 0 : i32
        %dma_start3A_655 = tpu.memref_slice %arg2[%mul3A_540, %dma_start3A_654] : memref<3968x128xi32, #tpu.memory_space<hbm>> -> memref<2x128xi32, #tpu.memory_space<hbm>>
        %dma_start3A_656 = arith.constant 0 : i32
        %dma_start3A_657 = tpu.memref_slice %arg2[%mul3A_540, %dma_start3A_656] : memref<3968x128xi32, #tpu.memory_space<hbm>> -> memref<2x128xi32, #tpu.memory_space<hbm>>
        tpu.enqueue_dma source(%dma_start3A_657 : memref<2x128xi32, #tpu.memory_space<hbm>>) target(%arg8 : memref<2x128xi32, #tpu.memory_space<vmem>>) target_semaphore(%run_scoped3A_653 : memref<!tpu.dma_semaphore, #tpu.memory_space<semaphore_mem>>)
        %dma_wait3A_658 = arith.constant 0 : i32
        %dma_wait3A_659 = tpu.memref_slice %arg2[%mul3A_540, %dma_wait3A_658] : memref<3968x128xi32, #tpu.memory_space<hbm>> -> memref<2x128xi32, #tpu.memory_space<hbm>>
        %dma_wait3A_660 = arith.constant 0 : i32
        %dma_wait3A_661 = tpu.memref_slice %arg2[%mul3A_540, %dma_wait3A_660] : memref<3968x128xi32, #tpu.memory_space<hbm>> -> memref<2x128xi32, #tpu.memory_space<hbm>>
        tpu.wait_dma2 semaphore(%run_scoped3A_653 : memref<!tpu.dma_semaphore, #tpu.memory_space<semaphore_mem>>) src(%dma_wait3A_661 : memref<2x128xi32, #tpu.memory_space<hbm>>) dst(%arg8 : memref<2x128xi32, #tpu.memory_space<vmem>>)
        tpu.yield
      }) : () -> ()
      "tpu.region"() ({
        %run_scoped3A_653 = tpu.sem_alloc : memref<!tpu.dma_semaphore, #tpu.memory_space<semaphore_mem>>
        %dma_start3A_654 = arith.constant 0 : i32
        %dma_start3A_655 = tpu.memref_slice %arg3[%mul3A_540, %dma_start3A_654] : memref<3968x128xi32, #tpu.memory_space<hbm>> -> memref<2x128xi32, #tpu.memory_space<hbm>>
        %dma_start3A_656 = arith.constant 0 : i32
        %dma_start3A_657 = tpu.memref_slice %arg3[%mul3A_540, %dma_start3A_656] : memref<3968x128xi32, #tpu.memory_space<hbm>> -> memref<2x128xi32, #tpu.memory_space<hbm>>
        tpu.enqueue_dma source(%dma_start3A_657 : memref<2x128xi32, #tpu.memory_space<hbm>>) target(%arg9 : memref<2x128xi32, #tpu.memory_space<vmem>>) target_semaphore(%run_scoped3A_653 : memref<!tpu.dma_semaphore, #tpu.memory_space<semaphore_mem>>)
        %dma_wait3A_658 = arith.constant 0 : i32
        %dma_wait3A_659 = tpu.memref_slice %arg3[%mul3A_540, %dma_wait3A_658] : memref<3968x128xi32, #tpu.memory_space<hbm>> -> memref<2x128xi32, #tpu.memory_space<hbm>>
        %dma_wait3A_660 = arith.constant 0 : i32
        %dma_wait3A_661 = tpu.memref_slice %arg3[%mul3A_540, %dma_wait3A_660] : memref<3968x128xi32, #tpu.memory_space<hbm>> -> memref<2x128xi32, #tpu.memory_space<hbm>>
        tpu.wait_dma2 semaphore(%run_scoped3A_653 : memref<!tpu.dma_semaphore, #tpu.memory_space<semaphore_mem>>) src(%dma_wait3A_661 : memref<2x128xi32, #tpu.memory_space<hbm>>) dst(%arg9 : memref<2x128xi32, #tpu.memory_space<vmem>>)
        tpu.yield
      }) : () -> ()
      %dma_start3A = arith.constant 0 : i32
      %dma_start3A_541 = arith.constant 0 : i32
      %dma_start3A_542 = arith.constant 0 : i32
      %dma_start3A_543 = arith.constant 0 : i32
      %dma_start3A_544 = tpu.memref_slice %arg10[%dma_start3A_541, %dma_start3A_542, %dma_start3A_543] : memref<2x128x128xf32, #tpu.memory_space<vmem>> -> memref<1x128x128xf32, #tpu.memory_space<vmem>>
      %dma_start3A_545 = tpu.memref_squeeze %dma_start3A_544 : memref<1x128x128xf32, #tpu.memory_space<vmem>> -> memref<128x128xf32, #tpu.memory_space<vmem>>
      %dma_start3A_546 = arith.constant 0 : i32
      %dma_start3A_547 = tpu.memref_slice %arg8[%dma_start3A, %dma_start3A_546] : memref<2x128xi32, #tpu.memory_space<vmem>> -> memref<1x128xi32, #tpu.memory_space<vmem>>
      %dma_start3A_548 = tpu.memref_squeeze %dma_start3A_547 : memref<1x128xi32, #tpu.memory_space<vmem>> -> memref<128xi32, #tpu.memory_space<vmem>>
      %dma_start3A_549 = arith.constant 0 : i32
      %dma_start3A_550 = arith.constant 0 : i32
      %dma_start3A_551 = tpu.memref_slice %arg4[%dma_start3A_549, %dma_start3A_550] : memref<50000x128xf32, #tpu.memory_space<hbm>> -> memref<50000x128xf32, #tpu.memory_space<hbm>>
      tpu.enqueue_indirect_dma source(%dma_start3A_551 : memref<50000x128xf32, #tpu.memory_space<hbm>>) target(%dma_start3A_545 : memref<128x128xf32, #tpu.memory_space<vmem>>) offsets(%dma_start3A_548 : memref<128xi32, #tpu.memory_space<vmem>>) semaphore(%arg13 : memref<!tpu.dma_semaphore, #tpu.memory_space<semaphore_mem>>)
      %dma_start3A_552 = arith.constant 1 : i32
      %dma_start3A_553 = arith.constant 1 : i32
      %dma_start3A_554 = arith.constant 0 : i32
      %dma_start3A_555 = arith.constant 0 : i32
      %dma_start3A_556 = tpu.memref_slice %arg10[%dma_start3A_553, %dma_start3A_554, %dma_start3A_555] : memref<2x128x128xf32, #tpu.memory_space<vmem>> -> memref<1x128x128xf32, #tpu.memory_space<vmem>>
      %dma_start3A_557 = tpu.memref_squeeze %dma_start3A_556 : memref<1x128x128xf32, #tpu.memory_space<vmem>> -> memref<128x128xf32, #tpu.memory_space<vmem>>
      %dma_start3A_558 = arith.constant 0 : i32
      %dma_start3A_559 = tpu.memref_slice %arg8[%dma_start3A_552, %dma_start3A_558] : memref<2x128xi32, #tpu.memory_space<vmem>> -> memref<1x128xi32, #tpu.memory_space<vmem>>
      %dma_start3A_560 = tpu.memref_squeeze %dma_start3A_559 : memref<1x128xi32, #tpu.memory_space<vmem>> -> memref<128xi32, #tpu.memory_space<vmem>>
      %dma_start3A_561 = arith.constant 0 : i32
      %dma_start3A_562 = arith.constant 0 : i32
      %dma_start3A_563 = tpu.memref_slice %arg4[%dma_start3A_561, %dma_start3A_562] : memref<50000x128xf32, #tpu.memory_space<hbm>> -> memref<50000x128xf32, #tpu.memory_space<hbm>>
      tpu.enqueue_indirect_dma source(%dma_start3A_563 : memref<50000x128xf32, #tpu.memory_space<hbm>>) target(%dma_start3A_557 : memref<128x128xf32, #tpu.memory_space<vmem>>) offsets(%dma_start3A_560 : memref<128xi32, #tpu.memory_space<vmem>>) semaphore(%arg13 : memref<!tpu.dma_semaphore, #tpu.memory_space<semaphore_mem>>)
      %dma_wait3A = arith.constant 0 : i32
      %dma_wait3A_564 = arith.constant 0 : i32
      %dma_wait3A_565 = arith.constant 0 : i32
      %dma_wait3A_566 = arith.constant 0 : i32
      %dma_wait3A_567 = tpu.memref_slice %arg10[%dma_wait3A_564, %dma_wait3A_565, %dma_wait3A_566] : memref<2x128x128xf32, #tpu.memory_space<vmem>> -> memref<1x128x128xf32, #tpu.memory_space<vmem>>
      %dma_wait3A_568 = tpu.memref_squeeze %dma_wait3A_567 : memref<1x128x128xf32, #tpu.memory_space<vmem>> -> memref<128x128xf32, #tpu.memory_space<vmem>>
      %dma_wait3A_569 = arith.constant 0 : i32
      %dma_wait3A_570 = tpu.memref_slice %arg8[%dma_wait3A, %dma_wait3A_569] : memref<2x128xi32, #tpu.memory_space<vmem>> -> memref<1x128xi32, #tpu.memory_space<vmem>>
      %dma_wait3A_571 = tpu.memref_squeeze %dma_wait3A_570 : memref<1x128xi32, #tpu.memory_space<vmem>> -> memref<128xi32, #tpu.memory_space<vmem>>
      %dma_wait3A_572 = arith.constant 0 : i32
      %dma_wait3A_573 = arith.constant 0 : i32
      %dma_wait3A_574 = tpu.memref_slice %arg4[%dma_wait3A_572, %dma_wait3A_573] : memref<50000x128xf32, #tpu.memory_space<hbm>> -> memref<50000x128xf32, #tpu.memory_space<hbm>>
      tpu.wait_indirect_dma semaphore(%arg13 : memref<!tpu.dma_semaphore, #tpu.memory_space<semaphore_mem>>) src(%dma_wait3A_574 : memref<50000x128xf32, #tpu.memory_space<hbm>>) dst(%dma_wait3A_568 : memref<128x128xf32, #tpu.memory_space<vmem>>)
      %dma_wait3A_575 = arith.constant 1 : i32
      %dma_wait3A_576 = arith.constant 1 : i32
      %dma_wait3A_577 = arith.constant 0 : i32
      %dma_wait3A_578 = arith.constant 0 : i32
      %dma_wait3A_579 = tpu.memref_slice %arg10[%dma_wait3A_576, %dma_wait3A_577, %dma_wait3A_578] : memref<2x128x128xf32, #tpu.memory_space<vmem>> -> memref<1x128x128xf32, #tpu.memory_space<vmem>>
      %dma_wait3A_580 = tpu.memref_squeeze %dma_wait3A_579 : memref<1x128x128xf32, #tpu.memory_space<vmem>> -> memref<128x128xf32, #tpu.memory_space<vmem>>
      %dma_wait3A_581 = arith.constant 0 : i32
      %dma_wait3A_582 = tpu.memref_slice %arg8[%dma_wait3A_575, %dma_wait3A_581] : memref<2x128xi32, #tpu.memory_space<vmem>> -> memref<1x128xi32, #tpu.memory_space<vmem>>
      %dma_wait3A_583 = tpu.memref_squeeze %dma_wait3A_582 : memref<1x128xi32, #tpu.memory_space<vmem>> -> memref<128xi32, #tpu.memory_space<vmem>>
      %dma_wait3A_584 = arith.constant 0 : i32
      %dma_wait3A_585 = arith.constant 0 : i32
      %dma_wait3A_586 = tpu.memref_slice %arg4[%dma_wait3A_584, %dma_wait3A_585] : memref<50000x128xf32, #tpu.memory_space<hbm>> -> memref<50000x128xf32, #tpu.memory_space<hbm>>
      tpu.wait_indirect_dma semaphore(%arg13 : memref<!tpu.dma_semaphore, #tpu.memory_space<semaphore_mem>>) src(%dma_wait3A_586 : memref<50000x128xf32, #tpu.memory_space<hbm>>) dst(%dma_wait3A_580 : memref<128x128xf32, #tpu.memory_space<vmem>>)
      %run_scoped3A = arith.constant 0 : i32
      %run_scoped3A_587 = arith.constant 0 : i32
      "tpu.region"() ({
        %run_scoped3A_653 = tpu.sem_alloc : memref<!tpu.dma_semaphore, #tpu.memory_space<semaphore_mem>>
        %dma_start3A_654 = arith.constant 0 : i32
        %dma_start3A_655 = arith.constant 0 : i32
        %dma_start3A_656 = tpu.memref_slice %arg10[%run_scoped3A, %dma_start3A_654, %dma_start3A_655] : memref<2x128x128xf32, #tpu.memory_space<vmem>> -> memref<1x128x128xf32, #tpu.memory_space<vmem>>
        %dma_start3A_657 = tpu.memref_squeeze %dma_start3A_656 : memref<1x128x128xf32, #tpu.memory_space<vmem>> -> memref<128x128xf32, #tpu.memory_space<vmem>>
        %dma_start3A_658 = arith.constant 0 : i32
        %dma_start3A_659 = tpu.memref_slice %arg9[%run_scoped3A_587, %dma_start3A_658] : memref<2x128xi32, #tpu.memory_space<vmem>> -> memref<1x128xi32, #tpu.memory_space<vmem>>
        %dma_start3A_660 = tpu.memref_squeeze %dma_start3A_659 : memref<1x128xi32, #tpu.memory_space<vmem>> -> memref<128xi32, #tpu.memory_space<vmem>>
        %dma_start3A_661 = arith.constant 0 : i32
        %dma_start3A_662 = arith.constant 0 : i32
        %dma_start3A_663 = tpu.memref_slice %arg7[%dma_start3A_661, %dma_start3A_662] : memref<10240x128xf32, #tpu.memory_space<vmem_shared>> -> memref<10240x128xf32, #tpu.memory_space<vmem_shared>>
        tpu.enqueue_indirect_dma source(%dma_start3A_657 : memref<128x128xf32, #tpu.memory_space<vmem>>) target(%dma_start3A_663 : memref<10240x128xf32, #tpu.memory_space<vmem_shared>>) offsets(%dma_start3A_660 : memref<128xi32, #tpu.memory_space<vmem>>) semaphore(%run_scoped3A_653 : memref<!tpu.dma_semaphore, #tpu.memory_space<semaphore_mem>>) {add = true}
        %dma_wait3A_664 = arith.constant 0 : i32
        %dma_wait3A_665 = arith.constant 0 : i32
        %dma_wait3A_666 = tpu.memref_slice %arg10[%run_scoped3A, %dma_wait3A_664, %dma_wait3A_665] : memref<2x128x128xf32, #tpu.memory_space<vmem>> -> memref<1x128x128xf32, #tpu.memory_space<vmem>>
        %dma_wait3A_667 = tpu.memref_squeeze %dma_wait3A_666 : memref<1x128x128xf32, #tpu.memory_space<vmem>> -> memref<128x128xf32, #tpu.memory_space<vmem>>
        %dma_wait3A_668 = arith.constant 0 : i32
        %dma_wait3A_669 = tpu.memref_slice %arg9[%run_scoped3A_587, %dma_wait3A_668] : memref<2x128xi32, #tpu.memory_space<vmem>> -> memref<1x128xi32, #tpu.memory_space<vmem>>
        %dma_wait3A_670 = tpu.memref_squeeze %dma_wait3A_669 : memref<1x128xi32, #tpu.memory_space<vmem>> -> memref<128xi32, #tpu.memory_space<vmem>>
        %dma_wait3A_671 = arith.constant 0 : i32
        %dma_wait3A_672 = arith.constant 0 : i32
        %dma_wait3A_673 = tpu.memref_slice %arg7[%dma_wait3A_671, %dma_wait3A_672] : memref<10240x128xf32, #tpu.memory_space<vmem_shared>> -> memref<10240x128xf32, #tpu.memory_space<vmem_shared>>
        tpu.wait_indirect_dma semaphore(%run_scoped3A_653 : memref<!tpu.dma_semaphore, #tpu.memory_space<semaphore_mem>>) src(%dma_wait3A_667 : memref<128x128xf32, #tpu.memory_space<vmem>>) dst(%dma_wait3A_673 : memref<10240x128xf32, #tpu.memory_space<vmem_shared>>)
        tpu.yield
      }) : () -> ()
      %get3A = arith.constant 0 : i32
      %get3A_588 = arith.index_cast %get3A : i32 to index
      %get3A_589 = arith.constant 0 : index
      %get3A_590 = tpu.vector_load %arg9[%get3A_588, %get3A_589] {strides = array<i32>} : memref<2x128xi32, #tpu.memory_space<vmem>>, vector<16xi32>,
      tpu.vector_store_idx %arg12[%get3A_590], %broadcast_in_dim3A_3 {add = true} : memref<10240xf32, #tpu.memory_space<vmem>>[vector<16xi32>], vector<16xf32>,
      %get3A_591 = arith.constant 0 : i32
      %get3A_592 = arith.index_cast %get3A_591 : i32 to index
      %get3A_593 = arith.constant 16 : index
      %get3A_594 = tpu.vector_load %arg9[%get3A_592, %get3A_593] {strides = array<i32>} : memref<2x128xi32, #tpu.memory_space<vmem>>, vector<16xi32>,
      tpu.vector_store_idx %arg12[%get3A_594], %broadcast_in_dim3A_3 {add = true} : memref<10240xf32, #tpu.memory_space<vmem>>[vector<16xi32>], vector<16xf32>,
      %get3A_595 = arith.constant 0 : i32
      %get3A_596 = arith.index_cast %get3A_595 : i32 to index
      %get3A_597 = arith.constant 32 : index
      %get3A_598 = tpu.vector_load %arg9[%get3A_596, %get3A_597] {strides = array<i32>} : memref<2x128xi32, #tpu.memory_space<vmem>>, vector<16xi32>,
      tpu.vector_store_idx %arg12[%get3A_598], %broadcast_in_dim3A_3 {add = true} : memref<10240xf32, #tpu.memory_space<vmem>>[vector<16xi32>], vector<16xf32>,
      %get3A_599 = arith.constant 0 : i32
      %get3A_600 = arith.index_cast %get3A_599 : i32 to index
      %get3A_601 = arith.constant 48 : index
      %get3A_602 = tpu.vector_load %arg9[%get3A_600, %get3A_601] {strides = array<i32>} : memref<2x128xi32, #tpu.memory_space<vmem>>, vector<16xi32>,
      tpu.vector_store_idx %arg12[%get3A_602], %broadcast_in_dim3A_3 {add = true} : memref<10240xf32, #tpu.memory_space<vmem>>[vector<16xi32>], vector<16xf32>,
      %get3A_603 = arith.constant 0 : i32
      %get3A_604 = arith.index_cast %get3A_603 : i32 to index
      %get3A_605 = arith.constant 64 : index
      %get3A_606 = tpu.vector_load %arg9[%get3A_604, %get3A_605] {strides = array<i32>} : memref<2x128xi32, #tpu.memory_space<vmem>>, vector<16xi32>,
      tpu.vector_store_idx %arg12[%get3A_606], %broadcast_in_dim3A_3 {add = true} : memref<10240xf32, #tpu.memory_space<vmem>>[vector<16xi32>], vector<16xf32>,
      %get3A_607 = arith.constant 0 : i32
      %get3A_608 = arith.index_cast %get3A_607 : i32 to index
      %get3A_609 = arith.constant 80 : index
      %get3A_610 = tpu.vector_load %arg9[%get3A_608, %get3A_609] {strides = array<i32>} : memref<2x128xi32, #tpu.memory_space<vmem>>, vector<16xi32>,
      tpu.vector_store_idx %arg12[%get3A_610], %broadcast_in_dim3A_3 {add = true} : memref<10240xf32, #tpu.memory_space<vmem>>[vector<16xi32>], vector<16xf32>,
      %get3A_611 = arith.constant 0 : i32
      %get3A_612 = arith.index_cast %get3A_611 : i32 to index
      %get3A_613 = arith.constant 96 : index
      %get3A_614 = tpu.vector_load %arg9[%get3A_612, %get3A_613] {strides = array<i32>} : memref<2x128xi32, #tpu.memory_space<vmem>>, vector<16xi32>,
      tpu.vector_store_idx %arg12[%get3A_614], %broadcast_in_dim3A_3 {add = true} : memref<10240xf32, #tpu.memory_space<vmem>>[vector<16xi32>], vector<16xf32>,
      %get3A_615 = arith.constant 0 : i32
      %get3A_616 = arith.index_cast %get3A_615 : i32 to index
      %get3A_617 = arith.constant 112 : index
      %get3A_618 = tpu.vector_load %arg9[%get3A_616, %get3A_617] {strides = array<i32>} : memref<2x128xi32, #tpu.memory_space<vmem>>, vector<16xi32>,
      tpu.vector_store_idx %arg12[%get3A_618], %broadcast_in_dim3A_3 {add = true} : memref<10240xf32, #tpu.memory_space<vmem>>[vector<16xi32>], vector<16xf32>,
      %run_scoped3A_619 = arith.constant 1 : i32
      %run_scoped3A_620 = arith.constant 1 : i32
      "tpu.region"() ({
        %run_scoped3A_653 = tpu.sem_alloc : memref<!tpu.dma_semaphore, #tpu.memory_space<semaphore_mem>>
        %dma_start3A_654 = arith.constant 0 : i32
        %dma_start3A_655 = arith.constant 0 : i32
        %dma_start3A_656 = tpu.memref_slice %arg10[%run_scoped3A_619, %dma_start3A_654, %dma_start3A_655] : memref<2x128x128xf32, #tpu.memory_space<vmem>> -> memref<1x128x128xf32, #tpu.memory_space<vmem>>
        %dma_start3A_657 = tpu.memref_squeeze %dma_start3A_656 : memref<1x128x128xf32, #tpu.memory_space<vmem>> -> memref<128x128xf32, #tpu.memory_space<vmem>>
        %dma_start3A_658 = arith.constant 0 : i32
        %dma_start3A_659 = tpu.memref_slice %arg9[%run_scoped3A_620, %dma_start3A_658] : memref<2x128xi32, #tpu.memory_space<vmem>> -> memref<1x128xi32, #tpu.memory_space<vmem>>
        %dma_start3A_660 = tpu.memref_squeeze %dma_start3A_659 : memref<1x128xi32, #tpu.memory_space<vmem>> -> memref<128xi32, #tpu.memory_space<vmem>>
        %dma_start3A_661 = arith.constant 0 : i32
        %dma_start3A_662 = arith.constant 0 : i32
        %dma_start3A_663 = tpu.memref_slice %arg7[%dma_start3A_661, %dma_start3A_662] : memref<10240x128xf32, #tpu.memory_space<vmem_shared>> -> memref<10240x128xf32, #tpu.memory_space<vmem_shared>>
        tpu.enqueue_indirect_dma source(%dma_start3A_657 : memref<128x128xf32, #tpu.memory_space<vmem>>) target(%dma_start3A_663 : memref<10240x128xf32, #tpu.memory_space<vmem_shared>>) offsets(%dma_start3A_660 : memref<128xi32, #tpu.memory_space<vmem>>) semaphore(%run_scoped3A_653 : memref<!tpu.dma_semaphore, #tpu.memory_space<semaphore_mem>>) {add = true}
        %dma_wait3A_664 = arith.constant 0 : i32
        %dma_wait3A_665 = arith.constant 0 : i32
        %dma_wait3A_666 = tpu.memref_slice %arg10[%run_scoped3A_619, %dma_wait3A_664, %dma_wait3A_665] : memref<2x128x128xf32, #tpu.memory_space<vmem>> -> memref<1x128x128xf32, #tpu.memory_space<vmem>>
        %dma_wait3A_667 = tpu.memref_squeeze %dma_wait3A_666 : memref<1x128x128xf32, #tpu.memory_space<vmem>> -> memref<128x128xf32, #tpu.memory_space<vmem>>
        %dma_wait3A_668 = arith.constant 0 : i32
        %dma_wait3A_669 = tpu.memref_slice %arg9[%run_scoped3A_620, %dma_wait3A_668] : memref<2x128xi32, #tpu.memory_space<vmem>> -> memref<1x128xi32, #tpu.memory_space<vmem>>
        %dma_wait3A_670 = tpu.memref_squeeze %dma_wait3A_669 : memref<1x128xi32, #tpu.memory_space<vmem>> -> memref<128xi32, #tpu.memory_space<vmem>>
        %dma_wait3A_671 = arith.constant 0 : i32
        %dma_wait3A_672 = arith.constant 0 : i32
        %dma_wait3A_673 = tpu.memref_slice %arg7[%dma_wait3A_671, %dma_wait3A_672] : memref<10240x128xf32, #tpu.memory_space<vmem_shared>> -> memref<10240x128xf32, #tpu.memory_space<vmem_shared>>
        tpu.wait_indirect_dma semaphore(%run_scoped3A_653 : memref<!tpu.dma_semaphore, #tpu.memory_space<semaphore_mem>>) src(%dma_wait3A_667 : memref<128x128xf32, #tpu.memory_space<vmem>>) dst(%dma_wait3A_673 : memref<10240x128xf32, #tpu.memory_space<vmem_shared>>)
        tpu.yield
      }) : () -> ()
      %get3A_621 = arith.constant 1 : i32
      %get3A_622 = arith.index_cast %get3A_621 : i32 to index
      %get3A_623 = arith.constant 0 : index
      %get3A_624 = tpu.vector_load %arg9[%get3A_622, %get3A_623] {strides = array<i32>} : memref<2x128xi32, #tpu.memory_space<vmem>>, vector<16xi32>,
      tpu.vector_store_idx %arg12[%get3A_624], %broadcast_in_dim3A_3 {add = true} : memref<10240xf32, #tpu.memory_space<vmem>>[vector<16xi32>], vector<16xf32>,
      %get3A_625 = arith.constant 1 : i32
      %get3A_626 = arith.index_cast %get3A_625 : i32 to index
      %get3A_627 = arith.constant 16 : index
      %get3A_628 = tpu.vector_load %arg9[%get3A_626, %get3A_627] {strides = array<i32>} : memref<2x128xi32, #tpu.memory_space<vmem>>, vector<16xi32>,
      tpu.vector_store_idx %arg12[%get3A_628], %broadcast_in_dim3A_3 {add = true} : memref<10240xf32, #tpu.memory_space<vmem>>[vector<16xi32>], vector<16xf32>,
      %get3A_629 = arith.constant 1 : i32
      %get3A_630 = arith.index_cast %get3A_629 : i32 to index
      %get3A_631 = arith.constant 32 : index
      %get3A_632 = tpu.vector_load %arg9[%get3A_630, %get3A_631] {strides = array<i32>} : memref<2x128xi32, #tpu.memory_space<vmem>>, vector<16xi32>,
      tpu.vector_store_idx %arg12[%get3A_632], %broadcast_in_dim3A_3 {add = true} : memref<10240xf32, #tpu.memory_space<vmem>>[vector<16xi32>], vector<16xf32>,
      %get3A_633 = arith.constant 1 : i32
      %get3A_634 = arith.index_cast %get3A_633 : i32 to index
      %get3A_635 = arith.constant 48 : index
      %get3A_636 = tpu.vector_load %arg9[%get3A_634, %get3A_635] {strides = array<i32>} : memref<2x128xi32, #tpu.memory_space<vmem>>, vector<16xi32>,
      tpu.vector_store_idx %arg12[%get3A_636], %broadcast_in_dim3A_3 {add = true} : memref<10240xf32, #tpu.memory_space<vmem>>[vector<16xi32>], vector<16xf32>,
      %get3A_637 = arith.constant 1 : i32
      %get3A_638 = arith.index_cast %get3A_637 : i32 to index
      %get3A_639 = arith.constant 64 : index
      %get3A_640 = tpu.vector_load %arg9[%get3A_638, %get3A_639] {strides = array<i32>} : memref<2x128xi32, #tpu.memory_space<vmem>>, vector<16xi32>,
      tpu.vector_store_idx %arg12[%get3A_640], %broadcast_in_dim3A_3 {add = true} : memref<10240xf32, #tpu.memory_space<vmem>>[vector<16xi32>], vector<16xf32>,
      %get3A_641 = arith.constant 1 : i32
      %get3A_642 = arith.index_cast %get3A_641 : i32 to index
      %get3A_643 = arith.constant 80 : index
      %get3A_644 = tpu.vector_load %arg9[%get3A_642, %get3A_643] {strides = array<i32>} : memref<2x128xi32, #tpu.memory_space<vmem>>, vector<16xi32>,
      tpu.vector_store_idx %arg12[%get3A_644], %broadcast_in_dim3A_3 {add = true} : memref<10240xf32, #tpu.memory_space<vmem>>[vector<16xi32>], vector<16xf32>,
      %get3A_645 = arith.constant 1 : i32
      %get3A_646 = arith.index_cast %get3A_645 : i32 to index
      %get3A_647 = arith.constant 96 : index
      %get3A_648 = tpu.vector_load %arg9[%get3A_646, %get3A_647] {strides = array<i32>} : memref<2x128xi32, #tpu.memory_space<vmem>>, vector<16xi32>,
      tpu.vector_store_idx %arg12[%get3A_648], %broadcast_in_dim3A_3 {add = true} : memref<10240xf32, #tpu.memory_space<vmem>>[vector<16xi32>], vector<16xf32>,
      %get3A_649 = arith.constant 1 : i32
      %get3A_650 = arith.index_cast %get3A_649 : i32 to index
      %get3A_651 = arith.constant 112 : index
      %get3A_652 = tpu.vector_load %arg9[%get3A_650, %get3A_651] {strides = array<i32>} : memref<2x128xi32, #tpu.memory_space<vmem>>, vector<16xi32>,
      tpu.vector_store_idx %arg12[%get3A_652], %broadcast_in_dim3A_3 {add = true} : memref<10240xf32, #tpu.memory_space<vmem>>[vector<16xi32>], vector<16xf32>,
    }
    %scan3A_533 = arith.constant 62 : i32
    %barrier3A_534 = arith.constant 0 : index
    tpu.barrier barrier_id(%barrier3A_534)
    "tpu.region"() ({
      %run_scoped3A = tpu.sem_alloc : memref<!tpu.dma_semaphore, #tpu.memory_space<semaphore_mem>>
      %dma_start3A = arith.constant 0 : i32
      %dma_start3A_535 = tpu.memref_slice %arg5[%arg0, %mul3A_521, %dma_start3A] : memref<2x10240x128xf32, #tpu.memory_space<hbm>> -> memref<1x640x128xf32, #tpu.memory_space<hbm>>
      %dma_start3A_536 = tpu.memref_squeeze %dma_start3A_535 : memref<1x640x128xf32, #tpu.memory_space<hbm>> -> memref<640x128xf32, #tpu.memory_space<hbm>>
      %dma_start3A_537 = arith.constant 0 : i32
      %dma_start3A_538 = tpu.memref_slice %arg7[%mul3A_521, %dma_start3A_537] : memref<10240x128xf32, #tpu.memory_space<vmem_shared>> -> memref<640x128xf32, #tpu.memory_space<vmem_shared>>
      tpu.enqueue_dma source(%dma_start3A_538 : memref<640x128xf32, #tpu.memory_space<vmem_shared>>) target(%dma_start3A_536 : memref<640x128xf32, #tpu.memory_space<hbm>>) target_semaphore(%run_scoped3A : memref<!tpu.dma_semaphore, #tpu.memory_space<semaphore_mem>>)
      %dma_wait3A = arith.constant 0 : i32
      %dma_wait3A_539 = tpu.memref_slice %arg5[%arg0, %mul3A_521, %dma_wait3A] : memref<2x10240x128xf32, #tpu.memory_space<hbm>> -> memref<1x640x128xf32, #tpu.memory_space<hbm>>
      %dma_wait3A_540 = tpu.memref_squeeze %dma_wait3A_539 : memref<1x640x128xf32, #tpu.memory_space<hbm>> -> memref<640x128xf32, #tpu.memory_space<hbm>>
      %dma_wait3A_541 = arith.constant 0 : i32
      %dma_wait3A_542 = tpu.memref_slice %arg7[%mul3A_521, %dma_wait3A_541] : memref<10240x128xf32, #tpu.memory_space<vmem_shared>> -> memref<640x128xf32, #tpu.memory_space<vmem_shared>>
      tpu.wait_dma2 semaphore(%run_scoped3A : memref<!tpu.dma_semaphore, #tpu.memory_space<semaphore_mem>>) src(%dma_wait3A_542 : memref<640x128xf32, #tpu.memory_space<vmem_shared>>) dst(%dma_wait3A_540 : memref<640x128xf32, #tpu.memory_space<hbm>>)
      tpu.yield
    }) : () -> ()
    "tpu.region"() ({
      %run_scoped3A = tpu.sem_alloc : memref<!tpu.dma_semaphore, #tpu.memory_space<semaphore_mem>>
      %dma_start3A = arith.constant 0 : i32
      %dma_start3A_535 = tpu.memref_slice %arg6[%arg0, %arg1, %dma_start3A] : memref<2x16x10240xf32, #tpu.memory_space<hbm>> -> memref<1x1x10240xf32, #tpu.memory_space<hbm>>
      %dma_start3A_536 = tpu.memref_squeeze %dma_start3A_535 : memref<1x1x10240xf32, #tpu.memory_space<hbm>> -> memref<10240xf32, #tpu.memory_space<hbm>>
      %dma_start3A_537 = arith.constant 0 : i32
      %dma_start3A_538 = tpu.memref_slice %arg6[%arg0, %arg1, %dma_start3A_537] : memref<2x16x10240xf32, #tpu.memory_space<hbm>> -> memref<1x1x10240xf32, #tpu.memory_space<hbm>>
      %dma_start3A_539 = tpu.memref_squeeze %dma_start3A_538 : memref<1x1x10240xf32, #tpu.memory_space<hbm>> -> memref<10240xf32, #tpu.memory_space<hbm>>
      tpu.enqueue_dma source(%arg12 : memref<10240xf32, #tpu.memory_space<vmem>>) target(%dma_start3A_539 : memref<10240xf32, #tpu.memory_space<hbm>>) target_semaphore(%run_scoped3A : memref<!tpu.dma_semaphore, #tpu.memory_space<semaphore_mem>>)
      %dma_wait3A = arith.constant 0 : i32
      %dma_wait3A_540 = tpu.memref_slice %arg6[%arg0, %arg1, %dma_wait3A] : memref<2x16x10240xf32, #tpu.memory_space<hbm>> -> memref<1x1x10240xf32, #tpu.memory_space<hbm>>
      %dma_wait3A_541 = tpu.memref_squeeze %dma_wait3A_540 : memref<1x1x10240xf32, #tpu.memory_space<hbm>> -> memref<10240xf32, #tpu.memory_space<hbm>>
      %dma_wait3A_542 = arith.constant 0 : i32
      %dma_wait3A_543 = tpu.memref_slice %arg6[%arg0, %arg1, %dma_wait3A_542] : memref<2x16x10240xf32, #tpu.memory_space<hbm>> -> memref<1x1x10240xf32, #tpu.memory_space<hbm>>
      %dma_wait3A_544 = tpu.memref_squeeze %dma_wait3A_543 : memref<1x1x10240xf32, #tpu.memory_space<hbm>> -> memref<10240xf32, #tpu.memory_space<hbm>>
      tpu.wait_dma2 semaphore(%run_scoped3A : memref<!tpu.dma_semaphore, #tpu.memory_space<semaphore_mem>>) src(%arg12 : memref<10240xf32, #tpu.memory_space<vmem>>) dst(%dma_wait3A_544 : memref<10240xf32, #tpu.memory_space<hbm>>)
      tpu.yield
    }) : () -> ()
    return
  }
}

module attributes {stable_mosaic.version = 14 : i64} {
  func.func @body(%arg0: i32, %arg1: memref<2x1024x128xf32, #tpu.memory_space<vmem>>, %arg2: memref<2x16x1024xf32, #tpu.memory_space<vmem>>, %arg3: memref<1024x128xf32, #tpu.memory_space<vmem>>, %arg4: memref<128x128xf32, #tpu.memory_space<vmem>>, %arg5: memref<1x128xf32, #tpu.memory_space<vmem>>, %arg6: memref<128x128xf32, #tpu.memory_space<vmem>>, %arg7: memref<1024x128xf32, #tpu.memory_space<vmem>>, %arg8: memref<1x1x128xf32, #tpu.memory_space<vmem>>, %arg9: memref<1x1x128xf32, #tpu.memory_space<vmem>>) attributes {dimension_semantics = [#tpu.dimension_semantics<arbitrary>], iteration_bounds = array<i64: 10>, scalar_prefetch = 0 : i64, scratch_operands = 0 : i64, tpu.core_type = #tpu.core_type<tc>, window_params = [{transform_indices = @transform_0, window_bounds = array<i64: 2, 1024, 128>}, {transform_indices = @transform_1, window_bounds = array<i64: 2, 16, 1024>}, {transform_indices = @transform_2, window_bounds = array<i64: 1024, 128>}, {pipeline_mode = #tpu.pipeline_mode<synchronous>, transform_indices = @transform_3, window_bounds = array<i64: 128, 128>}, {pipeline_mode = #tpu.pipeline_mode<synchronous>, transform_indices = @transform_4, window_bounds = array<i64: 1, 128>}, {pipeline_mode = #tpu.pipeline_mode<synchronous>, transform_indices = @transform_5, window_bounds = array<i64: 128, 128>}, {transform_indices = @transform_6, window_bounds = array<i64: 1024, 128>}, {transform_indices = @transform_7, window_bounds = array<i64: 1, 1, 128>}, {transform_indices = @transform_8, window_bounds = array<i64: 1, 1, 128>}]} {
    %get3A = arith.constant 0 : index
    %get3A_0 = arith.constant 0 : index
    %get3A_1 = arith.constant 0 : index
    %get3A_2 = vector.load %arg1[%get3A, %get3A_0, %get3A_1] : memref<2x1024x128xf32, #tpu.memory_space<vmem>>, vector<1x1024x128xf32>
    %get3A_3 = vector.shape_cast %get3A_2 : vector<1x1024x128xf32> to vector<1024x128xf32>
    %get3A_4 = arith.constant 1 : index
    %get3A_5 = arith.constant 0 : index
    %get3A_6 = arith.constant 0 : index
    %get3A_7 = vector.load %arg1[%get3A_4, %get3A_5, %get3A_6] : memref<2x1024x128xf32, #tpu.memory_space<vmem>>, vector<1x1024x128xf32>
    %get3A_8 = vector.shape_cast %get3A_7 : vector<1x1024x128xf32> to vector<1024x128xf32>
    %add3A = arith.addf %get3A_3, %get3A_8 : vector<1024x128xf32>
    %get3A_9 = arith.constant 0 : index
    %get3A_10 = arith.constant 0 : index
    %get3A_11 = arith.constant 0 : index
    %get3A_12 = vector.load %arg2[%get3A_9, %get3A_10, %get3A_11] : memref<2x16x1024xf32, #tpu.memory_space<vmem>>, vector<2x16x1024xf32>
    %reduce_sum3A = arith.constant dense<0.000000e+00> : vector<1024xf32>
    %reduce_sum3A_13 = vector.multi_reduction <add>, %get3A_12, %reduce_sum3A [0, 1] : vector<2x16x1024xf32> to vector<1024xf32>
    %broadcast_in_dim3A = vector.shape_cast %reduce_sum3A_13 : vector<1024xf32> to vector<1024x1xf32>
    %max3A = arith.constant 1.000000e+00 : f32
    %max3A_14 = vector.broadcast %max3A : f32 to vector<1024x1xf32>
    %max3A_15 = arith.maximumf %broadcast_in_dim3A, %max3A_14 : vector<1024x1xf32>
    %div3A = arith.constant 1.000000e+00 : f32
    %div3A_16 = vector.broadcast %div3A : f32 to vector<1024x1xf32>
    %div3A_17 = arith.divf %div3A_16, %max3A_15 : vector<1024x1xf32>
    %mul3A = vector.broadcast %div3A_17 : vector<1024x1xf32> to vector<1024x128xf32>
    %mul3A_18 = arith.mulf %add3A, %mul3A : vector<1024x128xf32>
    %get3A_19 = arith.constant 0 : index
    %get3A_20 = arith.constant 0 : index
    %get3A_21 = vector.load %arg4[%get3A_19, %get3A_20] : memref<128x128xf32, #tpu.memory_space<vmem>>, vector<128x128xf32>
    %dot_general3A = arith.constant dense<0.000000e+00> : vector<1024x128xf32>
    %dot_general3A_22 = tpu.matmul %mul3A_18, %get3A_21, %dot_general3A {dimension_numbers = #tpu.dot_dimension_numbers<[1], [0], [0], [1], [0, 0, 1, 1], [], []>, transpose_lhs_hint = false} : vector<1024x128xf32>, vector<128x128xf32>, vector<1024x128xf32> -> vector<1024x128xf32>
    %get3A_23 = arith.constant 0 : index
    %get3A_24 = arith.constant 0 : index
    %get3A_25 = vector.load %arg3[%get3A_23, %get3A_24] : memref<1024x128xf32, #tpu.memory_space<vmem>>, vector<1024x128xf32>
    %get3A_26 = arith.constant 0 : index
    %get3A_27 = arith.constant 0 : index
    %get3A_28 = vector.load %arg6[%get3A_26, %get3A_27] : memref<128x128xf32, #tpu.memory_space<vmem>>, vector<128x128xf32>
    %dot_general3A_29 = arith.constant dense<0.000000e+00> : vector<1024x128xf32>
    %dot_general3A_30 = tpu.matmul %get3A_25, %get3A_28, %dot_general3A_29 {dimension_numbers = #tpu.dot_dimension_numbers<[1], [0], [0], [1], [0, 0, 1, 1], [], []>, transpose_lhs_hint = false} : vector<1024x128xf32>, vector<128x128xf32>, vector<1024x128xf32> -> vector<1024x128xf32>
    %add3A_31 = arith.addf %dot_general3A_22, %dot_general3A_30 : vector<1024x128xf32>
    %get3A_32 = arith.constant 0 : index
    %get3A_33 = arith.constant 0 : index
    %get3A_34 = vector.load %arg5[%get3A_32, %get3A_33] : memref<1x128xf32, #tpu.memory_space<vmem>>, vector<1x128xf32>
    %add3A_35 = vector.broadcast %get3A_34 : vector<1x128xf32> to vector<1024x128xf32>
    %add3A_36 = arith.addf %add3A_31, %add3A_35 : vector<1024x128xf32>
    %max3A_37 = arith.constant 0.000000e+00 : f32
    %max3A_38 = vector.broadcast %max3A_37 : f32 to vector<1024x128xf32>
    %max3A_39 = arith.maximumf %add3A_36, %max3A_38 : vector<1024x128xf32>
    %iota3A = tpu.iota {dimensions = array<i32: 0>} : vector<1024x1xi32>
    %mul3A_40 = arith.constant 1024 : i32
    %mul3A_41 = arith.muli %arg0, %mul3A_40 : i32
    %add3A_42 = vector.broadcast %mul3A_41 : i32 to vector<1024x1xi32>
    %add3A_43 = arith.addi %iota3A, %add3A_42 : vector<1024x1xi32>
    %lt3A = arith.constant 10000 : i32
    %lt3A_44 = vector.broadcast %lt3A : i32 to vector<1024x1xi32>
    %lt3A_45 = arith.cmpi slt, %add3A_43, %lt3A_44 : vector<1024x1xi32>
    %jit3A = arith.constant 0.000000e+00 : f32
    %broadcast_in_dim3A_46 = vector.shape_cast %lt3A_45 : vector<1024x1xi1> to vector<1024x1xi1>
    %broadcast_in_dim3A_47 = vector.broadcast %broadcast_in_dim3A_46 : vector<1024x1xi1> to vector<1024x128xi1>
    %broadcast_in_dim3A_48 = vector.broadcast %jit3A : f32 to vector<1024x128xf32>
    %select_n3A = arith.select %broadcast_in_dim3A_47, %max3A_39, %broadcast_in_dim3A_48 : vector<1024x128xi1>, vector<1024x128xf32>
    %swap3A = arith.constant 0 : index
    %swap3A_49 = arith.constant 0 : index
    %swap3A_50 = vector.load %arg7[%swap3A, %swap3A_49] : memref<1024x128xf32, #tpu.memory_space<vmem>>, vector<1024x128xf32>
    tpu.vector_store %arg7[%swap3A, %swap3A_49], %select_n3A {strides = array<i32>} : memref<1024x128xf32, #tpu.memory_space<vmem>>, vector<1024x128xf32>,
    %reduce_sum3A_51 = arith.constant dense<0.000000e+00> : vector<128xf32>
    %reduce_sum3A_52 = vector.multi_reduction <add>, %select_n3A, %reduce_sum3A_51 [0] : vector<1024x128xf32> to vector<128xf32>
    %broadcast_in_dim3A_53 = vector.shape_cast %reduce_sum3A_52 : vector<128xf32> to vector<1x128xf32>
    %swap3A_54 = arith.constant 0 : index
    %swap3A_55 = arith.constant 0 : index
    %swap3A_56 = arith.constant 0 : index
    %swap3A_57 = vector.load %arg8[%swap3A_54, %swap3A_55, %swap3A_56] : memref<1x1x128xf32, #tpu.memory_space<vmem>>, vector<1x1x128xf32>
    %swap3A_58 = vector.shape_cast %swap3A_57 : vector<1x1x128xf32> to vector<1x128xf32>
    %swap3A_59 = vector.shape_cast %broadcast_in_dim3A_53 : vector<1x128xf32> to vector<1x1x128xf32>
    tpu.vector_store %arg8[%swap3A_54, %swap3A_55, %swap3A_56], %swap3A_59 {strides = array<i32>} : memref<1x1x128xf32, #tpu.memory_space<vmem>>, vector<1x1x128xf32>,
    %mul3A_60 = arith.mulf %select_n3A, %select_n3A : vector<1024x128xf32>
    %reduce_sum3A_61 = arith.constant dense<0.000000e+00> : vector<128xf32>
    %reduce_sum3A_62 = vector.multi_reduction <add>, %mul3A_60, %reduce_sum3A_61 [0] : vector<1024x128xf32> to vector<128xf32>
    %broadcast_in_dim3A_63 = vector.shape_cast %reduce_sum3A_62 : vector<128xf32> to vector<1x128xf32>
    %swap3A_64 = arith.constant 0 : index
    %swap3A_65 = arith.constant 0 : index
    %swap3A_66 = arith.constant 0 : index
    %swap3A_67 = vector.load %arg9[%swap3A_64, %swap3A_65, %swap3A_66] : memref<1x1x128xf32, #tpu.memory_space<vmem>>, vector<1x1x128xf32>
    %swap3A_68 = vector.shape_cast %swap3A_67 : vector<1x1x128xf32> to vector<1x128xf32>
    %swap3A_69 = vector.shape_cast %broadcast_in_dim3A_63 : vector<1x128xf32> to vector<1x1x128xf32>
    tpu.vector_store %arg9[%swap3A_64, %swap3A_65, %swap3A_66], %swap3A_69 {strides = array<i32>} : memref<1x1x128xf32, #tpu.memory_space<vmem>>, vector<1x1x128xf32>,
    return
  }
  func.func @transform_0(%arg0: i32) -> (i32, i32, i32) {
    %c0_i32 = arith.constant 0 : i32
    %c0_i32_0 = arith.constant 0 : i32
    %c0_i32_1 = arith.constant 0 : i32
    return %c0_i32, %arg0, %c0_i32_0 : i32, i32, i32
  }
  func.func @transform_1(%arg0: i32) -> (i32, i32, i32) {
    %c0_i32 = arith.constant 0 : i32
    %c0_i32_0 = arith.constant 0 : i32
    %c0_i32_1 = arith.constant 0 : i32
    return %c0_i32, %c0_i32_0, %arg0 : i32, i32, i32
  }
  func.func @transform_2(%arg0: i32) -> (i32, i32) {
    %c0_i32 = arith.constant 0 : i32
    %c0_i32_0 = arith.constant 0 : i32
    return %arg0, %c0_i32 : i32, i32
  }
  func.func @transform_3(%arg0: i32) -> (i32, i32) {
    %c0_i32 = arith.constant 0 : i32
    %c0_i32_0 = arith.constant 0 : i32
    %c0_i32_1 = arith.constant 0 : i32
    return %c0_i32, %c0_i32_0 : i32, i32
  }
  func.func @transform_4(%arg0: i32) -> (i32, i32) {
    %c0_i32 = arith.constant 0 : i32
    %c0_i32_0 = arith.constant 0 : i32
    %c0_i32_1 = arith.constant 0 : i32
    return %c0_i32, %c0_i32_0 : i32, i32
  }
  func.func @transform_5(%arg0: i32) -> (i32, i32) {
    %c0_i32 = arith.constant 0 : i32
    %c0_i32_0 = arith.constant 0 : i32
    %c0_i32_1 = arith.constant 0 : i32
    return %c0_i32, %c0_i32_0 : i32, i32
  }
  func.func @transform_6(%arg0: i32) -> (i32, i32) {
    %c0_i32 = arith.constant 0 : i32
    %c0_i32_0 = arith.constant 0 : i32
    return %arg0, %c0_i32 : i32, i32
  }
  func.func @transform_7(%arg0: i32) -> (i32, i32, i32) {
    %c0_i32 = arith.constant 0 : i32
    %c0_i32_0 = arith.constant 0 : i32
    %c0_i32_1 = arith.constant 0 : i32
    return %arg0, %c0_i32, %c0_i32_0 : i32, i32, i32
  }
  func.func @transform_8(%arg0: i32) -> (i32, i32, i32) {
    %c0_i32 = arith.constant 0 : i32
    %c0_i32_0 = arith.constant 0 : i32
    %c0_i32_1 = arith.constant 0 : i32
    return %arg0, %c0_i32, %c0_i32_0 : i32, i32, i32
  }
}

module attributes {stable_mosaic.version = 14 : i64} {
  func.func @body(%arg0: i32, %arg1: memref<1000x128xf32, #tpu.memory_space<vmem>>, %arg2: memref<10x1x128xf32, #tpu.memory_space<vmem>>, %arg3: memref<10x1x128xf32, #tpu.memory_space<vmem>>, %arg4: memref<1x128xf32, #tpu.memory_space<vmem>>, %arg5: memref<1x128xf32, #tpu.memory_space<vmem>>, %arg6: memref<1000x128xf32, #tpu.memory_space<vmem>>) attributes {dimension_semantics = [#tpu.dimension_semantics<arbitrary>], iteration_bounds = array<i64: 10>, scalar_prefetch = 0 : i64, scratch_operands = 0 : i64, tpu.core_type = #tpu.core_type<tc>, window_params = [{transform_indices = @transform_0, window_bounds = array<i64: 1000, 128>}, {pipeline_mode = #tpu.pipeline_mode<synchronous>, transform_indices = @transform_1, window_bounds = array<i64: 10, 1, 128>}, {pipeline_mode = #tpu.pipeline_mode<synchronous>, transform_indices = @transform_2, window_bounds = array<i64: 10, 1, 128>}, {pipeline_mode = #tpu.pipeline_mode<synchronous>, transform_indices = @transform_3, window_bounds = array<i64: 1, 128>}, {pipeline_mode = #tpu.pipeline_mode<synchronous>, transform_indices = @transform_4, window_bounds = array<i64: 1, 128>}, {transform_indices = @transform_5, window_bounds = array<i64: 1000, 128>}]} {
    %get3A = arith.constant 0 : index
    %get3A_0 = arith.constant 0 : index
    %get3A_1 = arith.constant 0 : index
    %get3A_2 = vector.load %arg2[%get3A, %get3A_0, %get3A_1] : memref<10x1x128xf32, #tpu.memory_space<vmem>>, vector<10x1x128xf32>
    %get3A_3 = vector.shape_cast %get3A_2 : vector<10x1x128xf32> to vector<10x128xf32>
    %reduce_sum3A = arith.constant dense<0.000000e+00> : vector<128xf32>
    %reduce_sum3A_4 = vector.multi_reduction <add>, %get3A_3, %reduce_sum3A [0] : vector<10x128xf32> to vector<128xf32>
    %mul3A = arith.constant 9.99999974E-5 : f32
    %mul3A_5 = vector.broadcast %mul3A : f32 to vector<128xf32>
    %mul3A_6 = arith.mulf %reduce_sum3A_4, %mul3A_5 : vector<128xf32>
    %get3A_7 = arith.constant 0 : index
    %get3A_8 = arith.constant 0 : index
    %get3A_9 = arith.constant 0 : index
    %get3A_10 = vector.load %arg3[%get3A_7, %get3A_8, %get3A_9] : memref<10x1x128xf32, #tpu.memory_space<vmem>>, vector<10x1x128xf32>
    %get3A_11 = vector.shape_cast %get3A_10 : vector<10x1x128xf32> to vector<10x128xf32>
    %reduce_sum3A_12 = arith.constant dense<0.000000e+00> : vector<128xf32>
    %reduce_sum3A_13 = vector.multi_reduction <add>, %get3A_11, %reduce_sum3A_12 [0] : vector<10x128xf32> to vector<128xf32>
    %mul3A_14 = arith.constant 9.99999974E-5 : f32
    %mul3A_15 = vector.broadcast %mul3A_14 : f32 to vector<128xf32>
    %mul3A_16 = arith.mulf %reduce_sum3A_13, %mul3A_15 : vector<128xf32>
    %mul3A_17 = arith.mulf %mul3A_6, %mul3A_6 : vector<128xf32>
    %sub3A = arith.subf %mul3A_16, %mul3A_17 : vector<128xf32>
    %get3A_18 = arith.constant 0 : index
    %get3A_19 = arith.constant 0 : index
    %get3A_20 = vector.load %arg4[%get3A_18, %get3A_19] : memref<1x128xf32, #tpu.memory_space<vmem>>, vector<1x128xf32>
    %get3A_21 = vector.shape_cast %get3A_20 : vector<1x128xf32> to vector<128xf32>
    %add3A = arith.constant 9.99999974E-6 : f32
    %add3A_22 = vector.broadcast %add3A : f32 to vector<128xf32>
    %add3A_23 = arith.addf %sub3A, %add3A_22 : vector<128xf32>
    %rsqrt3A = math.rsqrt %add3A_23 : vector<128xf32>
    %mul3A_24 = arith.mulf %get3A_21, %rsqrt3A : vector<128xf32>
    %get3A_25 = arith.constant 0 : index
    %get3A_26 = arith.constant 0 : index
    %get3A_27 = vector.load %arg5[%get3A_25, %get3A_26] : memref<1x128xf32, #tpu.memory_space<vmem>>, vector<1x128xf32>
    %get3A_28 = vector.shape_cast %get3A_27 : vector<1x128xf32> to vector<128xf32>
    %mul3A_29 = arith.mulf %mul3A_6, %mul3A_24 : vector<128xf32>
    %sub3A_30 = arith.subf %get3A_28, %mul3A_29 : vector<128xf32>
    %get3A_31 = arith.constant 0 : index
    %get3A_32 = arith.constant 0 : index
    %get3A_33 = vector.load %arg1[%get3A_31, %get3A_32] : memref<1000x128xf32, #tpu.memory_space<vmem>>, vector<1000x128xf32>
    %broadcast_in_dim3A = vector.shape_cast %mul3A_24 : vector<128xf32> to vector<1x128xf32>
    %mul3A_34 = vector.broadcast %broadcast_in_dim3A : vector<1x128xf32> to vector<1000x128xf32>
    %mul3A_35 = arith.mulf %get3A_33, %mul3A_34 : vector<1000x128xf32>
    %broadcast_in_dim3A_36 = vector.shape_cast %sub3A_30 : vector<128xf32> to vector<1x128xf32>
    %add3A_37 = vector.broadcast %broadcast_in_dim3A_36 : vector<1x128xf32> to vector<1000x128xf32>
    %add3A_38 = arith.addf %mul3A_35, %add3A_37 : vector<1000x128xf32>
    %swap3A = arith.constant 0 : index
    %swap3A_39 = arith.constant 0 : index
    %swap3A_40 = vector.load %arg6[%swap3A, %swap3A_39] : memref<1000x128xf32, #tpu.memory_space<vmem>>, vector<1000x128xf32>
    tpu.vector_store %arg6[%swap3A, %swap3A_39], %add3A_38 {strides = array<i32>} : memref<1000x128xf32, #tpu.memory_space<vmem>>, vector<1000x128xf32>,
    return
  }
  func.func @transform_0(%arg0: i32) -> (i32, i32) {
    %c0_i32 = arith.constant 0 : i32
    %c0_i32_0 = arith.constant 0 : i32
    return %arg0, %c0_i32 : i32, i32
  }
  func.func @transform_1(%arg0: i32) -> (i32, i32, i32) {
    %c0_i32 = arith.constant 0 : i32
    %c0_i32_0 = arith.constant 0 : i32
    %c0_i32_1 = arith.constant 0 : i32
    %c0_i32_2 = arith.constant 0 : i32
    return %c0_i32, %c0_i32_0, %c0_i32_1 : i32, i32, i32
  }
  func.func @transform_2(%arg0: i32) -> (i32, i32, i32) {
    %c0_i32 = arith.constant 0 : i32
    %c0_i32_0 = arith.constant 0 : i32
    %c0_i32_1 = arith.constant 0 : i32
    %c0_i32_2 = arith.constant 0 : i32
    return %c0_i32, %c0_i32_0, %c0_i32_1 : i32, i32, i32
  }
  func.func @transform_3(%arg0: i32) -> (i32, i32) {
    %c0_i32 = arith.constant 0 : i32
    %c0_i32_0 = arith.constant 0 : i32
    %c0_i32_1 = arith.constant 0 : i32
    return %c0_i32, %c0_i32_0 : i32, i32
  }
  func.func @transform_4(%arg0: i32) -> (i32, i32) {
    %c0_i32 = arith.constant 0 : i32
    %c0_i32_0 = arith.constant 0 : i32
    %c0_i32_1 = arith.constant 0 : i32
    return %c0_i32, %c0_i32_0 : i32, i32
  }
  func.func @transform_5(%arg0: i32) -> (i32, i32) {
    %c0_i32 = arith.constant 0 : i32
    %c0_i32_0 = arith.constant 0 : i32
    return %arg0, %c0_i32 : i32, i32
  }
}

module attributes {stable_mosaic.version = 14 : i64} {
  func.func @body(%arg0: i32, %arg1: memref<2x1024x128xf32, #tpu.memory_space<vmem>>, %arg2: memref<2x16x1024xf32, #tpu.memory_space<vmem>>, %arg3: memref<1024x128xf32, #tpu.memory_space<vmem>>, %arg4: memref<128x128xf32, #tpu.memory_space<vmem>>, %arg5: memref<1x128xf32, #tpu.memory_space<vmem>>, %arg6: memref<128x128xf32, #tpu.memory_space<vmem>>, %arg7: memref<1024x128xf32, #tpu.memory_space<vmem>>, %arg8: memref<1x1x128xf32, #tpu.memory_space<vmem>>, %arg9: memref<1x1x128xf32, #tpu.memory_space<vmem>>) attributes {dimension_semantics = [#tpu.dimension_semantics<arbitrary>], iteration_bounds = array<i64: 2>, scalar_prefetch = 0 : i64, scratch_operands = 0 : i64, tpu.core_type = #tpu.core_type<tc>, window_params = [{transform_indices = @transform_0, window_bounds = array<i64: 2, 1024, 128>}, {transform_indices = @transform_1, window_bounds = array<i64: 2, 16, 1024>}, {transform_indices = @transform_2, window_bounds = array<i64: 1024, 128>}, {pipeline_mode = #tpu.pipeline_mode<synchronous>, transform_indices = @transform_3, window_bounds = array<i64: 128, 128>}, {pipeline_mode = #tpu.pipeline_mode<synchronous>, transform_indices = @transform_4, window_bounds = array<i64: 1, 128>}, {pipeline_mode = #tpu.pipeline_mode<synchronous>, transform_indices = @transform_5, window_bounds = array<i64: 128, 128>}, {transform_indices = @transform_6, window_bounds = array<i64: 1024, 128>}, {transform_indices = @transform_7, window_bounds = array<i64: 1, 1, 128>}, {transform_indices = @transform_8, window_bounds = array<i64: 1, 1, 128>}]} {
    %get3A = arith.constant 0 : index
    %get3A_0 = arith.constant 0 : index
    %get3A_1 = arith.constant 0 : index
    %get3A_2 = vector.load %arg1[%get3A, %get3A_0, %get3A_1] : memref<2x1024x128xf32, #tpu.memory_space<vmem>>, vector<1x1024x128xf32>
    %get3A_3 = vector.shape_cast %get3A_2 : vector<1x1024x128xf32> to vector<1024x128xf32>
    %get3A_4 = arith.constant 1 : index
    %get3A_5 = arith.constant 0 : index
    %get3A_6 = arith.constant 0 : index
    %get3A_7 = vector.load %arg1[%get3A_4, %get3A_5, %get3A_6] : memref<2x1024x128xf32, #tpu.memory_space<vmem>>, vector<1x1024x128xf32>
    %get3A_8 = vector.shape_cast %get3A_7 : vector<1x1024x128xf32> to vector<1024x128xf32>
    %add3A = arith.addf %get3A_3, %get3A_8 : vector<1024x128xf32>
    %get3A_9 = arith.constant 0 : index
    %get3A_10 = arith.constant 0 : index
    %get3A_11 = arith.constant 0 : index
    %get3A_12 = vector.load %arg2[%get3A_9, %get3A_10, %get3A_11] : memref<2x16x1024xf32, #tpu.memory_space<vmem>>, vector<2x16x1024xf32>
    %reduce_sum3A = arith.constant dense<0.000000e+00> : vector<1024xf32>
    %reduce_sum3A_13 = vector.multi_reduction <add>, %get3A_12, %reduce_sum3A [0, 1] : vector<2x16x1024xf32> to vector<1024xf32>
    %broadcast_in_dim3A = vector.shape_cast %reduce_sum3A_13 : vector<1024xf32> to vector<1024x1xf32>
    %max3A = arith.constant 1.000000e+00 : f32
    %max3A_14 = vector.broadcast %max3A : f32 to vector<1024x1xf32>
    %max3A_15 = arith.maximumf %broadcast_in_dim3A, %max3A_14 : vector<1024x1xf32>
    %div3A = arith.constant 1.000000e+00 : f32
    %div3A_16 = vector.broadcast %div3A : f32 to vector<1024x1xf32>
    %div3A_17 = arith.divf %div3A_16, %max3A_15 : vector<1024x1xf32>
    %mul3A = vector.broadcast %div3A_17 : vector<1024x1xf32> to vector<1024x128xf32>
    %mul3A_18 = arith.mulf %add3A, %mul3A : vector<1024x128xf32>
    %get3A_19 = arith.constant 0 : index
    %get3A_20 = arith.constant 0 : index
    %get3A_21 = vector.load %arg4[%get3A_19, %get3A_20] : memref<128x128xf32, #tpu.memory_space<vmem>>, vector<128x128xf32>
    %dot_general3A = arith.constant dense<0.000000e+00> : vector<1024x128xf32>
    %dot_general3A_22 = tpu.matmul %mul3A_18, %get3A_21, %dot_general3A {dimension_numbers = #tpu.dot_dimension_numbers<[1], [0], [0], [1], [0, 0, 1, 1], [], []>, transpose_lhs_hint = false} : vector<1024x128xf32>, vector<128x128xf32>, vector<1024x128xf32> -> vector<1024x128xf32>
    %get3A_23 = arith.constant 0 : index
    %get3A_24 = arith.constant 0 : index
    %get3A_25 = vector.load %arg3[%get3A_23, %get3A_24] : memref<1024x128xf32, #tpu.memory_space<vmem>>, vector<1024x128xf32>
    %get3A_26 = arith.constant 0 : index
    %get3A_27 = arith.constant 0 : index
    %get3A_28 = vector.load %arg6[%get3A_26, %get3A_27] : memref<128x128xf32, #tpu.memory_space<vmem>>, vector<128x128xf32>
    %dot_general3A_29 = arith.constant dense<0.000000e+00> : vector<1024x128xf32>
    %dot_general3A_30 = tpu.matmul %get3A_25, %get3A_28, %dot_general3A_29 {dimension_numbers = #tpu.dot_dimension_numbers<[1], [0], [0], [1], [0, 0, 1, 1], [], []>, transpose_lhs_hint = false} : vector<1024x128xf32>, vector<128x128xf32>, vector<1024x128xf32> -> vector<1024x128xf32>
    %add3A_31 = arith.addf %dot_general3A_22, %dot_general3A_30 : vector<1024x128xf32>
    %get3A_32 = arith.constant 0 : index
    %get3A_33 = arith.constant 0 : index
    %get3A_34 = vector.load %arg5[%get3A_32, %get3A_33] : memref<1x128xf32, #tpu.memory_space<vmem>>, vector<1x128xf32>
    %add3A_35 = vector.broadcast %get3A_34 : vector<1x128xf32> to vector<1024x128xf32>
    %add3A_36 = arith.addf %add3A_31, %add3A_35 : vector<1024x128xf32>
    %max3A_37 = arith.constant 0.000000e+00 : f32
    %max3A_38 = vector.broadcast %max3A_37 : f32 to vector<1024x128xf32>
    %max3A_39 = arith.maximumf %add3A_36, %max3A_38 : vector<1024x128xf32>
    %iota3A = tpu.iota {dimensions = array<i32: 0>} : vector<1024x1xi32>
    %mul3A_40 = arith.constant 1024 : i32
    %mul3A_41 = arith.muli %arg0, %mul3A_40 : i32
    %add3A_42 = vector.broadcast %mul3A_41 : i32 to vector<1024x1xi32>
    %add3A_43 = arith.addi %iota3A, %add3A_42 : vector<1024x1xi32>
    %lt3A = arith.constant 2000 : i32
    %lt3A_44 = vector.broadcast %lt3A : i32 to vector<1024x1xi32>
    %lt3A_45 = arith.cmpi slt, %add3A_43, %lt3A_44 : vector<1024x1xi32>
    %jit3A = arith.constant 0.000000e+00 : f32
    %broadcast_in_dim3A_46 = vector.shape_cast %lt3A_45 : vector<1024x1xi1> to vector<1024x1xi1>
    %broadcast_in_dim3A_47 = vector.broadcast %broadcast_in_dim3A_46 : vector<1024x1xi1> to vector<1024x128xi1>
    %broadcast_in_dim3A_48 = vector.broadcast %jit3A : f32 to vector<1024x128xf32>
    %select_n3A = arith.select %broadcast_in_dim3A_47, %max3A_39, %broadcast_in_dim3A_48 : vector<1024x128xi1>, vector<1024x128xf32>
    %swap3A = arith.constant 0 : index
    %swap3A_49 = arith.constant 0 : index
    %swap3A_50 = vector.load %arg7[%swap3A, %swap3A_49] : memref<1024x128xf32, #tpu.memory_space<vmem>>, vector<1024x128xf32>
    tpu.vector_store %arg7[%swap3A, %swap3A_49], %select_n3A {strides = array<i32>} : memref<1024x128xf32, #tpu.memory_space<vmem>>, vector<1024x128xf32>,
    %reduce_sum3A_51 = arith.constant dense<0.000000e+00> : vector<128xf32>
    %reduce_sum3A_52 = vector.multi_reduction <add>, %select_n3A, %reduce_sum3A_51 [0] : vector<1024x128xf32> to vector<128xf32>
    %broadcast_in_dim3A_53 = vector.shape_cast %reduce_sum3A_52 : vector<128xf32> to vector<1x128xf32>
    %swap3A_54 = arith.constant 0 : index
    %swap3A_55 = arith.constant 0 : index
    %swap3A_56 = arith.constant 0 : index
    %swap3A_57 = vector.load %arg8[%swap3A_54, %swap3A_55, %swap3A_56] : memref<1x1x128xf32, #tpu.memory_space<vmem>>, vector<1x1x128xf32>
    %swap3A_58 = vector.shape_cast %swap3A_57 : vector<1x1x128xf32> to vector<1x128xf32>
    %swap3A_59 = vector.shape_cast %broadcast_in_dim3A_53 : vector<1x128xf32> to vector<1x1x128xf32>
    tpu.vector_store %arg8[%swap3A_54, %swap3A_55, %swap3A_56], %swap3A_59 {strides = array<i32>} : memref<1x1x128xf32, #tpu.memory_space<vmem>>, vector<1x1x128xf32>,
    %mul3A_60 = arith.mulf %select_n3A, %select_n3A : vector<1024x128xf32>
    %reduce_sum3A_61 = arith.constant dense<0.000000e+00> : vector<128xf32>
    %reduce_sum3A_62 = vector.multi_reduction <add>, %mul3A_60, %reduce_sum3A_61 [0] : vector<1024x128xf32> to vector<128xf32>
    %broadcast_in_dim3A_63 = vector.shape_cast %reduce_sum3A_62 : vector<128xf32> to vector<1x128xf32>
    %swap3A_64 = arith.constant 0 : index
    %swap3A_65 = arith.constant 0 : index
    %swap3A_66 = arith.constant 0 : index
    %swap3A_67 = vector.load %arg9[%swap3A_64, %swap3A_65, %swap3A_66] : memref<1x1x128xf32, #tpu.memory_space<vmem>>, vector<1x1x128xf32>
    %swap3A_68 = vector.shape_cast %swap3A_67 : vector<1x1x128xf32> to vector<1x128xf32>
    %swap3A_69 = vector.shape_cast %broadcast_in_dim3A_63 : vector<1x128xf32> to vector<1x1x128xf32>
    tpu.vector_store %arg9[%swap3A_64, %swap3A_65, %swap3A_66], %swap3A_69 {strides = array<i32>} : memref<1x1x128xf32, #tpu.memory_space<vmem>>, vector<1x1x128xf32>,
    return
  }
  func.func @transform_0(%arg0: i32) -> (i32, i32, i32) {
    %c0_i32 = arith.constant 0 : i32
    %c0_i32_0 = arith.constant 0 : i32
    %c0_i32_1 = arith.constant 0 : i32
    return %c0_i32, %arg0, %c0_i32_0 : i32, i32, i32
  }
  func.func @transform_1(%arg0: i32) -> (i32, i32, i32) {
    %c0_i32 = arith.constant 0 : i32
    %c0_i32_0 = arith.constant 0 : i32
    %c0_i32_1 = arith.constant 0 : i32
    return %c0_i32, %c0_i32_0, %arg0 : i32, i32, i32
  }
  func.func @transform_2(%arg0: i32) -> (i32, i32) {
    %c0_i32 = arith.constant 0 : i32
    %c0_i32_0 = arith.constant 0 : i32
    return %arg0, %c0_i32 : i32, i32
  }
  func.func @transform_3(%arg0: i32) -> (i32, i32) {
    %c0_i32 = arith.constant 0 : i32
    %c0_i32_0 = arith.constant 0 : i32
    %c0_i32_1 = arith.constant 0 : i32
    return %c0_i32, %c0_i32_0 : i32, i32
  }
  func.func @transform_4(%arg0: i32) -> (i32, i32) {
    %c0_i32 = arith.constant 0 : i32
    %c0_i32_0 = arith.constant 0 : i32
    %c0_i32_1 = arith.constant 0 : i32
    return %c0_i32, %c0_i32_0 : i32, i32
  }
  func.func @transform_5(%arg0: i32) -> (i32, i32) {
    %c0_i32 = arith.constant 0 : i32
    %c0_i32_0 = arith.constant 0 : i32
    %c0_i32_1 = arith.constant 0 : i32
    return %c0_i32, %c0_i32_0 : i32, i32
  }
  func.func @transform_6(%arg0: i32) -> (i32, i32) {
    %c0_i32 = arith.constant 0 : i32
    %c0_i32_0 = arith.constant 0 : i32
    return %arg0, %c0_i32 : i32, i32
  }
  func.func @transform_7(%arg0: i32) -> (i32, i32, i32) {
    %c0_i32 = arith.constant 0 : i32
    %c0_i32_0 = arith.constant 0 : i32
    %c0_i32_1 = arith.constant 0 : i32
    return %arg0, %c0_i32, %c0_i32_0 : i32, i32, i32
  }
  func.func @transform_8(%arg0: i32) -> (i32, i32, i32) {
    %c0_i32 = arith.constant 0 : i32
    %c0_i32_0 = arith.constant 0 : i32
    %c0_i32_1 = arith.constant 0 : i32
    return %arg0, %c0_i32, %c0_i32_0 : i32, i32, i32
  }
}

module attributes {stable_mosaic.version = 14 : i64} {
  func.func @body(%arg0: i32, %arg1: memref<1000x128xf32, #tpu.memory_space<vmem>>, %arg2: memref<2x1x128xf32, #tpu.memory_space<vmem>>, %arg3: memref<2x1x128xf32, #tpu.memory_space<vmem>>, %arg4: memref<1x128xf32, #tpu.memory_space<vmem>>, %arg5: memref<1x128xf32, #tpu.memory_space<vmem>>, %arg6: memref<1000x128xf32, #tpu.memory_space<vmem>>) attributes {dimension_semantics = [#tpu.dimension_semantics<arbitrary>], iteration_bounds = array<i64: 2>, scalar_prefetch = 0 : i64, scratch_operands = 0 : i64, tpu.core_type = #tpu.core_type<tc>, window_params = [{transform_indices = @transform_0, window_bounds = array<i64: 1000, 128>}, {pipeline_mode = #tpu.pipeline_mode<synchronous>, transform_indices = @transform_1, window_bounds = array<i64: 2, 1, 128>}, {pipeline_mode = #tpu.pipeline_mode<synchronous>, transform_indices = @transform_2, window_bounds = array<i64: 2, 1, 128>}, {pipeline_mode = #tpu.pipeline_mode<synchronous>, transform_indices = @transform_3, window_bounds = array<i64: 1, 128>}, {pipeline_mode = #tpu.pipeline_mode<synchronous>, transform_indices = @transform_4, window_bounds = array<i64: 1, 128>}, {transform_indices = @transform_5, window_bounds = array<i64: 1000, 128>}]} {
    %get3A = arith.constant 0 : index
    %get3A_0 = arith.constant 0 : index
    %get3A_1 = arith.constant 0 : index
    %get3A_2 = vector.load %arg2[%get3A, %get3A_0, %get3A_1] : memref<2x1x128xf32, #tpu.memory_space<vmem>>, vector<2x1x128xf32>
    %get3A_3 = vector.shape_cast %get3A_2 : vector<2x1x128xf32> to vector<2x128xf32>
    %reduce_sum3A = arith.constant dense<0.000000e+00> : vector<128xf32>
    %reduce_sum3A_4 = vector.multi_reduction <add>, %get3A_3, %reduce_sum3A [0] : vector<2x128xf32> to vector<128xf32>
    %mul3A = arith.constant 5.000000e-04 : f32
    %mul3A_5 = vector.broadcast %mul3A : f32 to vector<128xf32>
    %mul3A_6 = arith.mulf %reduce_sum3A_4, %mul3A_5 : vector<128xf32>
    %get3A_7 = arith.constant 0 : index
    %get3A_8 = arith.constant 0 : index
    %get3A_9 = arith.constant 0 : index
    %get3A_10 = vector.load %arg3[%get3A_7, %get3A_8, %get3A_9] : memref<2x1x128xf32, #tpu.memory_space<vmem>>, vector<2x1x128xf32>
    %get3A_11 = vector.shape_cast %get3A_10 : vector<2x1x128xf32> to vector<2x128xf32>
    %reduce_sum3A_12 = arith.constant dense<0.000000e+00> : vector<128xf32>
    %reduce_sum3A_13 = vector.multi_reduction <add>, %get3A_11, %reduce_sum3A_12 [0] : vector<2x128xf32> to vector<128xf32>
    %mul3A_14 = arith.constant 5.000000e-04 : f32
    %mul3A_15 = vector.broadcast %mul3A_14 : f32 to vector<128xf32>
    %mul3A_16 = arith.mulf %reduce_sum3A_13, %mul3A_15 : vector<128xf32>
    %mul3A_17 = arith.mulf %mul3A_6, %mul3A_6 : vector<128xf32>
    %sub3A = arith.subf %mul3A_16, %mul3A_17 : vector<128xf32>
    %get3A_18 = arith.constant 0 : index
    %get3A_19 = arith.constant 0 : index
    %get3A_20 = vector.load %arg4[%get3A_18, %get3A_19] : memref<1x128xf32, #tpu.memory_space<vmem>>, vector<1x128xf32>
    %get3A_21 = vector.shape_cast %get3A_20 : vector<1x128xf32> to vector<128xf32>
    %add3A = arith.constant 9.99999974E-6 : f32
    %add3A_22 = vector.broadcast %add3A : f32 to vector<128xf32>
    %add3A_23 = arith.addf %sub3A, %add3A_22 : vector<128xf32>
    %rsqrt3A = math.rsqrt %add3A_23 : vector<128xf32>
    %mul3A_24 = arith.mulf %get3A_21, %rsqrt3A : vector<128xf32>
    %get3A_25 = arith.constant 0 : index
    %get3A_26 = arith.constant 0 : index
    %get3A_27 = vector.load %arg5[%get3A_25, %get3A_26] : memref<1x128xf32, #tpu.memory_space<vmem>>, vector<1x128xf32>
    %get3A_28 = vector.shape_cast %get3A_27 : vector<1x128xf32> to vector<128xf32>
    %mul3A_29 = arith.mulf %mul3A_6, %mul3A_24 : vector<128xf32>
    %sub3A_30 = arith.subf %get3A_28, %mul3A_29 : vector<128xf32>
    %get3A_31 = arith.constant 0 : index
    %get3A_32 = arith.constant 0 : index
    %get3A_33 = vector.load %arg1[%get3A_31, %get3A_32] : memref<1000x128xf32, #tpu.memory_space<vmem>>, vector<1000x128xf32>
    %broadcast_in_dim3A = vector.shape_cast %mul3A_24 : vector<128xf32> to vector<1x128xf32>
    %mul3A_34 = vector.broadcast %broadcast_in_dim3A : vector<1x128xf32> to vector<1000x128xf32>
    %mul3A_35 = arith.mulf %get3A_33, %mul3A_34 : vector<1000x128xf32>
    %broadcast_in_dim3A_36 = vector.shape_cast %sub3A_30 : vector<128xf32> to vector<1x128xf32>
    %add3A_37 = vector.broadcast %broadcast_in_dim3A_36 : vector<1x128xf32> to vector<1000x128xf32>
    %add3A_38 = arith.addf %mul3A_35, %add3A_37 : vector<1000x128xf32>
    %swap3A = arith.constant 0 : index
    %swap3A_39 = arith.constant 0 : index
    %swap3A_40 = vector.load %arg6[%swap3A, %swap3A_39] : memref<1000x128xf32, #tpu.memory_space<vmem>>, vector<1000x128xf32>
    tpu.vector_store %arg6[%swap3A, %swap3A_39], %add3A_38 {strides = array<i32>} : memref<1000x128xf32, #tpu.memory_space<vmem>>, vector<1000x128xf32>,
    return
  }
  func.func @transform_0(%arg0: i32) -> (i32, i32) {
    %c0_i32 = arith.constant 0 : i32
    %c0_i32_0 = arith.constant 0 : i32
    return %arg0, %c0_i32 : i32, i32
  }
  func.func @transform_1(%arg0: i32) -> (i32, i32, i32) {
    %c0_i32 = arith.constant 0 : i32
    %c0_i32_0 = arith.constant 0 : i32
    %c0_i32_1 = arith.constant 0 : i32
    %c0_i32_2 = arith.constant 0 : i32
    return %c0_i32, %c0_i32_0, %c0_i32_1 : i32, i32, i32
  }
  func.func @transform_2(%arg0: i32) -> (i32, i32, i32) {
    %c0_i32 = arith.constant 0 : i32
    %c0_i32_0 = arith.constant 0 : i32
    %c0_i32_1 = arith.constant 0 : i32
    %c0_i32_2 = arith.constant 0 : i32
    return %c0_i32, %c0_i32_0, %c0_i32_1 : i32, i32, i32
  }
  func.func @transform_3(%arg0: i32) -> (i32, i32) {
    %c0_i32 = arith.constant 0 : i32
    %c0_i32_0 = arith.constant 0 : i32
    %c0_i32_1 = arith.constant 0 : i32
    return %c0_i32, %c0_i32_0 : i32, i32
  }
  func.func @transform_4(%arg0: i32) -> (i32, i32) {
    %c0_i32 = arith.constant 0 : i32
    %c0_i32_0 = arith.constant 0 : i32
    %c0_i32_1 = arith.constant 0 : i32
    return %c0_i32, %c0_i32_0 : i32, i32
  }
  func.func @transform_5(%arg0: i32) -> (i32, i32) {
    %c0_i32 = arith.constant 0 : i32
    %c0_i32_0 = arith.constant 0 : i32
    return %arg0, %c0_i32 : i32, i32
  }
}

</mosaic_0001>

<sc_bundles>
// kernel: kernel.11.cloned.1.call-start
scs
__scs_entry_jumppad:
0x0: {  	(pc) =	sbr.rel $0x88, $3  }
0x1: {  	(tag) =	ssettag $0x0;
	lr =	simm.s32 $0x1  }
0x2: {  	[smem:$0x3F94] =	sst lr;
	_ =	strace $0xD0000000  }
0x3: {  	_ = 	snop  }
0x4: {  	_ = 	snop  }
0x5: {  	_ = 	snop  }
0x6: {  	_ = 	snop  }
0x7: {  	_ = 	snop  }
__scs_overlays_trampoline_lowered:
0x8: {  	[smem:$0x3FA3] =	sst s0  }
0x9: {  	[smem:$0x3FA4] =	sst s1  }
0xa: {  	[smem:$0x3FA5] =	sst s2  }
0xb: {  	[smem:$0x3FA6] =	sst s3  }
0xc: {  	[smem:$0x3FA7] =	sst s4  }
0xd: {  	[smem:$0x3FA8] =	sst s5  }
0xe: {  	[smem:$0x3FA9] =	sst s6  }
0xf: {  	[smem:$0x3FAA] =	sst s7  }
0x10: {  	[smem:$0x3FAB] =	sst s8  }
0x11: {  	[smem:$0x3FAC] =	sst s9;
	s0 =	simm.s32 @!p0 $0x0  }
0x12: {  	s1 =	sld [smem:$0x3F92];
	s0 =	simm.s32 @p0 $0x1  }
0x13: {  	[smem:$0x3FAD] =	sst s0;
	s0 =	simm.s32 @!p1 $0x0  }
0x14: {  	s2 =	sld [smem:$0x3F91];
	s0 =	simm.s32 @p1 $0x1  }
0x15: {  	[smem:$0x3FAE] =	sst s0;
	s0 =	simm.s32 @!p2 $0x0  }
0x16: {  	s3 =	sld [smem:$0x3FDB];
	s0 =	simm.s32 @p2 $0x1  }
0x17: {  	s4 =	simm.s32 $0x1BF5;
	[smem:$0x3FB0] =	sst s0  }
0x18: {  	s0 =	sld [smem:$0x3F93];
	_ =	swait.ge [sflag:s4], $0x0  }
0x19: {  	s7 =	sld [smem:$0x3F94]  }
0x1a: {  	s8 =	sadd.s32 $0xFFFFE003, lr  }
0x1b: {  	s9 =	sadd.s32 $0xFFFFFEF7, lr;
	s5 =	simm.s32 $0xFFFFFFFF;
	p2 =	slt.u32 s8, $0xFFFFF086  }
0x1c: {  	p1 =	slt.u32 s9, $0xF7A;
	s5 =	simm.s32 @!p2 $0x0  }
0x1d: {  	s5 =	simm.s32 @p1 $0x1;
	p0 =	seq.s32 s7, s2  }
0x1e: {  	s7 =	smul.u32 @!p0 $0xF7A, s2;
	p2 =	seq.s32 @!p0 s5, $0x0  }
0x1f: {  	s9 =	smul.u32 $0xF7A, s1;
	s8 =	simm.s32 @!p0 $0x1BF5;
	p2 =	por !p2, p0  }
0x20: {  	[sflag:s8] =	ssyncset.s32 @!p0 $0xFFFFF086;
	s6 =	sadd.s32 @!p0 s3, s7;
	s7 =	simm.s32 @!p0 $0x108  }
0x21: {  	s3 =	sadd.s32 s3, s9;
	s6 =	sadd.s32 @!p0 $0x88, s6;
	s7 =	simm.s32 @p2 $0x1082  }
0x22: {  	[simem:s7], [sflag:s8] =	dma.local @!p0 [hbm:s6], $0xF7A  }
0x23: {  	s9 =	sor.u32 $0xD0000000, s2;
	s6 =	simm.s32 $0x108;
	_ =	swait.ge @!p0 [sflag:s8], $0x0  }
0x24: {  	s3 =	sadd.s32 $0x88, s3;
	s6 =	simm.s32 @!p1 $0x1082;
	[sflag:s4] =	ssyncset.s32 $0xFFFFF086  }
0x25: {  	[simem:s6], [sflag:s4] =	dma.local [hbm:s3], $0xF7A  }
0x26: {  	[smem:$0x3F94] =	sst s1;
	(tag) =	ssettag s2;
	_ =	strace s9  }
0x27: {  	s1 =	sld [smem:$0x3FA4]  }
0x28: {  	s2 =	sld [smem:$0x3FA5]  }
0x29: {  	s4 =	sld [smem:$0x3FA7]  }
0x2a: {  	p0 =	seq.s32 s5, $0x0;
	s5 =	sld [smem:$0x3FA8]  }
0x2b: {  	s6 =	sld [smem:$0x3FA9]  }
0x2c: {  	s7 =	sld [smem:$0x3FAA]  }
0x2d: {  	s3 =	simm.s32 $0x108;
	s8 =	sld [smem:$0x3FAB]  }
0x2e: {  	s3 =	simm.s32 @!p0 $0x1082;
	s9 =	sld [smem:$0x3FAC]  }
0x2f: {  	lr =	sadd.s32 s0, s3;
	s0 =	sld [smem:$0x3FA3]  }
0x30: {  	s3 =	sld [smem:$0x3FA6]  }
0x31: {  	[smem:$0x3FAF] =	sst s10  }
0x32: {  	s10 =	sld [smem:$0x3FAD];
	_ =	sdelay $0x3  }
0x33: {  	p0 =	seq.s32 s10, $0x1;
	s10 =	sld [smem:$0x3FAF];
	_ =	sdelay $0x3  }
0x34: {  	[smem:$0x3FAF] =	sst s10  }
0x35: {  	s10 =	sld [smem:$0x3FAE];
	_ =	sdelay $0x3  }
0x36: {  	p1 =	seq.s32 s10, $0x1;
	s10 =	sld [smem:$0x3FAF];
	_ =	sdelay $0x3  }
0x37: {  	[smem:$0x3FAF] =	sst s10  }
0x38: {  	s10 =	sld [smem:$0x3FB0]  }
0x39: {  	_ = 	snop;
	(pc) =	sbr.ind lr, $3  }
0x3a: {  	_ = 	snop  }
0x3b: {  	_ = 	snop  }
0x3c: {  	p2 =	seq.s32 s10, $0x1;
	s10 =	sld [smem:$0x3FAF]  }
0x3d: {  	_ =	shalt  }
0x3e: {  	_ =	shalt  }
0x3f: {  	_ =	shalt  }
0x40: {  	_ =	shalt  }
0x41: {  	_ =	shalt  }
0x42: {  	_ =	shalt  }
0x43: {  	_ =	shalt  }
0x44: {  	_ =	shalt  }
0x45: {  	_ =	shalt  }
0x46: {  	_ =	shalt  }
0x47: {  	_ =	shalt  }
0x48: {  	_ =	shalt  }
0x49: {  	_ =	shalt  }
0x4a: {  	_ =	shalt  }
0x4b: {  	_ =	shalt  }
0x4c: {  	_ =	shalt  }
0x4d: {  	_ =	shalt  }
0x4e: {  	_ =	shalt  }
0x4f: {  	_ =	shalt  }
0x50: {  	_ =	shalt  }
0x51: {  	_ =	shalt  }
0x52: {  	_ =	shalt  }
0x53: {  	_ =	shalt  }
0x54: {  	_ =	shalt  }
0x55: {  	_ =	shalt  }
0x56: {  	_ =	shalt  }
0x57: {  	_ =	shalt  }
0x58: {  	_ =	shalt  }
0x59: {  	_ =	shalt  }
0x5a: {  	_ =	shalt  }
0x5b: {  	_ =	shalt  }
0x5c: {  	_ =	shalt  }
0x5d: {  	_ =	shalt  }
0x5e: {  	_ =	shalt  }
0x5f: {  	_ =	shalt  }
0x60: {  	_ =	shalt  }
0x61: {  	_ =	shalt  }
0x62: {  	_ =	shalt  }
0x63: {  	_ =	shalt  }
0x64: {  	_ =	shalt  }
0x65: {  	_ =	shalt  }
0x66: {  	_ =	shalt  }
0x67: {  	_ =	shalt  }
0x68: {  	_ =	shalt  }
0x69: {  	_ =	shalt  }
0x6a: {  	_ =	shalt  }
0x6b: {  	_ =	shalt  }
0x6c: {  	_ =	shalt  }
0x6d: {  	_ =	shalt  }
0x6e: {  	_ =	shalt  }
0x6f: {  	_ =	shalt  }
0x70: {  	_ =	shalt  }
0x71: {  	_ =	shalt  }
0x72: {  	_ =	shalt  }
0x73: {  	_ =	shalt  }
0x74: {  	_ =	shalt  }
0x75: {  	_ =	shalt  }
0x76: {  	_ =	shalt  }
0x77: {  	_ =	shalt  }
0x78: {  	_ =	shalt  }
0x79: {  	_ =	shalt  }
0x7a: {  	_ =	shalt  }
0x7b: {  	_ =	shalt  }
0x7c: {  	_ =	shalt  }
0x7d: {  	_ =	shalt  }
0x7e: {  	_ =	shalt  }
0x7f: {  	_ =	shalt  }
0x80: {  	_ =	shalt  }
0x81: {  	_ =	shalt  }
0x82: {  	_ =	shalt  }
0x83: {  	_ =	shalt  }
0x84: {  	_ =	shalt  }
0x85: {  	_ =	shalt  }
0x86: {  	_ =	shalt  }
0x87: {  	_ =	shalt  }
.Lfunc_end0:
.L_simem_size_0:
called_computation.1_lowered:
.L_overlay_start_0:
0x88: {  	s2 =	sld [smem:$0x3FD9]  }
0x89: {  	s3 =	sld [smem:$0x3FFE];
	_ =	sdelay $0x1  }
0x8a: {  	s1 =	srdreg.scid  }
0x8b: {  	s0 =	sand.u32 $0x1, s1  }
0x8c: {  	s17 =	sshll.u32 s0, $0xA;
	s2 =	sadd.s32 s3, s2  }
0x8d: {  	s2 =	sadd.s32 s2, s17  }
0x8e: {  	[smem:$0x3FBB] =	sst s2  }
0x8f: {  	_ = 	snop  }
0x90: {  	s2 =	sld [smem:$0x3FD0];
	(tm) =	ssettm $0x1  }
0x91: {  	s18 =	sld [smem:$0x3FFB];
	_ =	sdelay $0x3  }
0x92: {  	_ =	strace s18  }
0x93: {  	s3 =	sld [smem:$0x3FFC];
	_ =	sdelay $0x3  }
0x94: {  	_ =	strace s3  }
0x95: {  	s3 =	sld [smem:$0x3FFD];
	_ =	sdelay $0x3  }
0x96: {  	_ =	strace s3  }
0x97: {  	_ =	strace $0x8FFFFFFF  }
0x98: {  	s19 =	sld [smem:$0x3FDB];
	_ =	sdelay $0x1  }
0x99: {  	s4 =	simm.s32 $_scs_section_size  }
0x9a: {  	s5 =	simm.s32 $_size__tile_overlayer_lowered;
	s6 =	simm.s32 $_tile_overlayer_lowered  }
0x9b: {  	s22 =	simm.s32 $0x1BFF;
	s21 =	sshll.u32 s6, $0x1;
	s3 =	sadd.s32 s4, s19  }
0x9c: {  	s7 =	simm.s32 $0x0;
	s20 =	sshll.u32 s5, $0x1;
	s5 =	sadd.s32 s21, s3  }
0x9d: {  	[timem:s7], [sflag:s22] =	dma.local [hbm:s5], s20  }
0x9e: {  	_ =	swait.ge [sflag:s22], s20  }
0x9f: {  	s4 =	ssub.s32 $0x0, s20;
	[sflag:s22] =	ssyncset.done $0x0  }
0xa0: {  	[sflag:s22] =	ssyncadd.s32 s4;
	_ =	sdelay $0x1  }
0xa1: {  	s23 =	simm.s32 $0x1B8B  }
0xa2: {  	_ =	swait.ge [sflag:s23], $0x1  }
0xa3: {  	[sflag:s23] =	ssyncset.done $0x0  }
0xa4: {  	s25 =	simm.s32 $0x1B8E;
	s24 =	sld [smem:$0x3FFE];
	[sflag:s23] =	ssyncadd.s32 $0xFFFFFFFF  }
0xa5: {  	s26 =	simm.s32 $execute0_lowered;
	[smem:$0x3FD2] =	sst s25  }
0xa6: {  	s5 =	sshll.u32 s26, $0x1;
	_ =	strace $0x80000049;
	[dreg:$0x1] =	wrdreg $0xFFFFFFFF  }
0xa7: {  	s28 =	simm.s32 $_size_execute0_lowered;
	s3 =	sadd.s32 s3, s5;
	[dreg:$0x0] =	wrdreg $0x0  }
0xa8: {  	s5 =	sshll.u32 s28, $0x1;
	[dreg:$0x2] =	wrdreg s3  }
0xa9: {  	[dreg:$0x3] =	wrdreg s5  }
0xaa: {  	[dreg:$0x4] =	wrdreg $0xC0  }
0xab: {  	_ =	task [dreg:s7], $0x5FFFF  }
0xac: {  	[dreg:$0x1] =	wrdreg $0xFFFFFFFF  }
0xad: {  	[dreg:$0x0] =	wrdreg $0x60  }
0xae: {  	[dreg:$0x2] =	wrdreg s24  }
0xaf: {  	[dreg:$0x3] =	wrdreg s2  }
0xb0: {  	[dreg:$0x4] =	wrdreg $0x0  }
0xb1: {  	[dreg:$0x5] =	wrdreg $0x9  }
0xb2: {  	_ =	task.clear_ibuf [dreg:s7], $0x6FFFF;
	_ =	strace $0x90000049  }
0xb3: {  	s29 =	simm.s32 $0x9;
	_ =	strace $0x8000004B  }
0xb4: {  	_ =	swait.ge [sflag:s29], $0x1  }
0xb5: {  	[sflag:s29] =	ssyncadd.s32 $0xFFFFFFFF  }
0xb6: {  	_ =	strace $0x9000004B  }
0xb7: {  	_ =	sfence  }
0xb8: {  	s30 =	sld [smem:$0x0];
	_ =	sdelay $0x2  }
0xb9: {  	s31 =	sshll.u32 s1, $0xD;
	s1 =	sshrl.u32 s1, $0x2  }
0xba: {  	s3 =	sand.u32 $0x4000, s31;
	s1 =	sadd.s32 s1, s30  }
0xbb: {  	s0 =	sor.u32 s3, s0;
	s1 =	sshll.u32 s1, $0x11  }
0xbc: {  	s0 =	sor.u32 s1, s0  }
0xbd: {  	s0 =	sadd.s32 $0x8F2B, s0  }
0xbe: {  	[sflag:s0] =	ssyncadd.remote.s32 $0x1  }
0xbf: {  	_ =	sfence.sel $0xFFFF  }
0xc0: {  	[dreg:$0x0] =	wrdreg $0xFFFFFFFF;
	(pc) =	sbr.abs _section_cstart, $3  }
0xc1: {  	[dreg:$0x1] =	wrdreg $0xFFFFFFFF  }
0xc2: {  	_ =	task.clear_ibuf [dreg:s7], $0x2FFFF;
	_ =	strace $0x9FFFFFFF  }
0xc3: {  	(tm) =	ssettm $0x7FFFFFFF  }
tec
execute0_lowered:
.L_overlay_start_1:
0x0: {  	(tag) =	ssettag $0x1  }
0x1: {  	s0 =	rddreg [dreg:$0x0]  }
0x2: {  	s16 =	rddreg [dreg:$0x1]  }
0x3: {  	s1 =	rddreg [dreg:$0x2];
	s3 =	srdreg.scid;
	s2 =	simm.s32 $0x0  }
0x4: {  	s19 =	simm.s32 $0x2;
	s20 =	simm.s32 $0x4000;
	s21 =	simm.s32 $0x4100  }
0x5: {  	s22 =	simm.s32 $0x80;
	s23 =	simm.s32 $0x4200;
	s24 =	simm.s32 $0x4080  }
0x6: {  	s28 =	simm.s32 $0xCA00;
	s29 =	simm.s32 $0x4180;
	s31 =	simm.s32 $0x0  }
0x7: {  	s5 =	sand.u32 $0x1, s3;
	[smem:$0x7FF] =	sst s2;
	s4 =	sadd.s32 $0x2E00, s0  }
0x8: {  	s3 =	stileid.u32;
	s17 =	smul.u32 $0x1E00, s5;
	_ =	strace $0x8000004A  }
0x9: {  	s6 =	sshll.u32 s3, $0xB;
	s7 =	sshll.u32 s5, $0xC;
	s8 =	ssub.s32 $0x2, s5  }
0xa: {  	s26 =	sshll.u32 s3, $0xE;
	s9 =	sshll.u32 s3, $0x8;
	s5 =	sshll.u32 s5, $0xF  }
0xb: {  	s10 =	sshll.u32 s3, $0x4;
	s30 =	smul.u32 $0x1E0, s3;
	s6 =	sadd.s32 s6, s0  }
0xc: {  	s25 =	sshrl.u32 s8, $0x1;
	s9 =	sand.u32 $0x800, s9;
	s10 =	sand.u32 $0x70, s10  }
0xd: {  	s18 =	sadd.s32 s17, s0;
	s0 =	sadd.s32 s7, s0;
	s8 =	ssub.s32 s8, s25  }
0xe: {  	s6 =	sadd.s32 s5, s6;
	s5 =	sadd.s32 s26, s1;
	s17 =	sadd.s32 s17, s16  }
0xf: {  	s25 =	simm.s32 $0x8200;
	s26 =	simm.s32 $0x1;
	s0 =	sadd.s32 s9, s0  }
0x10: {  	s6 =	sadd.s32 $0x2A000, s6;
	s8 =	smax.u32 s8, $0x1;
	s9 =	sadd.s32 $0x800, s5  }
0x11: {  	s11 =	sadd.s32 $0x1800, s5;
	s12 =	sadd.s32 $0x2000, s5;
	s13 =	sadd.s32 $0x2800, s5  }
0x12: {  	s14 =	sadd.s32 $0x3000, s5;
	s15 =	sadd.s32 $0x3800, s5;
	s18 =	sadd.s32 s30, s18  }
0x13: {  	s17 =	sadd.s32 s30, s17;
	s0 =	sadd.s32 s10, s0;
	s10 =	sadd.s32 $0x1000, s5  }
0x14: {  	v0 =	vimm.f32 $0.0e+00;
	v1 =	vimm.f32 $1.000000000e+00;
	s16 =	sadd.s32 $0x7BE00, s18;
	s18 =	simm.s32 $0xC200;
	s7 =	sadd.s32 $0x3A000, s0  }
.LBB2_1:
0x15: {  	[tilespmem:$0xC200] =	vst v0  }
0x16: {  	[tilespmem:$0xC210] =	vst v0  }
0x17: {  	[tilespmem:$0xC220] =	vst v0  }
0x18: {  	[tilespmem:$0xC230] =	vst v0  }
0x19: {  	[tilespmem:$0xC240] =	vst v0  }
0x1a: {  	[tilespmem:$0xC250] =	vst v0  }
0x1b: {  	[tilespmem:$0xC260] =	vst v0  }
0x1c: {  	[tilespmem:$0xC270] =	vst v0  }
0x1d: {  	[tilespmem:$0xC280] =	vst v0  }
0x1e: {  	[tilespmem:$0xC290] =	vst v0  }
0x1f: {  	[tilespmem:$0xC2A0] =	vst v0  }
0x20: {  	[tilespmem:$0xC2B0] =	vst v0  }
0x21: {  	[tilespmem:$0xC2C0] =	vst v0  }
0x22: {  	[tilespmem:$0xC2D0] =	vst v0  }
0x23: {  	[tilespmem:$0xC2E0] =	vst v0  }
0x24: {  	[tilespmem:$0xC2F0] =	vst v0  }
0x25: {  	[tilespmem:$0xC300] =	vst v0  }
0x26: {  	[tilespmem:$0xC310] =	vst v0  }
0x27: {  	[tilespmem:$0xC320] =	vst v0  }
0x28: {  	[tilespmem:$0xC330] =	vst v0  }
0x29: {  	[tilespmem:$0xC340] =	vst v0  }
0x2a: {  	[tilespmem:$0xC350] =	vst v0  }
0x2b: {  	[tilespmem:$0xC360] =	vst v0  }
0x2c: {  	[tilespmem:$0xC370] =	vst v0  }
0x2d: {  	[tilespmem:$0xC380] =	vst v0  }
0x2e: {  	[tilespmem:$0xC390] =	vst v0  }
0x2f: {  	[tilespmem:$0xC3A0] =	vst v0  }
0x30: {  	[tilespmem:$0xC3B0] =	vst v0  }
0x31: {  	[tilespmem:$0xC3C0] =	vst v0  }
0x32: {  	[tilespmem:$0xC3D0] =	vst v0  }
0x33: {  	[tilespmem:$0xC3E0] =	vst v0  }
0x34: {  	[tilespmem:$0xC3F0] =	vst v0  }
0x35: {  	[tilespmem:$0xC400] =	vst v0  }
0x36: {  	[tilespmem:$0xC410] =	vst v0  }
0x37: {  	[tilespmem:$0xC420] =	vst v0  }
0x38: {  	[tilespmem:$0xC430] =	vst v0  }
0x39: {  	[tilespmem:$0xC440] =	vst v0  }
0x3a: {  	[tilespmem:$0xC450] =	vst v0  }
0x3b: {  	[tilespmem:$0xC460] =	vst v0  }
0x3c: {  	[tilespmem:$0xC470] =	vst v0  }
0x3d: {  	[tilespmem:$0xC480] =	vst v0  }
0x3e: {  	[tilespmem:$0xC490] =	vst v0  }
0x3f: {  	[tilespmem:$0xC4A0] =	vst v0  }
0x40: {  	[tilespmem:$0xC4B0] =	vst v0  }
0x41: {  	[tilespmem:$0xC4C0] =	vst v0  }
0x42: {  	[tilespmem:$0xC4D0] =	vst v0  }
0x43: {  	[tilespmem:$0xC4E0] =	vst v0  }
0x44: {  	[tilespmem:$0xC4F0] =	vst v0  }
0x45: {  	[tilespmem:$0xC500] =	vst v0  }
0x46: {  	[tilespmem:$0xC510] =	vst v0  }
0x47: {  	[tilespmem:$0xC520] =	vst v0  }
0x48: {  	[tilespmem:$0xC530] =	vst v0  }
0x49: {  	[tilespmem:$0xC540] =	vst v0  }
0x4a: {  	[tilespmem:$0xC550] =	vst v0  }
0x4b: {  	[tilespmem:$0xC560] =	vst v0  }
0x4c: {  	[tilespmem:$0xC570] =	vst v0  }
0x4d: {  	[tilespmem:$0xC580] =	vst v0  }
0x4e: {  	[tilespmem:$0xC590] =	vst v0  }
0x4f: {  	[tilespmem:$0xC5A0] =	vst v0  }
0x50: {  	[tilespmem:$0xC5B0] =	vst v0  }
0x51: {  	[tilespmem:$0xC5C0] =	vst v0  }
0x52: {  	[tilespmem:$0xC5D0] =	vst v0  }
0x53: {  	[tilespmem:$0xC5E0] =	vst v0  }
0x54: {  	[tilespmem:$0xC5F0] =	vst v0  }
0x55: {  	[tilespmem:$0xC600] =	vst v0  }
0x56: {  	[tilespmem:$0xC610] =	vst v0  }
0x57: {  	[tilespmem:$0xC620] =	vst v0  }
0x58: {  	[tilespmem:$0xC630] =	vst v0  }
0x59: {  	[tilespmem:$0xC640] =	vst v0  }
0x5a: {  	[tilespmem:$0xC650] =	vst v0  }
0x5b: {  	[tilespmem:$0xC660] =	vst v0  }
0x5c: {  	[tilespmem:$0xC670] =	vst v0  }
0x5d: {  	[tilespmem:$0xC680] =	vst v0  }
0x5e: {  	[tilespmem:$0xC690] =	vst v0  }
0x5f: {  	[tilespmem:$0xC6A0] =	vst v0  }
0x60: {  	[tilespmem:$0xC6B0] =	vst v0  }
0x61: {  	[tilespmem:$0xC6C0] =	vst v0  }
0x62: {  	[tilespmem:$0xC6D0] =	vst v0  }
0x63: {  	[tilespmem:$0xC6E0] =	vst v0  }
0x64: {  	[tilespmem:$0xC6F0] =	vst v0  }
0x65: {  	[tilespmem:$0xC700] =	vst v0  }
0x66: {  	[tilespmem:$0xC710] =	vst v0  }
0x67: {  	[tilespmem:$0xC720] =	vst v0  }
0x68: {  	[tilespmem:$0xC730] =	vst v0  }
0x69: {  	[tilespmem:$0xC740] =	vst v0  }
0x6a: {  	[tilespmem:$0xC750] =	vst v0  }
0x6b: {  	[tilespmem:$0xC760] =	vst v0  }
0x6c: {  	[tilespmem:$0xC770] =	vst v0  }
0x6d: {  	[tilespmem:$0xC780] =	vst v0  }
0x6e: {  	[tilespmem:$0xC790] =	vst v0  }
0x6f: {  	[tilespmem:$0xC7A0] =	vst v0  }
0x70: {  	[tilespmem:$0xC7B0] =	vst v0  }
0x71: {  	[tilespmem:$0xC7C0] =	vst v0  }
0x72: {  	[tilespmem:$0xC7D0] =	vst v0  }
0x73: {  	[tilespmem:$0xC7E0] =	vst v0  }
0x74: {  	[tilespmem:$0xC7F0] =	vst v0  }
0x75: {  	[tilespmem:$0xC800] =	vst v0  }
0x76: {  	[tilespmem:$0xC810] =	vst v0  }
0x77: {  	[tilespmem:$0xC820] =	vst v0  }
0x78: {  	[tilespmem:$0xC830] =	vst v0  }
0x79: {  	[tilespmem:$0xC840] =	vst v0  }
0x7a: {  	[tilespmem:$0xC850] =	vst v0  }
0x7b: {  	[tilespmem:$0xC860] =	vst v0  }
0x7c: {  	[tilespmem:$0xC870] =	vst v0  }
0x7d: {  	[tilespmem:$0xC880] =	vst v0  }
0x7e: {  	[tilespmem:$0xC890] =	vst v0  }
0x7f: {  	[tilespmem:$0xC8A0] =	vst v0  }
0x80: {  	[tilespmem:$0xC8B0] =	vst v0  }
0x81: {  	[tilespmem:$0xC8C0] =	vst v0  }
0x82: {  	[tilespmem:$0xC8D0] =	vst v0  }
0x83: {  	[tilespmem:$0xC8E0] =	vst v0  }
0x84: {  	[tilespmem:$0xC8F0] =	vst v0  }
0x85: {  	[tilespmem:$0xC900] =	vst v0  }
0x86: {  	[tilespmem:$0xC910] =	vst v0  }
0x87: {  	[tilespmem:$0xC920] =	vst v0  }
0x88: {  	[tilespmem:$0xC930] =	vst v0  }
0x89: {  	[tilespmem:$0xC940] =	vst v0  }
0x8a: {  	[tilespmem:$0xC950] =	vst v0  }
0x8b: {  	[tilespmem:$0xC960] =	vst v0  }
0x8c: {  	[tilespmem:$0xC970] =	vst v0  }
0x8d: {  	[tilespmem:$0xC980] =	vst v0  }
0x8e: {  	[tilespmem:$0xC990] =	vst v0  }
0x8f: {  	[tilespmem:$0xC9A0] =	vst v0  }
0x90: {  	[tilespmem:$0xC9B0] =	vst v0  }
0x91: {  	[tilespmem:$0xC9C0] =	vst v0  }
0x92: {  	[tilespmem:$0xC9D0] =	vst v0  }
0x93: {  	[tilespmem:$0xC9E0] =	vst v0  }
0x94: {  	[tilespmem:$0xC9F0] =	vst v0;
	s0 =	simm.s32 $0x40;
	s30 =	simm.s32 $0x0  }
.LBB2_2:
0x95: {  	p0 =	sne.s32 s0, $0x1FC0;
	[tilespmem:s30+$0xCA00] =	vst v0;
	s30 =	smov.u32 s0;
	s0 =	sadd.s32 $0x40, s0  }
.Ltmp0:
0x96: {  	(pc) =	sbr.rel @p0 .LBB2_2-.Ltmp0, $2  }
0x97: {  	_ =	sdelay $0x2  }
0x98: {  	s30 =	sshra.s32 s30, $0x2  }
0x99: {  	[tilespmem:s30+$0xCA00] =	vst v0  }
0x9a: {  	[spmem:s5] =	stream.linear.scatter [tilespmem:s18], [sflag:$0x2], $0x800, $0x38;
	[tilespmem:$0xD200] =	vst v63  }
0x9b: {  	_ =	swait.ge [sflag:s19], $0x800  }
0x9c: {  	[sflag:s19] =	ssyncset.done $0x0  }
0x9d: {  	[sflag:s19] =	ssyncadd.s32 $0xFFFFF800  }
0x9e: {  	[spmem:s9] =	stream.linear.scatter [tilespmem:s18], [sflag:$0x2], $0x800, $0x38;
	[tilespmem:$0xD200] =	vst v63  }
0x9f: {  	_ =	swait.ge [sflag:s19], $0x800  }
0xa0: {  	[sflag:s19] =	ssyncset.done $0x0  }
0xa1: {  	[sflag:s19] =	ssyncadd.s32 $0xFFFFF800  }
0xa2: {  	[spmem:s10] =	stream.linear.scatter [tilespmem:s18], [sflag:$0x2], $0x800, $0x38;
	[tilespmem:$0xD200] =	vst v63  }
0xa3: {  	_ =	swait.ge [sflag:s19], $0x800  }
0xa4: {  	[sflag:s19] =	ssyncset.done $0x0  }
0xa5: {  	[sflag:s19] =	ssyncadd.s32 $0xFFFFF800  }
0xa6: {  	[spmem:s11] =	stream.linear.scatter [tilespmem:s18], [sflag:$0x2], $0x800, $0x38;
	[tilespmem:$0xD200] =	vst v63  }
0xa7: {  	_ =	swait.ge [sflag:s19], $0x800  }
0xa8: {  	[sflag:s19] =	ssyncset.done $0x0  }
0xa9: {  	[sflag:s19] =	ssyncadd.s32 $0xFFFFF800  }
0xaa: {  	[spmem:s12] =	stream.linear.scatter [tilespmem:s18], [sflag:$0x2], $0x800, $0x38;
	[tilespmem:$0xD200] =	vst v63  }
0xab: {  	_ =	swait.ge [sflag:s19], $0x800  }
0xac: {  	[sflag:s19] =	ssyncset.done $0x0  }
0xad: {  	[sflag:s19] =	ssyncadd.s32 $0xFFFFF800  }
0xae: {  	[spmem:s13] =	stream.linear.scatter [tilespmem:s18], [sflag:$0x2], $0x800, $0x38;
	[tilespmem:$0xD200] =	vst v63  }
0xaf: {  	_ =	swait.ge [sflag:s19], $0x800  }
0xb0: {  	[sflag:s19] =	ssyncset.done $0x0  }
0xb1: {  	[sflag:s19] =	ssyncadd.s32 $0xFFFFF800  }
0xb2: {  	[spmem:s14] =	stream.linear.scatter [tilespmem:s18], [sflag:$0x2], $0x800, $0x38;
	[tilespmem:$0xD200] =	vst v63  }
0xb3: {  	_ =	swait.ge [sflag:s19], $0x800  }
0xb4: {  	[sflag:s19] =	ssyncset.done $0x0  }
0xb5: {  	[sflag:s19] =	ssyncadd.s32 $0xFFFFF800  }
0xb6: {  	[spmem:s15] =	stream.linear.scatter [tilespmem:s18], [sflag:$0x2], $0x800, $0x38;
	[tilespmem:$0xD200] =	vst v63  }
0xb7: {  	_ =	swait.ge [sflag:s19], $0x800  }
0xb8: {  	[sflag:s19] =	ssyncset.done $0x0  }
0xb9: {  	[sflag:s19] =	ssyncadd.s32 $0xFFFFF800  }
0xba: {  	s0 =	simm.s32 $0x0;
	[bflag:$0x0] =	sbarrier.arrive $0xFFFF  }
.LBB2_4:
0xbb: {  	s30 =	sadd.s32 s0, s16  }
0xbc: {  	[tilespmem:s20], [sflag:$0x2] =	stream.linear.gather [hbm4b:s30+s2], $0x100, $0x38;
	[tilespmem:$0xD200] =	vst v63  }
0xbd: {  	_ =	swait.ge [sflag:s19], $0x100  }
0xbe: {  	[sflag:s19] =	ssyncset.done $0x0  }
0xbf: {  	s30 =	sadd.s32 s0, s17;
	[sflag:s19] =	ssyncadd.s32 $0xFFFFFF00  }
0xc0: {  	[tilespmem:s21], [sflag:$0x2] =	stream.linear.gather [hbm4b:s30+s2], $0x100, $0x38;
	[tilespmem:$0xD200] =	vst v63  }
0xc1: {  	_ =	swait.ge [sflag:s19], $0x100  }
0xc2: {  	[sflag:s19] =	ssyncset.done $0x0  }
0xc3: {  	[sflag:s19] =	ssyncadd.s32 $0xFFFFFF00  }
0xc4: {  	[tilespmem:s23], [sflag:$0x1] =	stream.indirect.gather [hbm4b:s4+s22], $0x80, s20, s22, $0xb8;
	[tilespmem:$0xD200] =	vst v63  }
0xc5: {  	_ = 	snop  }
0xc6: {  	[tilespmem:s25], [sflag:$0x1] =	stream.indirect.gather [hbm4b:s4+s22], $0x80, s24, s22, $0xb8;
	[tilespmem:$0xD200] =	vst v63  }
0xc7: {  	_ =	swait.ge [sflag:s26], $0x4000  }
0xc8: {  	[sflag:s26] =	ssyncset.done $0x0  }
0xc9: {  	[sflag:s26] =	ssyncadd.s32 $0xFFFFC000  }
0xca: {  	_ =	swait.ge [sflag:s26], $0x4000  }
0xcb: {  	[sflag:s26] =	ssyncset.done $0x0  }
0xcc: {  	[sflag:s26] =	ssyncadd.s32 $0xFFFFC000  }
0xcd: {  	[spmem:s1] =	stream.indirect.scatter.add.f32 [tilespmem:s23], [sflag:$0x2], $0x80, s21, s22, $0xb8;
	[tilespmem:$0xD200] =	vst v63  }
0xce: {  	_ =	swait.ge [sflag:s19], $0x4000  }
0xcf: {  	[sflag:s19] =	ssyncset.done $0x0  }
0xd0: {  	[sflag:s19] =	ssyncadd.s32 $0xFFFFC000  }
0xd1: {  	v2 =	vld [tilespmem:$0x4100];
	_ =	sdelay $0x7  }
0xd2: {  	[tilespmem:v2+s28+$0x0] =	vst.idx.add.f32.msk $0xffff, v1  }
0xd3: {  	v2 =	vld [tilespmem:$0x4110];
	_ =	sdelay $0x7  }
0xd4: {  	[tilespmem:v2+s28+$0x0] =	vst.idx.add.f32.msk $0xffff, v1  }
0xd5: {  	v2 =	vld [tilespmem:$0x4120];
	_ =	sdelay $0x7  }
0xd6: {  	[tilespmem:v2+s28+$0x0] =	vst.idx.add.f32.msk $0xffff, v1  }
0xd7: {  	v2 =	vld [tilespmem:$0x4130];
	_ =	sdelay $0x7  }
0xd8: {  	[tilespmem:v2+s28+$0x0] =	vst.idx.add.f32.msk $0xffff, v1  }
0xd9: {  	v2 =	vld [tilespmem:$0x4140];
	_ =	sdelay $0x7  }
0xda: {  	[tilespmem:v2+s28+$0x0] =	vst.idx.add.f32.msk $0xffff, v1  }
0xdb: {  	v2 =	vld [tilespmem:$0x4150];
	_ =	sdelay $0x7  }
0xdc: {  	[tilespmem:v2+s28+$0x0] =	vst.idx.add.f32.msk $0xffff, v1  }
0xdd: {  	v2 =	vld [tilespmem:$0x4160];
	_ =	sdelay $0x7  }
0xde: {  	[tilespmem:v2+s28+$0x0] =	vst.idx.add.f32.msk $0xffff, v1  }
0xdf: {  	v2 =	vld [tilespmem:$0x4170];
	_ =	sdelay $0x7  }
0xe0: {  	[tilespmem:v2+s28+$0x0] =	vst.idx.add.f32.msk $0xffff, v1  }
0xe1: {  	[spmem:s1] =	stream.indirect.scatter.add.f32 [tilespmem:s25], [sflag:$0x2], $0x80, s29, s22, $0xb8;
	[tilespmem:$0xD200] =	vst v63  }
0xe2: {  	_ =	swait.ge [sflag:s19], $0x4000  }
0xe3: {  	[sflag:s19] =	ssyncset.done $0x0  }
0xe4: {  	[sflag:s19] =	ssyncadd.s32 $0xFFFFC000  }
0xe5: {  	v2 =	vld [tilespmem:$0x4180];
	_ =	sdelay $0x7  }
0xe6: {  	[tilespmem:v2+s28+$0x0] =	vst.idx.add.f32.msk $0xffff, v1  }
0xe7: {  	v2 =	vld [tilespmem:$0x4190];
	_ =	sdelay $0x7  }
0xe8: {  	[tilespmem:v2+s28+$0x0] =	vst.idx.add.f32.msk $0xffff, v1  }
0xe9: {  	v2 =	vld [tilespmem:$0x41A0];
	_ =	sdelay $0x7  }
0xea: {  	[tilespmem:v2+s28+$0x0] =	vst.idx.add.f32.msk $0xffff, v1  }
0xeb: {  	v2 =	vld [tilespmem:$0x41B0];
	_ =	sdelay $0x7  }
0xec: {  	[tilespmem:v2+s28+$0x0] =	vst.idx.add.f32.msk $0xffff, v1  }
0xed: {  	v2 =	vld [tilespmem:$0x41C0];
	_ =	sdelay $0x7  }
0xee: {  	[tilespmem:v2+s28+$0x0] =	vst.idx.add.f32.msk $0xffff, v1  }
0xef: {  	v2 =	vld [tilespmem:$0x41D0];
	_ =	sdelay $0x7  }
0xf0: {  	[tilespmem:v2+s28+$0x0] =	vst.idx.add.f32.msk $0xffff, v1  }
0xf1: {  	v2 =	vld [tilespmem:$0x41E0];
	_ =	sdelay $0x7  }
0xf2: {  	[tilespmem:v2+s28+$0x0] =	vst.idx.add.f32.msk $0xffff, v1  }
0xf3: {  	v2 =	vld [tilespmem:$0x41F0];
	_ =	sdelay $0x2  }
0xf4: {  	p0 =	sne.s32 s0, $0x1C0  }
.Ltmp1:
0xf5: {  	_ = 	snop;
	(pc) =	sbr.rel @p0 .LBB2_4-.Ltmp1, $2  }
0xf6: {  	_ =	sdelay $0x2  }
0xf7: {  	s0 =	sadd.s32 $0x20, s0;
	[tilespmem:v2+s28+$0x0] =	vst.idx.add.f32.msk $0xffff, v1  }
0xf8: {  	s0 =	sshll.u32 s3, $0x6  }
0xf9: {  	[bflag:$0x0] =	sbarrier.arrive $0xFFFF;
	s30 =	sshrl.u32 s5, $0x3;
	s0 =	sor.u32 $0x1C02, s0  }
0xfa: {  	[hbm:s6], [sflag:s0] =	dma.local [spmem:s30], $0x800  }
0xfb: {  	s31 =	sadd.s32 $0x1, s31;
	_ =	swait.ge [sflag:s19], $0x800  }
0xfc: {  	p0 =	sne.s32 s31, s8;
	[sflag:s19] =	ssyncset.done $0x0  }
.Ltmp2:
0xfd: {  	s30 =	simm.s32 $0x400;
	[sflag:s19] =	ssyncadd.s32 $0xFFFFF800;
	(pc) =	sbr.rel @p0 .LBB2_1-.Ltmp2, $4  }
0xfe: {  	[hbm4b:s7+s22] =	stream.strided.scatter [tilespmem:s28], [sflag:$0x2], $0x800, s30, s22, $0x38;
	[tilespmem:$0xD200] =	vst v63  }
0xff: {  	_ =	swait.ge [sflag:s19], $0x800  }
0x100: {  	[sflag:s19] =	ssyncset.done $0x0  }
0x101: {  	[sflag:s19] =	ssyncadd.s32 $0xFFFFF800  }
0x102: {  	_ =	sfence.sel $0x180000  }
0x103: {  	[bflag:$0x0] =	sbarrier.arrive $0xFFFF  }
0x104: {  	_ =	strace $0x9000004A  }
0x105: {  	[bflag:$0x2] =	sbarrier.arrive $0xFFFF  }
0x106: {  	p0 =	sne.s32 s3, $0x0;
	s0 =	rddreg [dreg:$0x3]  }
0x107: {  	s0 =	sadd.s32 @!p0 $0x100000, s0  }
0x108: {  	[sflag:s0] =	ssyncadd.tile.s32 @!p0 $0x1;
	_ =	shalt  }
.Lfunc_end2:
_tile_overlayer_lowered:
.L_overlay_start_2:
0x109: {  	(tag) =	ssettag $0x2  }
0x10a: {  	s0 =	rddreg [dreg:$0x0];
	s2 =	stileid.u32  }
0x10b: {  	s1 =	rddreg [dreg:$0x1];
	p0 =	sne.s32 s2, $0x0  }
0x10c: {  	s3 =	rddreg [dreg:$0x2];
	[bflag:$0x3] =	sbarrier.arrive $0xFFFF;
	s2 =	simm.s32 @!p0 $0x1C02  }
0x10d: {  	[timem:s3], [sflag:s2] =	dma.local @!p0 [hbm:s0], s1  }
0x10e: {  	s0 =	simm.s32 @!p0 $0x2  }
0x10f: {  	_ =	swait.ge @!p0 [sflag:s0], s1  }
0x110: {  	s1 =	ssub.s32 @!p0 $0x0, s1;
	[sflag:s0] =	ssyncset.done @!p0 $0x0  }
0x111: {  	[sflag:s0] =	ssyncadd.s32 @!p0 s1  }
0x112: {  	[bflag:$0x3] =	sbarrier.arrive $0xFFFF  }
0x113: {  	_ =	shalt  }

// kernel: kernel.8.cloned.1.call-start
scs
__scs_entry_jumppad:
0x0: {  	(pc) =	sbr.rel $0x88, $3  }
0x1: {  	(tag) =	ssettag $0x0;
	lr =	simm.s32 $0x1  }
0x2: {  	[smem:$0x3F94] =	sst lr;
	_ =	strace $0xD0000000  }
0x3: {  	_ = 	snop  }
0x4: {  	_ = 	snop  }
0x5: {  	_ = 	snop  }
0x6: {  	_ = 	snop  }
0x7: {  	_ = 	snop  }
__scs_overlays_trampoline_lowered:
0x8: {  	[smem:$0x3FA3] =	sst s0  }
0x9: {  	[smem:$0x3FA4] =	sst s1  }
0xa: {  	[smem:$0x3FA5] =	sst s2  }
0xb: {  	[smem:$0x3FA6] =	sst s3  }
0xc: {  	[smem:$0x3FA7] =	sst s4  }
0xd: {  	[smem:$0x3FA8] =	sst s5  }
0xe: {  	[smem:$0x3FA9] =	sst s6  }
0xf: {  	[smem:$0x3FAA] =	sst s7  }
0x10: {  	[smem:$0x3FAB] =	sst s8  }
0x11: {  	[smem:$0x3FAC] =	sst s9;
	s0 =	simm.s32 @!p0 $0x0  }
0x12: {  	s1 =	sld [smem:$0x3F92];
	s0 =	simm.s32 @p0 $0x1  }
0x13: {  	[smem:$0x3FAD] =	sst s0;
	s0 =	simm.s32 @!p1 $0x0  }
0x14: {  	s2 =	sld [smem:$0x3F91];
	s0 =	simm.s32 @p1 $0x1  }
0x15: {  	[smem:$0x3FAE] =	sst s0;
	s0 =	simm.s32 @!p2 $0x0  }
0x16: {  	s3 =	sld [smem:$0x3FDB];
	s0 =	simm.s32 @p2 $0x1  }
0x17: {  	s4 =	simm.s32 $0x1BF5;
	[smem:$0x3FB0] =	sst s0  }
0x18: {  	s0 =	sld [smem:$0x3F93];
	_ =	swait.ge [sflag:s4], $0x0  }
0x19: {  	s7 =	sld [smem:$0x3F94]  }
0x1a: {  	s8 =	sadd.s32 $0xFFFFE003, lr  }
0x1b: {  	s9 =	sadd.s32 $0xFFFFFEF7, lr;
	s5 =	simm.s32 $0xFFFFFFFF;
	p2 =	slt.u32 s8, $0xFFFFF086  }
0x1c: {  	p1 =	slt.u32 s9, $0xF7A;
	s5 =	simm.s32 @!p2 $0x0  }
0x1d: {  	s5 =	simm.s32 @p1 $0x1;
	p0 =	seq.s32 s7, s2  }
0x1e: {  	s7 =	smul.u32 @!p0 $0xF7A, s2;
	p2 =	seq.s32 @!p0 s5, $0x0  }
0x1f: {  	s9 =	smul.u32 $0xF7A, s1;
	s8 =	simm.s32 @!p0 $0x1BF5;
	p2 =	por !p2, p0  }
0x20: {  	[sflag:s8] =	ssyncset.s32 @!p0 $0xFFFFF086;
	s6 =	sadd.s32 @!p0 s3, s7;
	s7 =	simm.s32 @!p0 $0x108  }
0x21: {  	s3 =	sadd.s32 s3, s9;
	s6 =	sadd.s32 @!p0 $0x88, s6;
	s7 =	simm.s32 @p2 $0x1082  }
0x22: {  	[simem:s7], [sflag:s8] =	dma.local @!p0 [hbm:s6], $0xF7A  }
0x23: {  	s9 =	sor.u32 $0xD0000000, s2;
	s6 =	simm.s32 $0x108;
	_ =	swait.ge @!p0 [sflag:s8], $0x0  }
0x24: {  	s3 =	sadd.s32 $0x88, s3;
	s6 =	simm.s32 @!p1 $0x1082;
	[sflag:s4] =	ssyncset.s32 $0xFFFFF086  }
0x25: {  	[simem:s6], [sflag:s4] =	dma.local [hbm:s3], $0xF7A  }
0x26: {  	[smem:$0x3F94] =	sst s1;
	(tag) =	ssettag s2;
	_ =	strace s9  }
0x27: {  	s1 =	sld [smem:$0x3FA4]  }
0x28: {  	s2 =	sld [smem:$0x3FA5]  }
0x29: {  	s4 =	sld [smem:$0x3FA7]  }
0x2a: {  	p0 =	seq.s32 s5, $0x0;
	s5 =	sld [smem:$0x3FA8]  }
0x2b: {  	s6 =	sld [smem:$0x3FA9]  }
0x2c: {  	s7 =	sld [smem:$0x3FAA]  }
0x2d: {  	s3 =	simm.s32 $0x108;
	s8 =	sld [smem:$0x3FAB]  }
0x2e: {  	s3 =	simm.s32 @!p0 $0x1082;
	s9 =	sld [smem:$0x3FAC]  }
0x2f: {  	lr =	sadd.s32 s0, s3;
	s0 =	sld [smem:$0x3FA3]  }
0x30: {  	s3 =	sld [smem:$0x3FA6]  }
0x31: {  	[smem:$0x3FAF] =	sst s10  }
0x32: {  	s10 =	sld [smem:$0x3FAD];
	_ =	sdelay $0x3  }
0x33: {  	p0 =	seq.s32 s10, $0x1;
	s10 =	sld [smem:$0x3FAF];
	_ =	sdelay $0x3  }
0x34: {  	[smem:$0x3FAF] =	sst s10  }
0x35: {  	s10 =	sld [smem:$0x3FAE];
	_ =	sdelay $0x3  }
0x36: {  	p1 =	seq.s32 s10, $0x1;
	s10 =	sld [smem:$0x3FAF];
	_ =	sdelay $0x3  }
0x37: {  	[smem:$0x3FAF] =	sst s10  }
0x38: {  	s10 =	sld [smem:$0x3FB0]  }
0x39: {  	_ = 	snop;
	(pc) =	sbr.ind lr, $3  }
0x3a: {  	_ = 	snop  }
0x3b: {  	_ = 	snop  }
0x3c: {  	p2 =	seq.s32 s10, $0x1;
	s10 =	sld [smem:$0x3FAF]  }
0x3d: {  	_ =	shalt  }
0x3e: {  	_ =	shalt  }
0x3f: {  	_ =	shalt  }
0x40: {  	_ =	shalt  }
0x41: {  	_ =	shalt  }
0x42: {  	_ =	shalt  }
0x43: {  	_ =	shalt  }
0x44: {  	_ =	shalt  }
0x45: {  	_ =	shalt  }
0x46: {  	_ =	shalt  }
0x47: {  	_ =	shalt  }
0x48: {  	_ =	shalt  }
0x49: {  	_ =	shalt  }
0x4a: {  	_ =	shalt  }
0x4b: {  	_ =	shalt  }
0x4c: {  	_ =	shalt  }
0x4d: {  	_ =	shalt  }
0x4e: {  	_ =	shalt  }
0x4f: {  	_ =	shalt  }
0x50: {  	_ =	shalt  }
0x51: {  	_ =	shalt  }
0x52: {  	_ =	shalt  }
0x53: {  	_ =	shalt  }
0x54: {  	_ =	shalt  }
0x55: {  	_ =	shalt  }
0x56: {  	_ =	shalt  }
0x57: {  	_ =	shalt  }
0x58: {  	_ =	shalt  }
0x59: {  	_ =	shalt  }
0x5a: {  	_ =	shalt  }
0x5b: {  	_ =	shalt  }
0x5c: {  	_ =	shalt  }
0x5d: {  	_ =	shalt  }
0x5e: {  	_ =	shalt  }
0x5f: {  	_ =	shalt  }
0x60: {  	_ =	shalt  }
0x61: {  	_ =	shalt  }
0x62: {  	_ =	shalt  }
0x63: {  	_ =	shalt  }
0x64: {  	_ =	shalt  }
0x65: {  	_ =	shalt  }
0x66: {  	_ =	shalt  }
0x67: {  	_ =	shalt  }
0x68: {  	_ =	shalt  }
0x69: {  	_ =	shalt  }
0x6a: {  	_ =	shalt  }
0x6b: {  	_ =	shalt  }
0x6c: {  	_ =	shalt  }
0x6d: {  	_ =	shalt  }
0x6e: {  	_ =	shalt  }
0x6f: {  	_ =	shalt  }
0x70: {  	_ =	shalt  }
0x71: {  	_ =	shalt  }
0x72: {  	_ =	shalt  }
0x73: {  	_ =	shalt  }
0x74: {  	_ =	shalt  }
0x75: {  	_ =	shalt  }
0x76: {  	_ =	shalt  }
0x77: {  	_ =	shalt  }
0x78: {  	_ =	shalt  }
0x79: {  	_ =	shalt  }
0x7a: {  	_ =	shalt  }
0x7b: {  	_ =	shalt  }
0x7c: {  	_ =	shalt  }
0x7d: {  	_ =	shalt  }
0x7e: {  	_ =	shalt  }
0x7f: {  	_ =	shalt  }
0x80: {  	_ =	shalt  }
0x81: {  	_ =	shalt  }
0x82: {  	_ =	shalt  }
0x83: {  	_ =	shalt  }
0x84: {  	_ =	shalt  }
0x85: {  	_ =	shalt  }
0x86: {  	_ =	shalt  }
0x87: {  	_ =	shalt  }
.Lfunc_end0:
.L_simem_size_0:
called_computation_lowered:
.L_overlay_start_0:
0x88: {  	s2 =	sld [smem:$0x3FD9]  }
0x89: {  	s3 =	sld [smem:$0x3FFE];
	_ =	sdelay $0x1  }
0x8a: {  	s1 =	srdreg.scid  }
0x8b: {  	s0 =	sand.u32 $0x1, s1  }
0x8c: {  	s17 =	sshll.u32 s0, $0xA;
	s2 =	sadd.s32 s3, s2  }
0x8d: {  	s2 =	sadd.s32 s2, s17  }
0x8e: {  	[smem:$0x3FBB] =	sst s2  }
0x8f: {  	_ = 	snop  }
0x90: {  	s2 =	sld [smem:$0x3FC9];
	(tm) =	ssettm $0x1  }
0x91: {  	s18 =	sld [smem:$0x3FFB];
	_ =	sdelay $0x3  }
0x92: {  	_ =	strace s18  }
0x93: {  	s3 =	sld [smem:$0x3FFC];
	_ =	sdelay $0x3  }
0x94: {  	_ =	strace s3  }
0x95: {  	s3 =	sld [smem:$0x3FFD];
	_ =	sdelay $0x3  }
0x96: {  	_ =	strace s3  }
0x97: {  	_ =	strace $0x8FFFFFFF  }
0x98: {  	s19 =	sld [smem:$0x3FDB];
	_ =	sdelay $0x1  }
0x99: {  	s4 =	simm.s32 $_scs_section_size  }
0x9a: {  	s5 =	simm.s32 $_size__tile_overlayer_lowered;
	s6 =	simm.s32 $_tile_overlayer_lowered  }
0x9b: {  	s22 =	simm.s32 $0x1BFF;
	s21 =	sshll.u32 s6, $0x1;
	s3 =	sadd.s32 s4, s19  }
0x9c: {  	s7 =	simm.s32 $0x0;
	s20 =	sshll.u32 s5, $0x1;
	s5 =	sadd.s32 s21, s3  }
0x9d: {  	[timem:s7], [sflag:s22] =	dma.local [hbm:s5], s20  }
0x9e: {  	_ =	swait.ge [sflag:s22], s20  }
0x9f: {  	s4 =	ssub.s32 $0x0, s20;
	[sflag:s22] =	ssyncset.done $0x0  }
0xa0: {  	[sflag:s22] =	ssyncadd.s32 s4;
	_ =	sdelay $0x1  }
0xa1: {  	s23 =	simm.s32 $0x1B8B  }
0xa2: {  	_ =	swait.ge [sflag:s23], $0x1  }
0xa3: {  	[sflag:s23] =	ssyncset.done $0x0  }
0xa4: {  	s25 =	simm.s32 $0x1B8E;
	s24 =	sld [smem:$0x3FFE];
	[sflag:s23] =	ssyncadd.s32 $0xFFFFFFFF  }
0xa5: {  	s26 =	simm.s32 $execute0_lowered;
	[smem:$0x3FD2] =	sst s25  }
0xa6: {  	s5 =	sshll.u32 s26, $0x1;
	_ =	strace $0x80000046;
	[dreg:$0x1] =	wrdreg $0xFFFFFFFF  }
0xa7: {  	s28 =	simm.s32 $_size_execute0_lowered;
	s3 =	sadd.s32 s3, s5;
	[dreg:$0x0] =	wrdreg $0x0  }
0xa8: {  	s5 =	sshll.u32 s28, $0x1;
	[dreg:$0x2] =	wrdreg s3  }
0xa9: {  	[dreg:$0x3] =	wrdreg s5  }
0xaa: {  	[dreg:$0x4] =	wrdreg $0xC0  }
0xab: {  	_ =	task [dreg:s7], $0x5FFFF  }
0xac: {  	[dreg:$0x1] =	wrdreg $0xFFFFFFFF  }
0xad: {  	[dreg:$0x0] =	wrdreg $0x60  }
0xae: {  	[dreg:$0x2] =	wrdreg s24  }
0xaf: {  	[dreg:$0x3] =	wrdreg s2  }
0xb0: {  	[dreg:$0x4] =	wrdreg $0x0  }
0xb1: {  	[dreg:$0x5] =	wrdreg $0x9  }
0xb2: {  	_ =	task.clear_ibuf [dreg:s7], $0x6FFFF;
	_ =	strace $0x90000046  }
0xb3: {  	s29 =	simm.s32 $0x9;
	_ =	strace $0x80000048  }
0xb4: {  	_ =	swait.ge [sflag:s29], $0x1  }
0xb5: {  	[sflag:s29] =	ssyncadd.s32 $0xFFFFFFFF  }
0xb6: {  	_ =	strace $0x90000048  }
0xb7: {  	_ =	sfence  }
0xb8: {  	s30 =	sld [smem:$0x0];
	_ =	sdelay $0x2  }
0xb9: {  	s31 =	sshll.u32 s1, $0xD;
	s1 =	sshrl.u32 s1, $0x2  }
0xba: {  	s3 =	sand.u32 $0x4000, s31;
	s1 =	sadd.s32 s1, s30  }
0xbb: {  	s0 =	sor.u32 s3, s0;
	s1 =	sshll.u32 s1, $0x11  }
0xbc: {  	s0 =	sor.u32 s1, s0  }
0xbd: {  	s0 =	sadd.s32 $0x8F2B, s0  }
0xbe: {  	[sflag:s0] =	ssyncadd.remote.s32 $0x1  }
0xbf: {  	_ =	sfence.sel $0xFFFF  }
0xc0: {  	[dreg:$0x0] =	wrdreg $0xFFFFFFFF;
	(pc) =	sbr.abs _section_cstart, $3  }
0xc1: {  	[dreg:$0x1] =	wrdreg $0xFFFFFFFF  }
0xc2: {  	_ =	task.clear_ibuf [dreg:s7], $0x2FFFF;
	_ =	strace $0x9FFFFFFF  }
0xc3: {  	(tm) =	ssettm $0x7FFFFFFF  }
tec
execute0_lowered:
.L_overlay_start_1:
0x0: {  	(tag) =	ssettag $0x1  }
0x1: {  	s5 =	rddreg [dreg:$0x0]  }
0x2: {  	s1 =	rddreg [dreg:$0x1]  }
0x3: {  	s0 =	srdreg.scid;
	s3 =	rddreg [dreg:$0x2]  }
0x4: {  	s2 =	rddreg [dreg:$0x3];
	s4 =	simm.s32 $0x0;
	s13 =	simm.s32 $0x14000  }
0x5: {  	s14 =	simm.s32 $0x14100;
	s15 =	simm.s32 $0x80;
	s6 =	sand.u32 $0x1, s0  }
0x6: {  	s16 =	simm.s32 $0x14200;
	s17 =	simm.s32 $0x14080;
	s7 =	smul.u32 $0x7C00, s6  }
0x7: {  	s18 =	simm.s32 $0x18200;
	s19 =	simm.s32 $0x1;
	s8 =	smul.u32 $0x140000, s6  }
0x8: {  	s20 =	simm.s32 $0x1CA00;
	s0 =	stileid.u32;
	s9 =	smul.u32 $0x28000, s6  }
0x9: {  	s21 =	simm.s32 $0x14180;
	s22 =	simm.s32 $0x400;
	s11 =	smul.u32 $0x14000, s0  }
0xa: {  	[smem:$0x7FF] =	sst s4;
	s10 =	sshrl.u32 s0, $0x3;
	s28 =	smul.u32 $0x50000, s0  }
0xb: {  	s12 =	sshll.u32 s0, $0x7;
	_ =	strace $0x80000047;
	s30 =	smul.u32 $0x7C0, s0  }
0xc: {  	s29 =	ssub.s32 $0x2, s6;
	s10 =	smul.u32 $0x14000, s10;
	s23 =	sand.u32 $0x380, s12  }
0xd: {  	s6 =	sshrl.u32 s29, $0x1;
	s12 =	simm.s32 $0x2;
	s24 =	sadd.s32 s7, s5  }
0xe: {  	s25 =	sadd.s32 s11, s8;
	s31 =	ssub.s32 s29, s6;
	s11 =	simm.s32 $0x1C200  }
0xf: {  	s9 =	sadd.s32 s9, s10;
	s7 =	sshrl.u32 s25, $0x3;
	s10 =	sadd.s32 s30, s24  }
0x10: {  	s26 =	sor.u32 s23, s9;
	s7 =	sadd.s32 s7, s5;
	s9 =	sshrl.u32 s28, $0x2  }
0x11: {  	s23 =	simm.s32 $0x0;
	s8 =	sshrl.u32 s26, $0x3;
	s6 =	sadd.s32 $0x21E00, s7  }
0x12: {  	s8 =	sadd.s32 s8, s5;
	s5 =	sadd.s32 s9, s3;
	s9 =	sadd.s32 $0x12600, s10  }
0x13: {  	v0 =	vimm.f32 $0.0e+00;
	v1 =	vimm.f32 $1.000000000e+00;
	s10 =	sadd.s32 $0x2E00, s10;
	s7 =	sadd.s32 $0x71E00, s8;
	s8 =	smax.u32 s31, $0x1  }
.LBB2_1:
0x14: {  	[tilespmem:$0x1C200] =	vst v0  }
0x15: {  	[tilespmem:$0x1C210] =	vst v0  }
0x16: {  	[tilespmem:$0x1C220] =	vst v0  }
0x17: {  	[tilespmem:$0x1C230] =	vst v0  }
0x18: {  	[tilespmem:$0x1C240] =	vst v0  }
0x19: {  	[tilespmem:$0x1C250] =	vst v0  }
0x1a: {  	[tilespmem:$0x1C260] =	vst v0  }
0x1b: {  	[tilespmem:$0x1C270] =	vst v0  }
0x1c: {  	[tilespmem:$0x1C280] =	vst v0  }
0x1d: {  	[tilespmem:$0x1C290] =	vst v0  }
0x1e: {  	[tilespmem:$0x1C2A0] =	vst v0  }
0x1f: {  	[tilespmem:$0x1C2B0] =	vst v0  }
0x20: {  	[tilespmem:$0x1C2C0] =	vst v0  }
0x21: {  	[tilespmem:$0x1C2D0] =	vst v0  }
0x22: {  	[tilespmem:$0x1C2E0] =	vst v0  }
0x23: {  	[tilespmem:$0x1C2F0] =	vst v0  }
0x24: {  	[tilespmem:$0x1C300] =	vst v0  }
0x25: {  	[tilespmem:$0x1C310] =	vst v0  }
0x26: {  	[tilespmem:$0x1C320] =	vst v0  }
0x27: {  	[tilespmem:$0x1C330] =	vst v0  }
0x28: {  	[tilespmem:$0x1C340] =	vst v0  }
0x29: {  	[tilespmem:$0x1C350] =	vst v0  }
0x2a: {  	[tilespmem:$0x1C360] =	vst v0  }
0x2b: {  	[tilespmem:$0x1C370] =	vst v0  }
0x2c: {  	[tilespmem:$0x1C380] =	vst v0  }
0x2d: {  	[tilespmem:$0x1C390] =	vst v0  }
0x2e: {  	[tilespmem:$0x1C3A0] =	vst v0  }
0x2f: {  	[tilespmem:$0x1C3B0] =	vst v0  }
0x30: {  	[tilespmem:$0x1C3C0] =	vst v0  }
0x31: {  	[tilespmem:$0x1C3D0] =	vst v0  }
0x32: {  	[tilespmem:$0x1C3E0] =	vst v0  }
0x33: {  	[tilespmem:$0x1C3F0] =	vst v0  }
0x34: {  	[tilespmem:$0x1C400] =	vst v0  }
0x35: {  	[tilespmem:$0x1C410] =	vst v0  }
0x36: {  	[tilespmem:$0x1C420] =	vst v0  }
0x37: {  	[tilespmem:$0x1C430] =	vst v0  }
0x38: {  	[tilespmem:$0x1C440] =	vst v0  }
0x39: {  	[tilespmem:$0x1C450] =	vst v0  }
0x3a: {  	[tilespmem:$0x1C460] =	vst v0  }
0x3b: {  	[tilespmem:$0x1C470] =	vst v0  }
0x3c: {  	[tilespmem:$0x1C480] =	vst v0  }
0x3d: {  	[tilespmem:$0x1C490] =	vst v0  }
0x3e: {  	[tilespmem:$0x1C4A0] =	vst v0  }
0x3f: {  	[tilespmem:$0x1C4B0] =	vst v0  }
0x40: {  	[tilespmem:$0x1C4C0] =	vst v0  }
0x41: {  	[tilespmem:$0x1C4D0] =	vst v0  }
0x42: {  	[tilespmem:$0x1C4E0] =	vst v0  }
0x43: {  	[tilespmem:$0x1C4F0] =	vst v0  }
0x44: {  	[tilespmem:$0x1C500] =	vst v0  }
0x45: {  	[tilespmem:$0x1C510] =	vst v0  }
0x46: {  	[tilespmem:$0x1C520] =	vst v0  }
0x47: {  	[tilespmem:$0x1C530] =	vst v0  }
0x48: {  	[tilespmem:$0x1C540] =	vst v0  }
0x49: {  	[tilespmem:$0x1C550] =	vst v0  }
0x4a: {  	[tilespmem:$0x1C560] =	vst v0  }
0x4b: {  	[tilespmem:$0x1C570] =	vst v0  }
0x4c: {  	[tilespmem:$0x1C580] =	vst v0  }
0x4d: {  	[tilespmem:$0x1C590] =	vst v0  }
0x4e: {  	[tilespmem:$0x1C5A0] =	vst v0  }
0x4f: {  	[tilespmem:$0x1C5B0] =	vst v0  }
0x50: {  	[tilespmem:$0x1C5C0] =	vst v0  }
0x51: {  	[tilespmem:$0x1C5D0] =	vst v0  }
0x52: {  	[tilespmem:$0x1C5E0] =	vst v0  }
0x53: {  	[tilespmem:$0x1C5F0] =	vst v0  }
0x54: {  	[tilespmem:$0x1C600] =	vst v0  }
0x55: {  	[tilespmem:$0x1C610] =	vst v0  }
0x56: {  	[tilespmem:$0x1C620] =	vst v0  }
0x57: {  	[tilespmem:$0x1C630] =	vst v0  }
0x58: {  	[tilespmem:$0x1C640] =	vst v0  }
0x59: {  	[tilespmem:$0x1C650] =	vst v0  }
0x5a: {  	[tilespmem:$0x1C660] =	vst v0  }
0x5b: {  	[tilespmem:$0x1C670] =	vst v0  }
0x5c: {  	[tilespmem:$0x1C680] =	vst v0  }
0x5d: {  	[tilespmem:$0x1C690] =	vst v0  }
0x5e: {  	[tilespmem:$0x1C6A0] =	vst v0  }
0x5f: {  	[tilespmem:$0x1C6B0] =	vst v0  }
0x60: {  	[tilespmem:$0x1C6C0] =	vst v0  }
0x61: {  	[tilespmem:$0x1C6D0] =	vst v0  }
0x62: {  	[tilespmem:$0x1C6E0] =	vst v0  }
0x63: {  	[tilespmem:$0x1C6F0] =	vst v0  }
0x64: {  	[tilespmem:$0x1C700] =	vst v0  }
0x65: {  	[tilespmem:$0x1C710] =	vst v0  }
0x66: {  	[tilespmem:$0x1C720] =	vst v0  }
0x67: {  	[tilespmem:$0x1C730] =	vst v0  }
0x68: {  	[tilespmem:$0x1C740] =	vst v0  }
0x69: {  	[tilespmem:$0x1C750] =	vst v0  }
0x6a: {  	[tilespmem:$0x1C760] =	vst v0  }
0x6b: {  	[tilespmem:$0x1C770] =	vst v0  }
0x6c: {  	[tilespmem:$0x1C780] =	vst v0  }
0x6d: {  	[tilespmem:$0x1C790] =	vst v0  }
0x6e: {  	[tilespmem:$0x1C7A0] =	vst v0  }
0x6f: {  	[tilespmem:$0x1C7B0] =	vst v0  }
0x70: {  	[tilespmem:$0x1C7C0] =	vst v0  }
0x71: {  	[tilespmem:$0x1C7D0] =	vst v0  }
0x72: {  	[tilespmem:$0x1C7E0] =	vst v0  }
0x73: {  	[tilespmem:$0x1C7F0] =	vst v0  }
0x74: {  	[tilespmem:$0x1C800] =	vst v0  }
0x75: {  	[tilespmem:$0x1C810] =	vst v0  }
0x76: {  	[tilespmem:$0x1C820] =	vst v0  }
0x77: {  	[tilespmem:$0x1C830] =	vst v0  }
0x78: {  	[tilespmem:$0x1C840] =	vst v0  }
0x79: {  	[tilespmem:$0x1C850] =	vst v0  }
0x7a: {  	[tilespmem:$0x1C860] =	vst v0  }
0x7b: {  	[tilespmem:$0x1C870] =	vst v0  }
0x7c: {  	[tilespmem:$0x1C880] =	vst v0  }
0x7d: {  	[tilespmem:$0x1C890] =	vst v0  }
0x7e: {  	[tilespmem:$0x1C8A0] =	vst v0  }
0x7f: {  	[tilespmem:$0x1C8B0] =	vst v0  }
0x80: {  	[tilespmem:$0x1C8C0] =	vst v0  }
0x81: {  	[tilespmem:$0x1C8D0] =	vst v0  }
0x82: {  	[tilespmem:$0x1C8E0] =	vst v0  }
0x83: {  	[tilespmem:$0x1C8F0] =	vst v0  }
0x84: {  	[tilespmem:$0x1C900] =	vst v0  }
0x85: {  	[tilespmem:$0x1C910] =	vst v0  }
0x86: {  	[tilespmem:$0x1C920] =	vst v0  }
0x87: {  	[tilespmem:$0x1C930] =	vst v0  }
0x88: {  	[tilespmem:$0x1C940] =	vst v0  }
0x89: {  	[tilespmem:$0x1C950] =	vst v0  }
0x8a: {  	[tilespmem:$0x1C960] =	vst v0  }
0x8b: {  	[tilespmem:$0x1C970] =	vst v0  }
0x8c: {  	[tilespmem:$0x1C980] =	vst v0  }
0x8d: {  	[tilespmem:$0x1C990] =	vst v0  }
0x8e: {  	[tilespmem:$0x1C9A0] =	vst v0  }
0x8f: {  	[tilespmem:$0x1C9B0] =	vst v0  }
0x90: {  	[tilespmem:$0x1C9C0] =	vst v0  }
0x91: {  	[tilespmem:$0x1C9D0] =	vst v0  }
0x92: {  	[tilespmem:$0x1C9E0] =	vst v0  }
0x93: {  	[tilespmem:$0x1C9F0] =	vst v0;
	s24 =	simm.s32 $0x0  }
.LBB2_2:
0x94: {  	p0 =	sne.s32 s24, $0x9FC0  }
.Ltmp0:
0x95: {  	_ = 	snop;
	(pc) =	sbr.rel @p0 .LBB2_2-.Ltmp0, $3  }
0x96: {  	_ =	sdelay $0x1  }
0x97: {  	s25 =	sshra.s32 s24, $0x2  }
0x98: {  	s24 =	sadd.s32 $0x40, s24;
	[tilespmem:s25+$0x1CA00] =	vst v0  }
0x99: {  	s24 =	sadd.s32 $0x0, s5  }
0x9a: {  	[spmem:s24] =	stream.linear.scatter [tilespmem:s11], [sflag:$0x2], $0x800, $0x38;
	[tilespmem:$0x1F200] =	vst v63  }
0x9b: {  	s24 =	simm.s32 $0x2000;
	_ =	swait.ge [sflag:s12], $0x800  }
.LBB2_4:
0x9c: {  	s25 =	sshra.s32 s24, $0x2;
	[sflag:s12] =	ssyncset.done $0x0;
	p0 =	sne.s32 s24, $0x4E000  }
.Ltmp1:
0x9d: {  	s25 =	sadd.s32 s25, s5;
	[sflag:s12] =	ssyncadd.s32 $0xFFFFF800;
	(pc) =	sbr.rel @p0 .LBB2_4-.Ltmp1, $3  }
0x9e: {  	[spmem:s25] =	stream.linear.scatter [tilespmem:s11], [sflag:$0x2], $0x800, $0x38;
	[tilespmem:$0x1F200] =	vst v63  }
0x9f: {  	s24 =	sadd.s32 $0x2000, s24;
	_ =	sdelay $0x1  }
0xa0: {  	_ =	swait.ge [sflag:s12], $0x800  }
0xa1: {  	[sflag:s12] =	ssyncset.done $0x0  }
0xa2: {  	[sflag:s12] =	ssyncadd.s32 $0xFFFFF800  }
0xa3: {  	s24 =	simm.s32 $0x0;
	[bflag:$0x0] =	sbarrier.arrive $0xFFFF  }
.LBB2_6:
0xa4: {  	s25 =	sadd.s32 s24, s9  }
0xa5: {  	[tilespmem:s13], [sflag:$0x2] =	stream.linear.gather [hbm4b:s25+s4], $0x100, $0x38;
	[tilespmem:$0x1F200] =	vst v63  }
0xa6: {  	_ =	swait.ge [sflag:s12], $0x100  }
0xa7: {  	[sflag:s12] =	ssyncset.done $0x0  }
0xa8: {  	s31 =	sadd.s32 s24, s10;
	[sflag:s12] =	ssyncadd.s32 $0xFFFFFF00  }
0xa9: {  	[tilespmem:s14], [sflag:$0x2] =	stream.linear.gather [hbm4b:s31+s4], $0x100, $0x38;
	[tilespmem:$0x1F200] =	vst v63  }
0xaa: {  	_ =	swait.ge [sflag:s12], $0x100  }
0xab: {  	[sflag:s12] =	ssyncset.done $0x0  }
0xac: {  	[sflag:s12] =	ssyncadd.s32 $0xFFFFFF00  }
0xad: {  	[tilespmem:s16], [sflag:$0x1] =	stream.indirect.gather [hbm4b:s1+s15], $0x80, s13, s15, $0xb8;
	[tilespmem:$0x1F200] =	vst v63  }
0xae: {  	_ = 	snop  }
0xaf: {  	[tilespmem:s18], [sflag:$0x1] =	stream.indirect.gather [hbm4b:s1+s15], $0x80, s17, s15, $0xb8;
	[tilespmem:$0x1F200] =	vst v63  }
0xb0: {  	_ =	swait.ge [sflag:s19], $0x4000  }
0xb1: {  	[sflag:s19] =	ssyncset.done $0x0  }
0xb2: {  	[sflag:s19] =	ssyncadd.s32 $0xFFFFC000  }
0xb3: {  	_ =	swait.ge [sflag:s19], $0x4000  }
0xb4: {  	[sflag:s19] =	ssyncset.done $0x0  }
0xb5: {  	[sflag:s19] =	ssyncadd.s32 $0xFFFFC000  }
0xb6: {  	[spmem:s3] =	stream.indirect.scatter.add.f32 [tilespmem:s16], [sflag:$0x2], $0x80, s14, s15, $0xb8;
	[tilespmem:$0x1F200] =	vst v63  }
0xb7: {  	_ =	swait.ge [sflag:s12], $0x4000  }
0xb8: {  	[sflag:s12] =	ssyncset.done $0x0  }
0xb9: {  	[sflag:s12] =	ssyncadd.s32 $0xFFFFC000  }
0xba: {  	v2 =	vld [tilespmem:$0x14100];
	_ =	sdelay $0x7  }
0xbb: {  	[tilespmem:v2+s20+$0x0] =	vst.idx.add.f32.msk $0xffff, v1  }
0xbc: {  	v2 =	vld [tilespmem:$0x14110];
	_ =	sdelay $0x7  }
0xbd: {  	[tilespmem:v2+s20+$0x0] =	vst.idx.add.f32.msk $0xffff, v1  }
0xbe: {  	v2 =	vld [tilespmem:$0x14120];
	_ =	sdelay $0x7  }
0xbf: {  	[tilespmem:v2+s20+$0x0] =	vst.idx.add.f32.msk $0xffff, v1  }
0xc0: {  	v2 =	vld [tilespmem:$0x14130];
	_ =	sdelay $0x7  }
0xc1: {  	[tilespmem:v2+s20+$0x0] =	vst.idx.add.f32.msk $0xffff, v1  }
0xc2: {  	v2 =	vld [tilespmem:$0x14140];
	_ =	sdelay $0x7  }
0xc3: {  	[tilespmem:v2+s20+$0x0] =	vst.idx.add.f32.msk $0xffff, v1  }
0xc4: {  	v2 =	vld [tilespmem:$0x14150];
	_ =	sdelay $0x7  }
0xc5: {  	[tilespmem:v2+s20+$0x0] =	vst.idx.add.f32.msk $0xffff, v1  }
0xc6: {  	v2 =	vld [tilespmem:$0x14160];
	_ =	sdelay $0x7  }
0xc7: {  	[tilespmem:v2+s20+$0x0] =	vst.idx.add.f32.msk $0xffff, v1  }
0xc8: {  	v2 =	vld [tilespmem:$0x14170];
	_ =	sdelay $0x7  }
0xc9: {  	[tilespmem:v2+s20+$0x0] =	vst.idx.add.f32.msk $0xffff, v1  }
0xca: {  	[spmem:s3] =	stream.indirect.scatter.add.f32 [tilespmem:s18], [sflag:$0x2], $0x80, s21, s15, $0xb8;
	[tilespmem:$0x1F200] =	vst v63  }
0xcb: {  	_ =	swait.ge [sflag:s12], $0x4000  }
0xcc: {  	[sflag:s12] =	ssyncset.done $0x0  }
0xcd: {  	[sflag:s12] =	ssyncadd.s32 $0xFFFFC000  }
0xce: {  	v2 =	vld [tilespmem:$0x14180];
	_ =	sdelay $0x7  }
0xcf: {  	[tilespmem:v2+s20+$0x0] =	vst.idx.add.f32.msk $0xffff, v1  }
0xd0: {  	v2 =	vld [tilespmem:$0x14190];
	_ =	sdelay $0x7  }
0xd1: {  	[tilespmem:v2+s20+$0x0] =	vst.idx.add.f32.msk $0xffff, v1  }
0xd2: {  	v2 =	vld [tilespmem:$0x141A0];
	_ =	sdelay $0x7  }
0xd3: {  	[tilespmem:v2+s20+$0x0] =	vst.idx.add.f32.msk $0xffff, v1  }
0xd4: {  	v2 =	vld [tilespmem:$0x141B0];
	_ =	sdelay $0x7  }
0xd5: {  	[tilespmem:v2+s20+$0x0] =	vst.idx.add.f32.msk $0xffff, v1  }
0xd6: {  	v2 =	vld [tilespmem:$0x141C0];
	_ =	sdelay $0x7  }
0xd7: {  	[tilespmem:v2+s20+$0x0] =	vst.idx.add.f32.msk $0xffff, v1  }
0xd8: {  	v2 =	vld [tilespmem:$0x141D0];
	_ =	sdelay $0x7  }
0xd9: {  	[tilespmem:v2+s20+$0x0] =	vst.idx.add.f32.msk $0xffff, v1  }
0xda: {  	v2 =	vld [tilespmem:$0x141E0];
	_ =	sdelay $0x7  }
0xdb: {  	[tilespmem:v2+s20+$0x0] =	vst.idx.add.f32.msk $0xffff, v1  }
0xdc: {  	v2 =	vld [tilespmem:$0x141F0];
	_ =	sdelay $0x2  }
0xdd: {  	p0 =	sne.s32 s24, $0x7A0  }
.Ltmp2:
0xde: {  	_ = 	snop;
	(pc) =	sbr.rel @p0 .LBB2_6-.Ltmp2, $2  }
0xdf: {  	_ =	sdelay $0x2  }
0xe0: {  	s24 =	sadd.s32 $0x20, s24;
	[tilespmem:v2+s20+$0x0] =	vst.idx.add.f32.msk $0xffff, v1  }
0xe1: {  	s24 =	sshll.u32 s0, $0x6  }
0xe2: {  	[bflag:$0x0] =	sbarrier.arrive $0xFFFF;
	s25 =	sshrl.u32 s5, $0x3;
	s24 =	sor.u32 $0x1C02, s24  }
0xe3: {  	[hbm:s6], [sflag:s24] =	dma.local [spmem:s25], $0x2800  }
0xe4: {  	s23 =	sadd.s32 $0x1, s23;
	_ =	swait.ge [sflag:s12], $0x2800  }
0xe5: {  	p0 =	sne.s32 s23, s8;
	[sflag:s12] =	ssyncset.done $0x0  }
.Ltmp3:
0xe6: {  	[sflag:s12] =	ssyncadd.s32 $0xFFFFD800;
	(pc) =	sbr.rel @p0 .LBB2_1-.Ltmp3, $4  }
0xe7: {  	[hbm4b:s7+s15] =	stream.strided.scatter [tilespmem:s20], [sflag:$0x2], $0x2800, s22, s15, $0x38;
	[tilespmem:$0x1F200] =	vst v63  }
0xe8: {  	_ =	swait.ge [sflag:s12], $0x2800  }
0xe9: {  	[sflag:s12] =	ssyncset.done $0x0  }
0xea: {  	[sflag:s12] =	ssyncadd.s32 $0xFFFFD800  }
0xeb: {  	_ =	sfence.sel $0x180000  }
0xec: {  	[bflag:$0x0] =	sbarrier.arrive $0xFFFF  }
0xed: {  	p0 =	sne.s32 s0, $0x0;
	_ =	strace $0x90000047  }
0xee: {  	s0 =	sadd.s32 @!p0 $0x100000, s2;
	[bflag:$0x2] =	sbarrier.arrive $0xFFFF  }
0xef: {  	[sflag:s0] =	ssyncadd.tile.s32 @!p0 $0x1;
	_ =	shalt  }
.Lfunc_end2:
_tile_overlayer_lowered:
.L_overlay_start_2:
0xf0: {  	(tag) =	ssettag $0x2  }
0xf1: {  	s0 =	rddreg [dreg:$0x0];
	s2 =	stileid.u32  }
0xf2: {  	s1 =	rddreg [dreg:$0x1];
	p0 =	sne.s32 s2, $0x0  }
0xf3: {  	s3 =	rddreg [dreg:$0x2];
	[bflag:$0x3] =	sbarrier.arrive $0xFFFF;
	s2 =	simm.s32 @!p0 $0x1C02  }
0xf4: {  	[timem:s3], [sflag:s2] =	dma.local @!p0 [hbm:s0], s1  }
0xf5: {  	s0 =	simm.s32 @!p0 $0x2  }
0xf6: {  	_ =	swait.ge @!p0 [sflag:s0], s1  }
0xf7: {  	s1 =	ssub.s32 @!p0 $0x0, s1;
	[sflag:s0] =	ssyncset.done @!p0 $0x0  }
0xf8: {  	[sflag:s0] =	ssyncadd.s32 @!p0 s1  }
0xf9: {  	[bflag:$0x3] =	sbarrier.arrive $0xFFFF  }
0xfa: {  	_ =	shalt  }

</sc_bundles>
